<compile_context>
chip_gen: v7x
topology: tpu7x:2x2x1
jax: 0.10.2.dev20260603
libtpu: 0.0.44.dev20260713+nightly
codegen_flags: <defaults>
</compile_context>

<pallas_src>
import functools

import jax
import jax.numpy as jnp
from jax import lax
from jax.experimental import pallas as pl
from jax.experimental.pallas import tpu as pltpu
from jax.experimental.pallas import tpu_sc as plsc

N = 10000
E = 320000
F = 128
H = 128
DI = 256
DS = 16
DC = 4
DTR = 8
NS = 10000
NLC = 8

NC = 2
NSUB = 16
NW = NC * NSUB
EB = 100
ER = E // EB
RPW = ER // NW
PH = 2
RPP = RPW // PH
RPS = N // NSUB

BLK = 1000
GN = N // BLK
CH = 200
GC = N // CH


def _sc_mesh():
    return plsc.VectorSubcoreMesh(
        core_axis_name="c", subcore_axis_name="s",
        num_cores=NC, num_subcores=NSUB)


NFC = N // 128
NTAIL = N - NFC * 128
ZB = 120
NZC = N // ZB
ZTAIL = N - NZC * ZB


def _sc_degree(dst2d):

    @functools.partial(
        pl.kernel,
        out_type=jax.ShapeDtypeStruct((NC, N, 16), jnp.float32),
        mesh=_sc_mesh(),
        scratch_types=[
            pltpu.VMEM((RPW, EB), jnp.int32),
            pltpu.VMEM((EB, 16), jnp.float32),
            pltpu.VMEM((128, 16), jnp.float32),
            pltpu.VMEM_SHARED((N, 16), jnp.float32),
            pltpu.SemaphoreType.DMA,
        ],
    )
    def k(dst_hbm, out_hbm, didx, ones_v, zbuf, hist_sh, sem):
        c = lax.axis_index("c")
        s = lax.axis_index("s")
        w = s * NC + c

        def fill_ones(i, _):
            ones_v[i, :] = jnp.ones((16,), jnp.float32)
            return 0

        lax.fori_loop(0, EB, fill_ones, 0)

        def fill_zero(i, _):
            zbuf[i, :] = jnp.zeros((16,), jnp.float32)
            return 0

        lax.fori_loop(0, 128, fill_zero, 0)

        def zero_slab(kk, _):
            i = s + NSUB * kk

            @pl.when(i < NFC)
            def _():
                pltpu.sync_copy(zbuf, hist_sh.at[pl.ds(i * 128, 128)])

            return 0

        lax.fori_loop(0, NFC // NSUB + 1, zero_slab, 0)

        @pl.when(s == 0)
        def _():
            pltpu.sync_copy(zbuf.at[pl.ds(0, NTAIL)],
                            hist_sh.at[pl.ds(NFC * 128, NTAIL)])

        plsc.subcore_barrier()

        pltpu.sync_copy(dst_hbm.at[w], didx)

        def body(j, _):
            pltpu.sync_copy(ones_v, hist_sh.at[didx.at[j]], add=True)
            return 0

        lax.fori_loop(0, RPW, body, 0)
        plsc.subcore_barrier()

        def out_slab(kk, _):
            i = s + NSUB * kk

            @pl.when(i < NFC)
            def _():
                pltpu.sync_copy(hist_sh.at[pl.ds(i * 128, 128)], zbuf)
                pltpu.sync_copy(zbuf, out_hbm.at[c, pl.ds(i * 128, 128)])

            return 0

        lax.fori_loop(0, NFC // NSUB + 1, out_slab, 0)

        @pl.when(s == 0)
        def _():
            pltpu.sync_copy(hist_sh.at[pl.ds(NFC * 128, NTAIL)],
                            zbuf.at[pl.ds(0, NTAIL)])
            pltpu.sync_copy(zbuf.at[pl.ds(0, NTAIL)],
                            out_hbm.at[c, pl.ds(NFC * 128, NTAIL)])

    return k(dst2d)


def _sc_scatter(u, src2d, dst2d):

    @functools.partial(
        pl.kernel,
        out_type=jax.ShapeDtypeStruct((NC, N, H), jnp.float32),
        mesh=_sc_mesh(),
        scratch_types=[
            pltpu.VMEM((RPP, EB), jnp.int32),
            pltpu.VMEM((RPP, EB), jnp.int32),
            pltpu.VMEM((EB, H), jnp.float32),
            pltpu.VMEM((EB, H), jnp.float32),
            pltpu.VMEM_SHARED((N, H), jnp.float32),
            pltpu.SemaphoreType.DMA,
            pltpu.SemaphoreType.DMA,
        ],
    )
    def k(u_hbm, src_hbm, dst_hbm, out_hbm, sidx, didx, rows, rows1, acc_sh,
          sem, sem1):
        c = lax.axis_index("c")
        s = lax.axis_index("s")
        w = s * NC + c

        def zero_row(i, _):
            def zero_chunk(kk, _2):
                rows[i, pl.ds(kk * 16, 16)] = jnp.zeros((16,), jnp.float32)
                return 0

            lax.fori_loop(0, H // 16, zero_chunk, 0)
            return 0

        lax.fori_loop(0, EB, zero_row, 0)

        def zero_slab(kk, _):
            i = s + NSUB * kk

            @pl.when(i < NZC)
            def _():
                pltpu.sync_copy(rows.at[pl.ds(0, ZB)],
                                acc_sh.at[pl.ds(i * ZB, ZB)])

            return 0

        lax.fori_loop(0, NZC // NSUB + 1, zero_slab, 0)

        @pl.when(s == 0)
        def _():
            pltpu.sync_copy(rows.at[pl.ds(0, ZTAIL)],
                            acc_sh.at[pl.ds(NZC * ZB, ZTAIL)])

        plsc.subcore_barrier()

        for p in range(PH):
            pltpu.sync_copy(src_hbm.at[w, p], sidx)
            pltpu.sync_copy(dst_hbm.at[w, p], didx)

            def body(kk, _):
                j = 2 * kk
                pltpu.async_copy(u_hbm.at[sidx.at[j]], rows, sem).wait()
                pltpu.sync_copy(rows, acc_sh.at[didx.at[j]], add=True)
                pltpu.async_copy(u_hbm.at[sidx.at[j + 1]], rows1,
                                 sem1).wait()
                pltpu.sync_copy(rows1, acc_sh.at[didx.at[j + 1]], add=True)
                return 0

            lax.fori_loop(0, RPP // 2, body, 0)
        plsc.subcore_barrier()

        def out_slab(kk, _):
            i = s + NSUB * kk

            @pl.when(i < NZC)
            def _():
                pltpu.sync_copy(acc_sh.at[pl.ds(i * ZB, ZB)],
                                rows.at[pl.ds(0, ZB)])
                pltpu.sync_copy(rows.at[pl.ds(0, ZB)],
                                out_hbm.at[c, pl.ds(i * ZB, ZB)])

            return 0

        lax.fori_loop(0, NZC // NSUB + 1, out_slab, 0)

        @pl.when(s == 0)
        def _():
            pltpu.sync_copy(acc_sh.at[pl.ds(NZC * ZB, ZTAIL)],
                            rows.at[pl.ds(0, ZTAIL)])
            pltpu.sync_copy(rows.at[pl.ds(0, ZTAIL)],
                            out_hbm.at[c, pl.ds(NZC * ZB, ZTAIL)])

    return k(u, src2d, dst2d)


def _tc_pre1(x, histparts, Wp, bp, W1):
    def body(x_ref, hp_ref, wp_ref, bp_ref, w1_ref, u1_ref, dinv_ref):
        p = hp_ref[...]
        deg = p[0, :, 0:1] + p[1, :, 0:1] + 1.0
        dinv = lax.rsqrt(deg)
        h0 = jnp.dot(x_ref[...], wp_ref[...],
                     preferred_element_type=jnp.float32) + bp_ref[...]
        h0 = jnp.maximum(h0, 0.0)
        t1 = jnp.dot(h0, w1_ref[...], preferred_element_type=jnp.float32)
        u1_ref[...] = t1 * dinv
        dinv_ref[...] = dinv

    return pl.pallas_call(
        body,
        grid=(GN,),
        in_specs=[
            pl.BlockSpec((BLK, F), lambda i: (i, 0)),
            pl.BlockSpec((NC, BLK, 16), lambda i: (0, i, 0)),
            pl.BlockSpec((F, H), lambda i: (0, 0)),
            pl.BlockSpec((1, H), lambda i: (0, 0)),
            pl.BlockSpec((H, H), lambda i: (0, 0)),
        ],
        out_specs=[
            pl.BlockSpec((BLK, H), lambda i: (i, 0)),
            pl.BlockSpec((BLK, 1), lambda i: (i, 0)),
        ],
        out_shape=[
            jax.ShapeDtypeStruct((N, H), jnp.float32),
            jax.ShapeDtypeStruct((N, 1), jnp.float32),
        ],
    )(x, histparts, Wp, bp, W1)


def _tc_mid(accparts, u1, dinv, b1, W2):
    def body(p_ref, u1_ref, dinv_ref, b1_ref, w2_ref, u2_ref):
        p = p_ref[...]
        dinv = dinv_ref[...]
        g1 = dinv * (p[0] + p[1] + u1_ref[...]) + b1_ref[...]
        g1 = jnp.maximum(g1, 0.0)
        u2_ref[...] = jnp.dot(
            g1, w2_ref[...], preferred_element_type=jnp.float32) * dinv

    return pl.pallas_call(
        body,
        grid=(GN,),
        in_specs=[
            pl.BlockSpec((NC, BLK, H), lambda i: (0, i, 0)),
            pl.BlockSpec((BLK, H), lambda i: (i, 0)),
            pl.BlockSpec((BLK, 1), lambda i: (i, 0)),
            pl.BlockSpec((1, H), lambda i: (0, 0)),
            pl.BlockSpec((H, H), lambda i: (0, 0)),
        ],
        out_specs=pl.BlockSpec((BLK, H), lambda i: (i, 0)),
        out_shape=jax.ShapeDtypeStruct((N, H), jnp.float32),
    )(accparts, u1, dinv, b1, W2)


def _tc_mamba(accparts, u2, dinv, b2, Win, convwT, cb, xpW, dtW, dtb,
              ATlog, D2, Wout, lng, lnb):

    def body(p_ref, pp_ref, u2_ref, u2p_ref, dinv_ref, dinvp_ref, b2_ref,
             win_ref, cwT_ref, cb_ref, xpw_ref, dtw_ref, dtb_ref, atl_ref,
             d_ref, wout_ref, lng_ref, lnb_ref, g_ref, dA_s, U_s, hst_s,
             h_s, gacc_s):
        pi = pl.program_id(0)
        p = p_ref[...]
        dinv = dinv_ref[...]
        hg = dinv * (p[0] + p[1] + u2_ref[...]) + b2_ref[...]
        hg = jnp.maximum(hg, 0.0)
        xz = jnp.dot(hg, win_ref[...], preferred_element_type=jnp.float32)
        xi = xz[:, :DI]
        z = xz[:, DI:]
        zs = z * jax.nn.sigmoid(z)

        pp = pp_ref[...]
        hgp = (dinvp_ref[CH - 8:, :]
               * (pp[0, CH - 8:, :] + pp[1, CH - 8:, :] + u2p_ref[CH - 8:, :])
               + b2_ref[...])
        hgp = jnp.maximum(hgp, 0.0)
        xip = jnp.dot(hgp, win_ref[:, :DI],
                      preferred_element_type=jnp.float32)
        xip3 = xip[8 - (DC - 1):, :]
        xip3 = jnp.where(pi == 0, 0.0, xip3)

        win = jnp.concatenate([xip3, xi], axis=0)
        cw = cwT_ref[...]
        xc = win[DC - 1:DC - 1 + CH] * cw[DC - 1:DC, :]
        for kk in range(DC - 1):
            xc = xc + win[kk:kk + CH] * cw[kk:kk + 1, :]
        xc = xc + cb_ref[...]
        xc = xc * jax.nn.sigmoid(xc)

        dbl = jnp.dot(xc, xpw_ref[...], preferred_element_type=jnp.float32)
        dtpre = jnp.dot(dbl[:, :DTR], dtw_ref[...],
                        preferred_element_type=jnp.float32) + dtb_ref[...]
        dt_b = jax.nn.softplus(dtpre)
        bm = dbl[:, DTR:DTR + DS]
        cm = dbl[:, DTR + DS:DTR + 2 * DS]

        AT = -jnp.exp(atl_ref[...])
        dA3 = jnp.exp(dt_b[:, None, :] * AT[None])
        U3 = bm[:, :, None] * (dt_b * xc)[:, None, :]
        dA4 = dA3.reshape(CH // 2, 2, DS, DI)
        U4 = U3.reshape(CH // 2, 2, DS, DI)
        a0 = dA4[:, 0]
        a1 = dA4[:, 1]
        u0 = U4[:, 0]
        u1 = U4[:, 1]
        dA_s[...] = a1 * a0
        U_s[...] = a1 * u0 + u1

        @pl.when(pi == 0)
        def _():
            h_s[...] = jnp.zeros((DS, DI), jnp.float32)
            gacc_s[...] = jnp.zeros((1, H), jnp.float32)

        h0 = h_s[...]

        def step(t, h):
            h2 = dA_s[t] * h + U_s[t]
            hst_s[t] = h2
            return h2

        h = lax.fori_loop(0, CH // 2, step, h0)
        h_s[...] = h

        hodd = hst_s[...]
        prev_odd = jnp.concatenate([h0[None], hodd[:CH // 2 - 1]], axis=0)
        h_even = a0 * prev_odd + u0
        cm4 = cm.reshape(CH // 2, 2, DS)
        Y_even = jnp.sum(h_even * cm4[:, 0][:, :, None], axis=1)
        Y_odd = jnp.sum(hodd * cm4[:, 1][:, :, None], axis=1)
        Y = jnp.concatenate([Y_even[:, None, :], Y_odd[:, None, :]],
                            axis=1).reshape(CH, DI)
        y = (Y + xc * d_ref[...]) * zs
        hm = jnp.dot(y, wout_ref[...], preferred_element_type=jnp.float32)
        hf = hg + hm
        mu = jnp.mean(hf, axis=-1, keepdims=True)
        var = jnp.mean((hf - mu) ** 2, axis=-1, keepdims=True)
        hf = (hf - mu) * lax.rsqrt(var + 1e-5) * lng_ref[...] + lnb_ref[...]
        gacc_s[...] += jnp.sum(hf, axis=0, keepdims=True)
        g_ref[...] = gacc_s[...] * (1.0 / N)

    prev = lambda i: (jnp.maximum(i - 1, 0), 0)
    prev3 = lambda i: (0, jnp.maximum(i - 1, 0), 0)
    return pl.pallas_call(
        body,
        grid=(GC,),
        in_specs=[
            pl.BlockSpec((NC, CH, H), lambda i: (0, i, 0)),
            pl.BlockSpec((NC, CH, H), prev3),
            pl.BlockSpec((CH, H), lambda i: (i, 0)),
            pl.BlockSpec((CH, H), prev),
            pl.BlockSpec((CH, 1), lambda i: (i, 0)),
            pl.BlockSpec((CH, 1), prev),
            pl.BlockSpec((1, H), lambda i: (0, 0)),
            pl.BlockSpec((H, 2 * DI), lambda i: (0, 0)),
            pl.BlockSpec((DC, DI), lambda i: (0, 0)),
            pl.BlockSpec((1, DI), lambda i: (0, 0)),
            pl.BlockSpec((DI, DTR + 2 * DS), lambda i: (0, 0)),
            pl.BlockSpec((DTR, DI), lambda i: (0, 0)),
            pl.BlockSpec((1, DI), lambda i: (0, 0)),
            pl.BlockSpec((DS, DI), lambda i: (0, 0)),
            pl.BlockSpec((1, DI), lambda i: (0, 0)),
            pl.BlockSpec((DI, H), lambda i: (0, 0)),
            pl.BlockSpec((1, H), lambda i: (0, 0)),
            pl.BlockSpec((1, H), lambda i: (0, 0)),
        ],
        out_specs=pl.BlockSpec((1, H), lambda i: (0, 0)),
        out_shape=jax.ShapeDtypeStruct((1, H), jnp.float32),
        scratch_shapes=[
            pltpu.VMEM((CH // 2, DS, DI), jnp.float32),
            pltpu.VMEM((CH // 2, DS, DI), jnp.float32),
            pltpu.VMEM((CH // 2, DS, DI), jnp.float32),
            pltpu.VMEM((DS, DI), jnp.float32),
            pltpu.VMEM((1, H), jnp.float32),
        ],
    )(accparts, accparts, u2, u2, dinv, dinv, b2, Win, convwT, cb, xpW, dtW,
      dtb, ATlog, D2, Wout, lng, lnb)


def _tc_heads(g, ws, bs):
    nheads = len(ws)

    def body(*refs):
        g_v = refs[0][...]
        for j in range(nheads):
            w_ref = refs[1 + j]
            b_ref = refs[1 + nheads + j]
            o_ref = refs[1 + 2 * nheads + j]
            o_ref[...] = jnp.dot(
                g_v, w_ref[...], preferred_element_type=jnp.float32
            ) + b_ref[...]

    return pl.pallas_call(
        body,
        out_shape=[jax.ShapeDtypeStruct((1, w.shape[1]), jnp.float32)
                   for w in ws],
    )(g, *ws, *bs)


def kernel(node_features, edge_index, W_proj, b_proj, gcn1_W, gcn1_b, gcn2_W,
           gcn2_b, in_proj_W, conv_w, conv_b, x_proj_W, dt_proj_W, dt_proj_b,
           A_log, D_param, out_proj_W, ln_g, ln_b, critic_W, critic_b, hl_W,
           hl_b, mlt_W, mlt_b, p1_W, p1_b, p2_W, p2_b, dep_W, dep_b, sel_W,
           sel_b):
    src4d = edge_index[0].astype(jnp.int32).reshape(NW, PH, RPP, EB)
    dst4d = edge_index[1].astype(jnp.int32).reshape(NW, PH, RPP, EB)
    dst3d = dst4d.reshape(NW, RPW, EB)

    histparts = _sc_degree(dst3d)
    u1, dinv = _tc_pre1(node_features, histparts, W_proj,
                        b_proj.reshape(1, H), gcn1_W)
    acc1 = _sc_scatter(u1, src4d, dst4d)
    u2 = _tc_mid(acc1, u1, dinv, gcn1_b.reshape(1, H), gcn2_W)
    acc2 = _sc_scatter(u2, src4d, dst4d)
    g = _tc_mamba(acc2, u2, dinv, gcn2_b.reshape(1, H), in_proj_W, conv_w.T,
                  conv_b.reshape(1, DI), x_proj_W, dt_proj_W,
                  dt_proj_b.reshape(1, DI), A_log.T, D_param.reshape(1, DI),
                  out_proj_W, ln_g.reshape(1, H), ln_b.reshape(1, H))
    ws = [critic_W, hl_W, mlt_W, p1_W, p2_W, dep_W, sel_W]
    bs = [critic_b.reshape(1, -1), hl_b.reshape(1, -1), mlt_b.reshape(1, -1),
          p1_b.reshape(1, -1), p2_b.reshape(1, -1), dep_b.reshape(1, -1),
          sel_b.reshape(1, -1)]
    outs = _tc_heads(g, ws, bs)
    return jnp.concatenate(outs, axis=-1)

# --- scband reference (transcript-rebuilt; emitter-appended) ---
"""Pipeline reference for scband-graph-mamba-model-37726992728373 (READ-ONLY COPY).

The authoritative reference and input builder live on the scoring server;
editing this copy changes nothing except your own understanding.
"""

import jax, jax.numpy as jnp
import numpy as np

N = 10000
E = 320000
F = 128
H = 128
D_INNER = 256
D_STATE = 16
D_CONV = 4
DT_RANK = 8
NS = 10000
NLC = 8

def setup_inputs(seed: int = 0):
    key = jax.random.key(seed)
    ks = jax.random.split(key, 40)
    def rn(k, shape, scale=0.05):
        return jax.random.normal(k, shape, dtype=jnp.float32) * scale
    inp = {}
    inp['node_features'] = jax.random.normal(ks[0], (N, F), dtype=jnp.float32)
    inp['edge_index'] = jax.random.randint(ks[1], (2, E), 0, N)
    inp['W_proj'] = rn(ks[2], (F, H)); inp['b_proj'] = jnp.zeros((H,), jnp.float32)
    inp['gcn1_W'] = rn(ks[3], (H, H)); inp['gcn1_b'] = jnp.zeros((H,), jnp.float32)
    inp['gcn2_W'] = rn(ks[4], (H, H)); inp['gcn2_b'] = jnp.zeros((H,), jnp.float32)
    inp['in_proj_W'] = rn(ks[5], (H, 2 * D_INNER))
    inp['conv_w'] = rn(ks[6], (D_INNER, D_CONV)); inp['conv_b'] = jnp.zeros((D_INNER,), jnp.float32)
    inp['x_proj_W'] = rn(ks[7], (D_INNER, DT_RANK + 2 * D_STATE))
    inp['dt_proj_W'] = rn(ks[8], (DT_RANK, D_INNER)); inp['dt_proj_b'] = rn(ks[9], (D_INNER,))
    inp['A_log'] = jnp.log(jnp.tile(jnp.arange(1, D_STATE + 1, dtype=jnp.float32)[None, :], (D_INNER, 1)))
    inp['D_param'] = jnp.ones((D_INNER,), jnp.float32)
    inp['out_proj_W'] = rn(ks[10], (D_INNER, H))
    inp['ln_g'] = jnp.ones((H,), jnp.float32); inp['ln_b'] = jnp.zeros((H,), jnp.float32)
    inp['critic_W'] = rn(ks[11], (H, 1)); inp['critic_b'] = jnp.zeros((1,), jnp.float32)
    inp['hl_W'] = rn(ks[12], (H, 4)); inp['hl_b'] = jnp.zeros((4,), jnp.float32)
    inp['mlt_W'] = rn(ks[13], (H, 3)); inp['mlt_b'] = jnp.zeros((3,), jnp.float32)
    inp['p1_W'] = rn(ks[14], (H, NS)); inp['p1_b'] = jnp.zeros((NS,), jnp.float32)
    inp['p2_W'] = rn(ks[15], (H, NS)); inp['p2_b'] = jnp.zeros((NS,), jnp.float32)
    inp['dep_W'] = rn(ks[16], (H, NS)); inp['dep_b'] = jnp.zeros((NS,), jnp.float32)
    inp['sel_W'] = rn(ks[17], (H, NLC)); inp['sel_b'] = jnp.zeros((NLC,), jnp.float32)
    return inp

def _gcn(x, src, dst, W, b):
    x = x @ W
    sl = jnp.arange(N)
    s = jnp.concatenate([src, sl]); d = jnp.concatenate([dst, sl])
    deg = jax.ops.segment_sum(jnp.ones(s.shape[0], jnp.float32), d, num_segments=N)
    dinv = jnp.where(deg > 0, 1.0 / jnp.sqrt(deg), 0.0)
    norm = dinv[s] * dinv[d]
    out = jax.ops.segment_sum(x[s] * norm[:, None], d, num_segments=N)
    return out + b

def _mamba(x, in_proj_W, conv_w, conv_b, x_proj_W, dt_proj_W, dt_proj_b, A_log, D_param, out_proj_W):
    L = x.shape[0]
    xz = x @ in_proj_W
    xi, z = xz[:, :D_INNER], xz[:, D_INNER:]
    xp = jnp.pad(xi, ((D_CONV - 1, 0), (0, 0)))
    xc = sum(xp[k:k + L] * conv_w[:, k][None, :] for k in range(D_CONV)) + conv_b[None, :]
    xc = jax.nn.silu(xc)
    dbl = xc @ x_proj_W
    dt = jax.nn.softplus(dbl[:, :DT_RANK] @ dt_proj_W + dt_proj_b[None, :])
    Bm = dbl[:, DT_RANK:DT_RANK + D_STATE]
    Cm = dbl[:, DT_RANK + D_STATE:]
    A = -jnp.exp(A_log)
    def step(h, t):
        dt_t, B_t, C_t, x_t = t
        dA = jnp.exp(dt_t[:, None] * A)
        h = dA * h + dt_t[:, None] * B_t[None, :] * x_t[:, None]
        y = jnp.sum(h * C_t[None, :], axis=-1)
        return h, y
    h0 = jnp.zeros((D_INNER, D_STATE), jnp.float32)
    _, ys = jax.lax.scan(step, h0, (dt, Bm, Cm, xc))
    y = ys + xc * D_param[None, :]
    y = y * jax.nn.silu(z)
    return y @ out_proj_W

def _ln(x, g, b):
    mu = jnp.mean(x, axis=-1, keepdims=True)
    var = jnp.mean((x - mu) ** 2, axis=-1, keepdims=True)
    return (x - mu) / jnp.sqrt(var + 1e-5) * g + b

def reference(node_features, edge_index, W_proj, b_proj, gcn1_W, gcn1_b, gcn2_W, gcn2_b, in_proj_W, conv_w, conv_b, x_proj_W, dt_proj_W, dt_proj_b, A_log, D_param, out_proj_W, ln_g, ln_b, critic_W, critic_b, hl_W, hl_b, mlt_W, mlt_b, p1_W, p1_b, p2_W, p2_b, dep_W, dep_b, sel_W, sel_b):
    src, dst = edge_index[0], edge_index[1]
    h = jax.nn.relu(node_features @ W_proj + b_proj)
    hg = jax.nn.relu(_gcn(h, src, dst, gcn1_W, gcn1_b))
    hg = jax.nn.relu(_gcn(hg, src, dst, gcn2_W, gcn2_b))
    hm = _mamba(hg, in_proj_W, conv_w, conv_b, x_proj_W, dt_proj_W, dt_proj_b, A_log, D_param, out_proj_W)
    hf = _ln(hg + hm, ln_g, ln_b)
    g = jnp.mean(hf, axis=0, keepdims=True)
    value = g @ critic_W + critic_b
    outs = [value, g @ hl_W + hl_b, g @ mlt_W + mlt_b, g @ p1_W + p1_b, g @ p2_W + p2_b, g @ dep_W + dep_b, g @ sel_W + sel_b]
    return jnp.concatenate(outs, axis=-1)

if __name__ == "__main__":
    import jax
    _d = setup_inputs()
    print(jax.jit(kernel)(*tuple(_d.values())))

</pallas_src>

<mosaic_0001>
#map = affine_map<(d0, d1) -> (0, 0)>
#map1 = affine_map<(d0, d1) -> (0, 0, 0, 0)>
#map2 = affine_map<(d0, d1) -> (0, 0, 0)>
module attributes {stable_mosaic.version = 14 : i64} {
  func.func @k(%arg0: i32, %arg1: i32, %arg2: memref<10000x128xf32, #tpu.memory_space<hbm>>, %arg3: memref<32x2x50x100xi32, #tpu.memory_space<hbm>>, %arg4: memref<32x2x50x100xi32, #tpu.memory_space<hbm>>, %arg5: memref<2x10000x128xf32, #tpu.memory_space<hbm>>, %arg6: memref<50x100xi32, #tpu.memory_space<vmem>>, %arg7: memref<50x100xi32, #tpu.memory_space<vmem>>, %arg8: memref<100x128xf32, #tpu.memory_space<vmem>>, %arg9: memref<100x128xf32, #tpu.memory_space<vmem>>, %arg10: memref<10000x128xf32, #tpu.memory_space<vmem_shared>>, %arg11: memref<!tpu.dma_semaphore, #tpu.memory_space<semaphore_mem>>, %arg12: memref<!tpu.dma_semaphore, #tpu.memory_space<semaphore_mem>>) attributes {dimension_semantics = [#tpu.dimension_semantics<core_parallel>, #tpu.dimension_semantics<subcore_parallel>], iteration_bounds = array<i64: 2, 16>, scalar_prefetch = 0 : i64, scratch_operands = 7 : i64, tpu.core_type = #tpu.core_type<sc_vector_subcore>, window_params = [{transform_indices = #map}, {transform_indices = #map1}, {transform_indices = #map1}, {transform_indices = #map2}]} {
    %mul3A = arith.constant 2 : i32
    %mul3A_0 = arith.muli %arg1, %mul3A : i32
    %add3A = arith.addi %mul3A_0, %arg0 : i32
    %scan3A = arith.constant 0 : i32
    %scan3A_1 = arith.constant 0 : i32
    %scan3A_2 = arith.constant 100 : i32
    %scan3A_3 = arith.addi %scan3A_1, %scan3A_2 : i32
    %scan3A_4 = arith.constant 1 : i32
    %scan3A_5 = scf.for %scan3A_46 = %scan3A_1 to %scan3A_3 step %scan3A_4 iter_args(%scan3A_47 = %scan3A) -> (i32)  : i32 {
      %scan3A_48 = arith.constant 0 : i32
      %scan3A_49 = arith.constant 0 : i32
      %scan3A_50 = arith.constant 8 : i32
      %scan3A_51 = arith.addi %scan3A_49, %scan3A_50 : i32
      %scan3A_52 = arith.constant 1 : i32
      %scan3A_53 = scf.for %scan3A_56 = %scan3A_49 to %scan3A_51 step %scan3A_52 iter_args(%scan3A_57 = %scan3A_48) -> (i32)  : i32 {
        %broadcast_in_dim3A = arith.constant 0.000000e+00 : f32
        %broadcast_in_dim3A_58 = vector.broadcast %broadcast_in_dim3A : f32 to vector<16xf32>
        %mul3A_59 = arith.constant 16 : i32
        %mul3A_60 = arith.muli %scan3A_56, %mul3A_59 : i32
        %swap3A = arith.index_cast %scan3A_46 : i32 to index
        %swap3A_61 = arith.index_cast %mul3A_60 : i32 to index
        %swap3A_62 = tpu.vector_load %arg8[%swap3A, %swap3A_61] {strides = array<i32>} : memref<100x128xf32, #tpu.memory_space<vmem>>, vector<1x16xf32>,
        %swap3A_63 = vector.shape_cast %swap3A_62 : vector<1x16xf32> to vector<16xf32>
        %swap3A_64 = vector.shape_cast %broadcast_in_dim3A_58 : vector<16xf32> to vector<1x16xf32>
        tpu.vector_store %arg8[%swap3A, %swap3A_61], %swap3A_64 {strides = array<i32>} : memref<100x128xf32, #tpu.memory_space<vmem>>, vector<1x16xf32>,
        %scan3A_65 = arith.constant 0 : i32
        scf.yield %scan3A_65 : i32
      }
      %scan3A_54 = arith.constant 8 : i32
      %scan3A_55 = arith.constant 0 : i32
      scf.yield %scan3A_55 : i32
    }
    %scan3A_6 = arith.constant 100 : i32
    %scan3A_7 = arith.constant 0 : i32
    %scan3A_8 = arith.constant 0 : i32
    %scan3A_9 = arith.constant 6 : i32
    %scan3A_10 = arith.addi %scan3A_8, %scan3A_9 : i32
    %scan3A_11 = arith.constant 1 : i32
    %scan3A_12 = scf.for %scan3A_46 = %scan3A_8 to %scan3A_10 step %scan3A_11 iter_args(%scan3A_47 = %scan3A_7) -> (i32)  : i32 {
      %mul3A_48 = arith.constant 16 : i32
      %mul3A_49 = arith.muli %mul3A_48, %scan3A_46 : i32
      %add3A_50 = arith.addi %arg1, %mul3A_49 : i32
      %lt3A = arith.constant 83 : i32
      %lt3A_51 = arith.cmpi slt, %add3A_50, %lt3A : i32
      %convert_element_type3A_52 = arith.extui %lt3A_51 : i1 to i32
      %cond3A_53 = arith.constant 0 : i32
      %cond3A_54 = arith.cmpi ne, %convert_element_type3A_52, %cond3A_53 : i32
      scf.if %cond3A_54 {
        %mul3A_56 = arith.constant 120 : i32
        %mul3A_57 = arith.muli %add3A_50, %mul3A_56 : i32
        "tpu.region"() ({
          %run_scoped3A_58 = tpu.sem_alloc : memref<!tpu.dma_semaphore, #tpu.memory_space<semaphore_mem>>
          %dma_start3A = arith.constant 0 : i32
          %dma_start3A_59 = arith.constant 0 : i32
          %dma_start3A_60 = tpu.memref_slice %arg8[%dma_start3A, %dma_start3A_59] : memref<100x128xf32, #tpu.memory_space<vmem>> -> memref<120x128xf32, #tpu.memory_space<vmem>>
          %dma_start3A_61 = arith.constant 0 : i32
          %dma_start3A_62 = tpu.memref_slice %arg10[%mul3A_57, %dma_start3A_61] : memref<10000x128xf32, #tpu.memory_space<vmem_shared>> -> memref<120x128xf32, #tpu.memory_space<vmem_shared>>
          %dma_start3A_63 = arith.constant 0 : i32
          %dma_start3A_64 = tpu.memref_slice %arg10[%mul3A_57, %dma_start3A_63] : memref<10000x128xf32, #tpu.memory_space<vmem_shared>> -> memref<120x128xf32, #tpu.memory_space<vmem_shared>>
          %dma_start3A_65 = arith.constant 0 : i32
          %dma_start3A_66 = arith.constant 0 : i32
          %dma_start3A_67 = tpu.memref_slice %arg8[%dma_start3A_65, %dma_start3A_66] : memref<100x128xf32, #tpu.memory_space<vmem>> -> memref<120x128xf32, #tpu.memory_space<vmem>>
          tpu.enqueue_dma source(%dma_start3A_67 : memref<120x128xf32, #tpu.memory_space<vmem>>) target(%dma_start3A_64 : memref<120x128xf32, #tpu.memory_space<vmem_shared>>) target_semaphore(%run_scoped3A_58 : memref<!tpu.dma_semaphore, #tpu.memory_space<semaphore_mem>>)
          %dma_wait3A = arith.constant 0 : i32
          %dma_wait3A_68 = arith.constant 0 : i32
          %dma_wait3A_69 = tpu.memref_slice %arg8[%dma_wait3A, %dma_wait3A_68] : memref<100x128xf32, #tpu.memory_space<vmem>> -> memref<120x128xf32, #tpu.memory_space<vmem>>
          %dma_wait3A_70 = arith.constant 0 : i32
          %dma_wait3A_71 = tpu.memref_slice %arg10[%mul3A_57, %dma_wait3A_70] : memref<10000x128xf32, #tpu.memory_space<vmem_shared>> -> memref<120x128xf32, #tpu.memory_space<vmem_shared>>
          %dma_wait3A_72 = arith.constant 0 : i32
          %dma_wait3A_73 = tpu.memref_slice %arg10[%mul3A_57, %dma_wait3A_72] : memref<10000x128xf32, #tpu.memory_space<vmem_shared>> -> memref<120x128xf32, #tpu.memory_space<vmem_shared>>
          %dma_wait3A_74 = arith.constant 0 : i32
          %dma_wait3A_75 = arith.constant 0 : i32
          %dma_wait3A_76 = tpu.memref_slice %arg8[%dma_wait3A_74, %dma_wait3A_75] : memref<100x128xf32, #tpu.memory_space<vmem>> -> memref<120x128xf32, #tpu.memory_space<vmem>>
          tpu.wait_dma2 semaphore(%run_scoped3A_58 : memref<!tpu.dma_semaphore, #tpu.memory_space<semaphore_mem>>) src(%dma_wait3A_76 : memref<120x128xf32, #tpu.memory_space<vmem>>) dst(%dma_wait3A_73 : memref<120x128xf32, #tpu.memory_space<vmem_shared>>)
          tpu.yield
        }) : () -> ()
      } else {
      }
      %scan3A_55 = arith.constant 0 : i32
      scf.yield %scan3A_55 : i32
    }
    %scan3A_13 = arith.constant 6 : i32
    %eq3A = arith.constant 0 : i32
    %eq3A_14 = arith.cmpi eq, %arg1, %eq3A : i32
    %convert_element_type3A = arith.extui %eq3A_14 : i1 to i32
    %cond3A = arith.constant 0 : i32
    %cond3A_15 = arith.cmpi ne, %convert_element_type3A, %cond3A : i32
    scf.if %cond3A_15 {
      "tpu.region"() ({
        %run_scoped3A_46 = tpu.sem_alloc : memref<!tpu.dma_semaphore, #tpu.memory_space<semaphore_mem>>
        %dma_start3A = arith.constant 0 : i32
        %dma_start3A_47 = arith.constant 0 : i32
        %dma_start3A_48 = tpu.memref_slice %arg8[%dma_start3A, %dma_start3A_47] : memref<100x128xf32, #tpu.memory_space<vmem>> -> memref<40x128xf32, #tpu.memory_space<vmem>>
        %dma_start3A_49 = arith.constant 9960 : i32
        %dma_start3A_50 = arith.constant 0 : i32
        %dma_start3A_51 = tpu.memref_slice %arg10[%dma_start3A_49, %dma_start3A_50] : memref<10000x128xf32, #tpu.memory_space<vmem_shared>> -> memref<40x128xf32, #tpu.memory_space<vmem_shared>>
        %dma_start3A_52 = arith.constant 9960 : i32
        %dma_start3A_53 = arith.constant 0 : i32
        %dma_start3A_54 = tpu.memref_slice %arg10[%dma_start3A_52, %dma_start3A_53] : memref<10000x128xf32, #tpu.memory_space<vmem_shared>> -> memref<40x128xf32, #tpu.memory_space<vmem_shared>>
        %dma_start3A_55 = arith.constant 0 : i32
        %dma_start3A_56 = arith.constant 0 : i32
        %dma_start3A_57 = tpu.memref_slice %arg8[%dma_start3A_55, %dma_start3A_56] : memref<100x128xf32, #tpu.memory_space<vmem>> -> memref<40x128xf32, #tpu.memory_space<vmem>>
        tpu.enqueue_dma source(%dma_start3A_57 : memref<40x128xf32, #tpu.memory_space<vmem>>) target(%dma_start3A_54 : memref<40x128xf32, #tpu.memory_space<vmem_shared>>) target_semaphore(%run_scoped3A_46 : memref<!tpu.dma_semaphore, #tpu.memory_space<semaphore_mem>>)
        %dma_wait3A = arith.constant 0 : i32
        %dma_wait3A_58 = arith.constant 0 : i32
        %dma_wait3A_59 = tpu.memref_slice %arg8[%dma_wait3A, %dma_wait3A_58] : memref<100x128xf32, #tpu.memory_space<vmem>> -> memref<40x128xf32, #tpu.memory_space<vmem>>
        %dma_wait3A_60 = arith.constant 9960 : i32
        %dma_wait3A_61 = arith.constant 0 : i32
        %dma_wait3A_62 = tpu.memref_slice %arg10[%dma_wait3A_60, %dma_wait3A_61] : memref<10000x128xf32, #tpu.memory_space<vmem_shared>> -> memref<40x128xf32, #tpu.memory_space<vmem_shared>>
        %dma_wait3A_63 = arith.constant 9960 : i32
        %dma_wait3A_64 = arith.constant 0 : i32
        %dma_wait3A_65 = tpu.memref_slice %arg10[%dma_wait3A_63, %dma_wait3A_64] : memref<10000x128xf32, #tpu.memory_space<vmem_shared>> -> memref<40x128xf32, #tpu.memory_space<vmem_shared>>
        %dma_wait3A_66 = arith.constant 0 : i32
        %dma_wait3A_67 = arith.constant 0 : i32
        %dma_wait3A_68 = tpu.memref_slice %arg8[%dma_wait3A_66, %dma_wait3A_67] : memref<100x128xf32, #tpu.memory_space<vmem>> -> memref<40x128xf32, #tpu.memory_space<vmem>>
        tpu.wait_dma2 semaphore(%run_scoped3A_46 : memref<!tpu.dma_semaphore, #tpu.memory_space<semaphore_mem>>) src(%dma_wait3A_68 : memref<40x128xf32, #tpu.memory_space<vmem>>) dst(%dma_wait3A_65 : memref<40x128xf32, #tpu.memory_space<vmem_shared>>)
        tpu.yield
      }) : () -> ()
    } else {
    }
    %barrier3A = arith.constant 0 : index
    tpu.barrier barrier_id(%barrier3A)
    %run_scoped3A = arith.constant 0 : i32
    "tpu.region"() ({
      %run_scoped3A_46 = tpu.sem_alloc : memref<!tpu.dma_semaphore, #tpu.memory_space<semaphore_mem>>
      %dma_start3A = arith.constant 0 : i32
      %dma_start3A_47 = arith.constant 0 : i32
      %dma_start3A_48 = tpu.memref_slice %arg3[%add3A, %run_scoped3A, %dma_start3A, %dma_start3A_47] : memref<32x2x50x100xi32, #tpu.memory_space<hbm>> -> memref<1x1x50x100xi32, #tpu.memory_space<hbm>>
      %dma_start3A_49 = tpu.memref_squeeze %dma_start3A_48 : memref<1x1x50x100xi32, #tpu.memory_space<hbm>> -> memref<50x100xi32, #tpu.memory_space<hbm>>
      %dma_start3A_50 = arith.constant 0 : i32
      %dma_start3A_51 = arith.constant 0 : i32
      %dma_start3A_52 = tpu.memref_slice %arg3[%add3A, %run_scoped3A, %dma_start3A_50, %dma_start3A_51] : memref<32x2x50x100xi32, #tpu.memory_space<hbm>> -> memref<1x1x50x100xi32, #tpu.memory_space<hbm>>
      %dma_start3A_53 = tpu.memref_squeeze %dma_start3A_52 : memref<1x1x50x100xi32, #tpu.memory_space<hbm>> -> memref<50x100xi32, #tpu.memory_space<hbm>>
      tpu.enqueue_dma source(%dma_start3A_53 : memref<50x100xi32, #tpu.memory_space<hbm>>) target(%arg6 : memref<50x100xi32, #tpu.memory_space<vmem>>) target_semaphore(%run_scoped3A_46 : memref<!tpu.dma_semaphore, #tpu.memory_space<semaphore_mem>>)
      %dma_wait3A = arith.constant 0 : i32
      %dma_wait3A_54 = arith.constant 0 : i32
      %dma_wait3A_55 = tpu.memref_slice %arg3[%add3A, %run_scoped3A, %dma_wait3A, %dma_wait3A_54] : memref<32x2x50x100xi32, #tpu.memory_space<hbm>> -> memref<1x1x50x100xi32, #tpu.memory_space<hbm>>
      %dma_wait3A_56 = tpu.memref_squeeze %dma_wait3A_55 : memref<1x1x50x100xi32, #tpu.memory_space<hbm>> -> memref<50x100xi32, #tpu.memory_space<hbm>>
      %dma_wait3A_57 = arith.constant 0 : i32
      %dma_wait3A_58 = arith.constant 0 : i32
      %dma_wait3A_59 = tpu.memref_slice %arg3[%add3A, %run_scoped3A, %dma_wait3A_57, %dma_wait3A_58] : memref<32x2x50x100xi32, #tpu.memory_space<hbm>> -> memref<1x1x50x100xi32, #tpu.memory_space<hbm>>
      %dma_wait3A_60 = tpu.memref_squeeze %dma_wait3A_59 : memref<1x1x50x100xi32, #tpu.memory_space<hbm>> -> memref<50x100xi32, #tpu.memory_space<hbm>>
      tpu.wait_dma2 semaphore(%run_scoped3A_46 : memref<!tpu.dma_semaphore, #tpu.memory_space<semaphore_mem>>) src(%dma_wait3A_60 : memref<50x100xi32, #tpu.memory_space<hbm>>) dst(%arg6 : memref<50x100xi32, #tpu.memory_space<vmem>>)
      tpu.yield
    }) : () -> ()
    %run_scoped3A_16 = arith.constant 0 : i32
    "tpu.region"() ({
      %run_scoped3A_46 = tpu.sem_alloc : memref<!tpu.dma_semaphore, #tpu.memory_space<semaphore_mem>>
      %dma_start3A = arith.constant 0 : i32
      %dma_start3A_47 = arith.constant 0 : i32
      %dma_start3A_48 = tpu.memref_slice %arg4[%add3A, %run_scoped3A_16, %dma_start3A, %dma_start3A_47] : memref<32x2x50x100xi32, #tpu.memory_space<hbm>> -> memref<1x1x50x100xi32, #tpu.memory_space<hbm>>
      %dma_start3A_49 = tpu.memref_squeeze %dma_start3A_48 : memref<1x1x50x100xi32, #tpu.memory_space<hbm>> -> memref<50x100xi32, #tpu.memory_space<hbm>>
      %dma_start3A_50 = arith.constant 0 : i32
      %dma_start3A_51 = arith.constant 0 : i32
      %dma_start3A_52 = tpu.memref_slice %arg4[%add3A, %run_scoped3A_16, %dma_start3A_50, %dma_start3A_51] : memref<32x2x50x100xi32, #tpu.memory_space<hbm>> -> memref<1x1x50x100xi32, #tpu.memory_space<hbm>>
      %dma_start3A_53 = tpu.memref_squeeze %dma_start3A_52 : memref<1x1x50x100xi32, #tpu.memory_space<hbm>> -> memref<50x100xi32, #tpu.memory_space<hbm>>
      tpu.enqueue_dma source(%dma_start3A_53 : memref<50x100xi32, #tpu.memory_space<hbm>>) target(%arg7 : memref<50x100xi32, #tpu.memory_space<vmem>>) target_semaphore(%run_scoped3A_46 : memref<!tpu.dma_semaphore, #tpu.memory_space<semaphore_mem>>)
      %dma_wait3A = arith.constant 0 : i32
      %dma_wait3A_54 = arith.constant 0 : i32
      %dma_wait3A_55 = tpu.memref_slice %arg4[%add3A, %run_scoped3A_16, %dma_wait3A, %dma_wait3A_54] : memref<32x2x50x100xi32, #tpu.memory_space<hbm>> -> memref<1x1x50x100xi32, #tpu.memory_space<hbm>>
      %dma_wait3A_56 = tpu.memref_squeeze %dma_wait3A_55 : memref<1x1x50x100xi32, #tpu.memory_space<hbm>> -> memref<50x100xi32, #tpu.memory_space<hbm>>
      %dma_wait3A_57 = arith.constant 0 : i32
      %dma_wait3A_58 = arith.constant 0 : i32
      %dma_wait3A_59 = tpu.memref_slice %arg4[%add3A, %run_scoped3A_16, %dma_wait3A_57, %dma_wait3A_58] : memref<32x2x50x100xi32, #tpu.memory_space<hbm>> -> memref<1x1x50x100xi32, #tpu.memory_space<hbm>>
      %dma_wait3A_60 = tpu.memref_squeeze %dma_wait3A_59 : memref<1x1x50x100xi32, #tpu.memory_space<hbm>> -> memref<50x100xi32, #tpu.memory_space<hbm>>
      tpu.wait_dma2 semaphore(%run_scoped3A_46 : memref<!tpu.dma_semaphore, #tpu.memory_space<semaphore_mem>>) src(%dma_wait3A_60 : memref<50x100xi32, #tpu.memory_space<hbm>>) dst(%arg7 : memref<50x100xi32, #tpu.memory_space<vmem>>)
      tpu.yield
    }) : () -> ()
    %scan3A_17 = arith.constant 0 : i32
    %scan3A_18 = arith.constant 0 : i32
    %scan3A_19 = arith.constant 25 : i32
    %scan3A_20 = arith.addi %scan3A_18, %scan3A_19 : i32
    %scan3A_21 = arith.constant 1 : i32
    %scan3A_22 = scf.for %scan3A_46 = %scan3A_18 to %scan3A_20 step %scan3A_21 iter_args(%scan3A_47 = %scan3A_17) -> (i32)  : i32 {
      %mul3A_48 = arith.constant 2 : i32
      %mul3A_49 = arith.muli %mul3A_48, %scan3A_46 : i32
      %dma_start3A = arith.constant 0 : i32
      %dma_start3A_50 = tpu.memref_slice %arg6[%mul3A_49, %dma_start3A] : memref<50x100xi32, #tpu.memory_space<vmem>> -> memref<1x100xi32, #tpu.memory_space<vmem>>
      %dma_start3A_51 = tpu.memref_squeeze %dma_start3A_50 : memref<1x100xi32, #tpu.memory_space<vmem>> -> memref<100xi32, #tpu.memory_space<vmem>>
      %dma_start3A_52 = arith.constant 0 : i32
      %dma_start3A_53 = arith.constant 0 : i32
      %dma_start3A_54 = tpu.memref_slice %arg2[%dma_start3A_52, %dma_start3A_53] : memref<10000x128xf32, #tpu.memory_space<hbm>> -> memref<10000x128xf32, #tpu.memory_space<hbm>>
      tpu.enqueue_indirect_dma source(%dma_start3A_54 : memref<10000x128xf32, #tpu.memory_space<hbm>>) target(%arg8 : memref<100x128xf32, #tpu.memory_space<vmem>>) offsets(%dma_start3A_51 : memref<100xi32, #tpu.memory_space<vmem>>) semaphore(%arg11 : memref<!tpu.dma_semaphore, #tpu.memory_space<semaphore_mem>>)
      %dma_wait3A = arith.constant 0 : i32
      %dma_wait3A_55 = tpu.memref_slice %arg6[%mul3A_49, %dma_wait3A] : memref<50x100xi32, #tpu.memory_space<vmem>> -> memref<1x100xi32, #tpu.memory_space<vmem>>
      %dma_wait3A_56 = tpu.memref_squeeze %dma_wait3A_55 : memref<1x100xi32, #tpu.memory_space<vmem>> -> memref<100xi32, #tpu.memory_space<vmem>>
      %dma_wait3A_57 = arith.constant 0 : i32
      %dma_wait3A_58 = arith.constant 0 : i32
      %dma_wait3A_59 = tpu.memref_slice %arg2[%dma_wait3A_57, %dma_wait3A_58] : memref<10000x128xf32, #tpu.memory_space<hbm>> -> memref<10000x128xf32, #tpu.memory_space<hbm>>
      tpu.wait_indirect_dma semaphore(%arg11 : memref<!tpu.dma_semaphore, #tpu.memory_space<semaphore_mem>>) src(%dma_wait3A_59 : memref<10000x128xf32, #tpu.memory_space<hbm>>) dst(%arg8 : memref<100x128xf32, #tpu.memory_space<vmem>>)
      "tpu.region"() ({
        %run_scoped3A_77 = tpu.sem_alloc : memref<!tpu.dma_semaphore, #tpu.memory_space<semaphore_mem>>
        %dma_start3A_78 = arith.constant 0 : i32
        %dma_start3A_79 = tpu.memref_slice %arg7[%mul3A_49, %dma_start3A_78] : memref<50x100xi32, #tpu.memory_space<vmem>> -> memref<1x100xi32, #tpu.memory_space<vmem>>
        %dma_start3A_80 = tpu.memref_squeeze %dma_start3A_79 : memref<1x100xi32, #tpu.memory_space<vmem>> -> memref<100xi32, #tpu.memory_space<vmem>>
        %dma_start3A_81 = arith.constant 0 : i32
        %dma_start3A_82 = arith.constant 0 : i32
        %dma_start3A_83 = tpu.memref_slice %arg10[%dma_start3A_81, %dma_start3A_82] : memref<10000x128xf32, #tpu.memory_space<vmem_shared>> -> memref<10000x128xf32, #tpu.memory_space<vmem_shared>>
        tpu.enqueue_indirect_dma source(%arg8 : memref<100x128xf32, #tpu.memory_space<vmem>>) target(%dma_start3A_83 : memref<10000x128xf32, #tpu.memory_space<vmem_shared>>) offsets(%dma_start3A_80 : memref<100xi32, #tpu.memory_space<vmem>>) semaphore(%run_scoped3A_77 : memref<!tpu.dma_semaphore, #tpu.memory_space<semaphore_mem>>) {add = true}
        %dma_wait3A_84 = arith.constant 0 : i32
        %dma_wait3A_85 = tpu.memref_slice %arg7[%mul3A_49, %dma_wait3A_84] : memref<50x100xi32, #tpu.memory_space<vmem>> -> memref<1x100xi32, #tpu.memory_space<vmem>>
        %dma_wait3A_86 = tpu.memref_squeeze %dma_wait3A_85 : memref<1x100xi32, #tpu.memory_space<vmem>> -> memref<100xi32, #tpu.memory_space<vmem>>
        %dma_wait3A_87 = arith.constant 0 : i32
        %dma_wait3A_88 = arith.constant 0 : i32
        %dma_wait3A_89 = tpu.memref_slice %arg10[%dma_wait3A_87, %dma_wait3A_88] : memref<10000x128xf32, #tpu.memory_space<vmem_shared>> -> memref<10000x128xf32, #tpu.memory_space<vmem_shared>>
        tpu.wait_indirect_dma semaphore(%run_scoped3A_77 : memref<!tpu.dma_semaphore, #tpu.memory_space<semaphore_mem>>) src(%arg8 : memref<100x128xf32, #tpu.memory_space<vmem>>) dst(%dma_wait3A_89 : memref<10000x128xf32, #tpu.memory_space<vmem_shared>>)
        tpu.yield
      }) : () -> ()
      %add3A_60 = arith.constant 1 : i32
      %add3A_61 = arith.addi %mul3A_49, %add3A_60 : i32
      %dma_start3A_62 = arith.constant 0 : i32
      %dma_start3A_63 = tpu.memref_slice %arg6[%add3A_61, %dma_start3A_62] : memref<50x100xi32, #tpu.memory_space<vmem>> -> memref<1x100xi32, #tpu.memory_space<vmem>>
      %dma_start3A_64 = tpu.memref_squeeze %dma_start3A_63 : memref<1x100xi32, #tpu.memory_space<vmem>> -> memref<100xi32, #tpu.memory_space<vmem>>
      %dma_start3A_65 = arith.constant 0 : i32
      %dma_start3A_66 = arith.constant 0 : i32
      %dma_start3A_67 = tpu.memref_slice %arg2[%dma_start3A_65, %dma_start3A_66] : memref<10000x128xf32, #tpu.memory_space<hbm>> -> memref<10000x128xf32, #tpu.memory_space<hbm>>
      tpu.enqueue_indirect_dma source(%dma_start3A_67 : memref<10000x128xf32, #tpu.memory_space<hbm>>) target(%arg9 : memref<100x128xf32, #tpu.memory_space<vmem>>) offsets(%dma_start3A_64 : memref<100xi32, #tpu.memory_space<vmem>>) semaphore(%arg12 : memref<!tpu.dma_semaphore, #tpu.memory_space<semaphore_mem>>)
      %dma_wait3A_68 = arith.constant 0 : i32
      %dma_wait3A_69 = tpu.memref_slice %arg6[%add3A_61, %dma_wait3A_68] : memref<50x100xi32, #tpu.memory_space<vmem>> -> memref<1x100xi32, #tpu.memory_space<vmem>>
      %dma_wait3A_70 = tpu.memref_squeeze %dma_wait3A_69 : memref<1x100xi32, #tpu.memory_space<vmem>> -> memref<100xi32, #tpu.memory_space<vmem>>
      %dma_wait3A_71 = arith.constant 0 : i32
      %dma_wait3A_72 = arith.constant 0 : i32
      %dma_wait3A_73 = tpu.memref_slice %arg2[%dma_wait3A_71, %dma_wait3A_72] : memref<10000x128xf32, #tpu.memory_space<hbm>> -> memref<10000x128xf32, #tpu.memory_space<hbm>>
      tpu.wait_indirect_dma semaphore(%arg12 : memref<!tpu.dma_semaphore, #tpu.memory_space<semaphore_mem>>) src(%dma_wait3A_73 : memref<10000x128xf32, #tpu.memory_space<hbm>>) dst(%arg9 : memref<100x128xf32, #tpu.memory_space<vmem>>)
      %add3A_74 = arith.constant 1 : i32
      %add3A_75 = arith.addi %mul3A_49, %add3A_74 : i32
      "tpu.region"() ({
        %run_scoped3A_77 = tpu.sem_alloc : memref<!tpu.dma_semaphore, #tpu.memory_space<semaphore_mem>>
        %dma_start3A_78 = arith.constant 0 : i32
        %dma_start3A_79 = tpu.memref_slice %arg7[%add3A_75, %dma_start3A_78] : memref<50x100xi32, #tpu.memory_space<vmem>> -> memref<1x100xi32, #tpu.memory_space<vmem>>
        %dma_start3A_80 = tpu.memref_squeeze %dma_start3A_79 : memref<1x100xi32, #tpu.memory_space<vmem>> -> memref<100xi32, #tpu.memory_space<vmem>>
        %dma_start3A_81 = arith.constant 0 : i32
        %dma_start3A_82 = arith.constant 0 : i32
        %dma_start3A_83 = tpu.memref_slice %arg10[%dma_start3A_81, %dma_start3A_82] : memref<10000x128xf32, #tpu.memory_space<vmem_shared>> -> memref<10000x128xf32, #tpu.memory_space<vmem_shared>>
        tpu.enqueue_indirect_dma source(%arg9 : memref<100x128xf32, #tpu.memory_space<vmem>>) target(%dma_start3A_83 : memref<10000x128xf32, #tpu.memory_space<vmem_shared>>) offsets(%dma_start3A_80 : memref<100xi32, #tpu.memory_space<vmem>>) semaphore(%run_scoped3A_77 : memref<!tpu.dma_semaphore, #tpu.memory_space<semaphore_mem>>) {add = true}
        %dma_wait3A_84 = arith.constant 0 : i32
        %dma_wait3A_85 = tpu.memref_slice %arg7[%add3A_75, %dma_wait3A_84] : memref<50x100xi32, #tpu.memory_space<vmem>> -> memref<1x100xi32, #tpu.memory_space<vmem>>
        %dma_wait3A_86 = tpu.memref_squeeze %dma_wait3A_85 : memref<1x100xi32, #tpu.memory_space<vmem>> -> memref<100xi32, #tpu.memory_space<vmem>>
        %dma_wait3A_87 = arith.constant 0 : i32
        %dma_wait3A_88 = arith.constant 0 : i32
        %dma_wait3A_89 = tpu.memref_slice %arg10[%dma_wait3A_87, %dma_wait3A_88] : memref<10000x128xf32, #tpu.memory_space<vmem_shared>> -> memref<10000x128xf32, #tpu.memory_space<vmem_shared>>
        tpu.wait_indirect_dma semaphore(%run_scoped3A_77 : memref<!tpu.dma_semaphore, #tpu.memory_space<semaphore_mem>>) src(%arg9 : memref<100x128xf32, #tpu.memory_space<vmem>>) dst(%dma_wait3A_89 : memref<10000x128xf32, #tpu.memory_space<vmem_shared>>)
        tpu.yield
      }) : () -> ()
      %scan3A_76 = arith.constant 0 : i32
      scf.yield %scan3A_76 : i32
    }
    %scan3A_23 = arith.constant 25 : i32
    %run_scoped3A_24 = arith.constant 1 : i32
    "tpu.region"() ({
      %run_scoped3A_46 = tpu.sem_alloc : memref<!tpu.dma_semaphore, #tpu.memory_space<semaphore_mem>>
      %dma_start3A = arith.constant 0 : i32
      %dma_start3A_47 = arith.constant 0 : i32
      %dma_start3A_48 = tpu.memref_slice %arg3[%add3A, %run_scoped3A_24, %dma_start3A, %dma_start3A_47] : memref<32x2x50x100xi32, #tpu.memory_space<hbm>> -> memref<1x1x50x100xi32, #tpu.memory_space<hbm>>
      %dma_start3A_49 = tpu.memref_squeeze %dma_start3A_48 : memref<1x1x50x100xi32, #tpu.memory_space<hbm>> -> memref<50x100xi32, #tpu.memory_space<hbm>>
      %dma_start3A_50 = arith.constant 0 : i32
      %dma_start3A_51 = arith.constant 0 : i32
      %dma_start3A_52 = tpu.memref_slice %arg3[%add3A, %run_scoped3A_24, %dma_start3A_50, %dma_start3A_51] : memref<32x2x50x100xi32, #tpu.memory_space<hbm>> -> memref<1x1x50x100xi32, #tpu.memory_space<hbm>>
      %dma_start3A_53 = tpu.memref_squeeze %dma_start3A_52 : memref<1x1x50x100xi32, #tpu.memory_space<hbm>> -> memref<50x100xi32, #tpu.memory_space<hbm>>
      tpu.enqueue_dma source(%dma_start3A_53 : memref<50x100xi32, #tpu.memory_space<hbm>>) target(%arg6 : memref<50x100xi32, #tpu.memory_space<vmem>>) target_semaphore(%run_scoped3A_46 : memref<!tpu.dma_semaphore, #tpu.memory_space<semaphore_mem>>)
      %dma_wait3A = arith.constant 0 : i32
      %dma_wait3A_54 = arith.constant 0 : i32
      %dma_wait3A_55 = tpu.memref_slice %arg3[%add3A, %run_scoped3A_24, %dma_wait3A, %dma_wait3A_54] : memref<32x2x50x100xi32, #tpu.memory_space<hbm>> -> memref<1x1x50x100xi32, #tpu.memory_space<hbm>>
      %dma_wait3A_56 = tpu.memref_squeeze %dma_wait3A_55 : memref<1x1x50x100xi32, #tpu.memory_space<hbm>> -> memref<50x100xi32, #tpu.memory_space<hbm>>
      %dma_wait3A_57 = arith.constant 0 : i32
      %dma_wait3A_58 = arith.constant 0 : i32
      %dma_wait3A_59 = tpu.memref_slice %arg3[%add3A, %run_scoped3A_24, %dma_wait3A_57, %dma_wait3A_58] : memref<32x2x50x100xi32, #tpu.memory_space<hbm>> -> memref<1x1x50x100xi32, #tpu.memory_space<hbm>>
      %dma_wait3A_60 = tpu.memref_squeeze %dma_wait3A_59 : memref<1x1x50x100xi32, #tpu.memory_space<hbm>> -> memref<50x100xi32, #tpu.memory_space<hbm>>
      tpu.wait_dma2 semaphore(%run_scoped3A_46 : memref<!tpu.dma_semaphore, #tpu.memory_space<semaphore_mem>>) src(%dma_wait3A_60 : memref<50x100xi32, #tpu.memory_space<hbm>>) dst(%arg6 : memref<50x100xi32, #tpu.memory_space<vmem>>)
      tpu.yield
    }) : () -> ()
    %run_scoped3A_25 = arith.constant 1 : i32
    "tpu.region"() ({
      %run_scoped3A_46 = tpu.sem_alloc : memref<!tpu.dma_semaphore, #tpu.memory_space<semaphore_mem>>
      %dma_start3A = arith.constant 0 : i32
      %dma_start3A_47 = arith.constant 0 : i32
      %dma_start3A_48 = tpu.memref_slice %arg4[%add3A, %run_scoped3A_25, %dma_start3A, %dma_start3A_47] : memref<32x2x50x100xi32, #tpu.memory_space<hbm>> -> memref<1x1x50x100xi32, #tpu.memory_space<hbm>>
      %dma_start3A_49 = tpu.memref_squeeze %dma_start3A_48 : memref<1x1x50x100xi32, #tpu.memory_space<hbm>> -> memref<50x100xi32, #tpu.memory_space<hbm>>
      %dma_start3A_50 = arith.constant 0 : i32
      %dma_start3A_51 = arith.constant 0 : i32
      %dma_start3A_52 = tpu.memref_slice %arg4[%add3A, %run_scoped3A_25, %dma_start3A_50, %dma_start3A_51] : memref<32x2x50x100xi32, #tpu.memory_space<hbm>> -> memref<1x1x50x100xi32, #tpu.memory_space<hbm>>
      %dma_start3A_53 = tpu.memref_squeeze %dma_start3A_52 : memref<1x1x50x100xi32, #tpu.memory_space<hbm>> -> memref<50x100xi32, #tpu.memory_space<hbm>>
      tpu.enqueue_dma source(%dma_start3A_53 : memref<50x100xi32, #tpu.memory_space<hbm>>) target(%arg7 : memref<50x100xi32, #tpu.memory_space<vmem>>) target_semaphore(%run_scoped3A_46 : memref<!tpu.dma_semaphore, #tpu.memory_space<semaphore_mem>>)
      %dma_wait3A = arith.constant 0 : i32
      %dma_wait3A_54 = arith.constant 0 : i32
      %dma_wait3A_55 = tpu.memref_slice %arg4[%add3A, %run_scoped3A_25, %dma_wait3A, %dma_wait3A_54] : memref<32x2x50x100xi32, #tpu.memory_space<hbm>> -> memref<1x1x50x100xi32, #tpu.memory_space<hbm>>
      %dma_wait3A_56 = tpu.memref_squeeze %dma_wait3A_55 : memref<1x1x50x100xi32, #tpu.memory_space<hbm>> -> memref<50x100xi32, #tpu.memory_space<hbm>>
      %dma_wait3A_57 = arith.constant 0 : i32
      %dma_wait3A_58 = arith.constant 0 : i32
      %dma_wait3A_59 = tpu.memref_slice %arg4[%add3A, %run_scoped3A_25, %dma_wait3A_57, %dma_wait3A_58] : memref<32x2x50x100xi32, #tpu.memory_space<hbm>> -> memref<1x1x50x100xi32, #tpu.memory_space<hbm>>
      %dma_wait3A_60 = tpu.memref_squeeze %dma_wait3A_59 : memref<1x1x50x100xi32, #tpu.memory_space<hbm>> -> memref<50x100xi32, #tpu.memory_space<hbm>>
      tpu.wait_dma2 semaphore(%run_scoped3A_46 : memref<!tpu.dma_semaphore, #tpu.memory_space<semaphore_mem>>) src(%dma_wait3A_60 : memref<50x100xi32, #tpu.memory_space<hbm>>) dst(%arg7 : memref<50x100xi32, #tpu.memory_space<vmem>>)
      tpu.yield
    }) : () -> ()
    %scan3A_26 = arith.constant 0 : i32
    %scan3A_27 = arith.constant 0 : i32
    %scan3A_28 = arith.constant 25 : i32
    %scan3A_29 = arith.addi %scan3A_27, %scan3A_28 : i32
    %scan3A_30 = arith.constant 1 : i32
    %scan3A_31 = scf.for %scan3A_46 = %scan3A_27 to %scan3A_29 step %scan3A_30 iter_args(%scan3A_47 = %scan3A_26) -> (i32)  : i32 {
      %mul3A_48 = arith.constant 2 : i32
      %mul3A_49 = arith.muli %mul3A_48, %scan3A_46 : i32
      %dma_start3A = arith.constant 0 : i32
      %dma_start3A_50 = tpu.memref_slice %arg6[%mul3A_49, %dma_start3A] : memref<50x100xi32, #tpu.memory_space<vmem>> -> memref<1x100xi32, #tpu.memory_space<vmem>>
      %dma_start3A_51 = tpu.memref_squeeze %dma_start3A_50 : memref<1x100xi32, #tpu.memory_space<vmem>> -> memref<100xi32, #tpu.memory_space<vmem>>
      %dma_start3A_52 = arith.constant 0 : i32
      %dma_start3A_53 = arith.constant 0 : i32
      %dma_start3A_54 = tpu.memref_slice %arg2[%dma_start3A_52, %dma_start3A_53] : memref<10000x128xf32, #tpu.memory_space<hbm>> -> memref<10000x128xf32, #tpu.memory_space<hbm>>
      tpu.enqueue_indirect_dma source(%dma_start3A_54 : memref<10000x128xf32, #tpu.memory_space<hbm>>) target(%arg8 : memref<100x128xf32, #tpu.memory_space<vmem>>) offsets(%dma_start3A_51 : memref<100xi32, #tpu.memory_space<vmem>>) semaphore(%arg11 : memref<!tpu.dma_semaphore, #tpu.memory_space<semaphore_mem>>)
      %dma_wait3A = arith.constant 0 : i32
      %dma_wait3A_55 = tpu.memref_slice %arg6[%mul3A_49, %dma_wait3A] : memref<50x100xi32, #tpu.memory_space<vmem>> -> memref<1x100xi32, #tpu.memory_space<vmem>>
      %dma_wait3A_56 = tpu.memref_squeeze %dma_wait3A_55 : memref<1x100xi32, #tpu.memory_space<vmem>> -> memref<100xi32, #tpu.memory_space<vmem>>
      %dma_wait3A_57 = arith.constant 0 : i32
      %dma_wait3A_58 = arith.constant 0 : i32
      %dma_wait3A_59 = tpu.memref_slice %arg2[%dma_wait3A_57, %dma_wait3A_58] : memref<10000x128xf32, #tpu.memory_space<hbm>> -> memref<10000x128xf32, #tpu.memory_space<hbm>>
      tpu.wait_indirect_dma semaphore(%arg11 : memref<!tpu.dma_semaphore, #tpu.memory_space<semaphore_mem>>) src(%dma_wait3A_59 : memref<10000x128xf32, #tpu.memory_space<hbm>>) dst(%arg8 : memref<100x128xf32, #tpu.memory_space<vmem>>)
      "tpu.region"() ({
        %run_scoped3A_77 = tpu.sem_alloc : memref<!tpu.dma_semaphore, #tpu.memory_space<semaphore_mem>>
        %dma_start3A_78 = arith.constant 0 : i32
        %dma_start3A_79 = tpu.memref_slice %arg7[%mul3A_49, %dma_start3A_78] : memref<50x100xi32, #tpu.memory_space<vmem>> -> memref<1x100xi32, #tpu.memory_space<vmem>>
        %dma_start3A_80 = tpu.memref_squeeze %dma_start3A_79 : memref<1x100xi32, #tpu.memory_space<vmem>> -> memref<100xi32, #tpu.memory_space<vmem>>
        %dma_start3A_81 = arith.constant 0 : i32
        %dma_start3A_82 = arith.constant 0 : i32
        %dma_start3A_83 = tpu.memref_slice %arg10[%dma_start3A_81, %dma_start3A_82] : memref<10000x128xf32, #tpu.memory_space<vmem_shared>> -> memref<10000x128xf32, #tpu.memory_space<vmem_shared>>
        tpu.enqueue_indirect_dma source(%arg8 : memref<100x128xf32, #tpu.memory_space<vmem>>) target(%dma_start3A_83 : memref<10000x128xf32, #tpu.memory_space<vmem_shared>>) offsets(%dma_start3A_80 : memref<100xi32, #tpu.memory_space<vmem>>) semaphore(%run_scoped3A_77 : memref<!tpu.dma_semaphore, #tpu.memory_space<semaphore_mem>>) {add = true}
        %dma_wait3A_84 = arith.constant 0 : i32
        %dma_wait3A_85 = tpu.memref_slice %arg7[%mul3A_49, %dma_wait3A_84] : memref<50x100xi32, #tpu.memory_space<vmem>> -> memref<1x100xi32, #tpu.memory_space<vmem>>
        %dma_wait3A_86 = tpu.memref_squeeze %dma_wait3A_85 : memref<1x100xi32, #tpu.memory_space<vmem>> -> memref<100xi32, #tpu.memory_space<vmem>>
        %dma_wait3A_87 = arith.constant 0 : i32
        %dma_wait3A_88 = arith.constant 0 : i32
        %dma_wait3A_89 = tpu.memref_slice %arg10[%dma_wait3A_87, %dma_wait3A_88] : memref<10000x128xf32, #tpu.memory_space<vmem_shared>> -> memref<10000x128xf32, #tpu.memory_space<vmem_shared>>
        tpu.wait_indirect_dma semaphore(%run_scoped3A_77 : memref<!tpu.dma_semaphore, #tpu.memory_space<semaphore_mem>>) src(%arg8 : memref<100x128xf32, #tpu.memory_space<vmem>>) dst(%dma_wait3A_89 : memref<10000x128xf32, #tpu.memory_space<vmem_shared>>)
        tpu.yield
      }) : () -> ()
      %add3A_60 = arith.constant 1 : i32
      %add3A_61 = arith.addi %mul3A_49, %add3A_60 : i32
      %dma_start3A_62 = arith.constant 0 : i32
      %dma_start3A_63 = tpu.memref_slice %arg6[%add3A_61, %dma_start3A_62] : memref<50x100xi32, #tpu.memory_space<vmem>> -> memref<1x100xi32, #tpu.memory_space<vmem>>
      %dma_start3A_64 = tpu.memref_squeeze %dma_start3A_63 : memref<1x100xi32, #tpu.memory_space<vmem>> -> memref<100xi32, #tpu.memory_space<vmem>>
      %dma_start3A_65 = arith.constant 0 : i32
      %dma_start3A_66 = arith.constant 0 : i32
      %dma_start3A_67 = tpu.memref_slice %arg2[%dma_start3A_65, %dma_start3A_66] : memref<10000x128xf32, #tpu.memory_space<hbm>> -> memref<10000x128xf32, #tpu.memory_space<hbm>>
      tpu.enqueue_indirect_dma source(%dma_start3A_67 : memref<10000x128xf32, #tpu.memory_space<hbm>>) target(%arg9 : memref<100x128xf32, #tpu.memory_space<vmem>>) offsets(%dma_start3A_64 : memref<100xi32, #tpu.memory_space<vmem>>) semaphore(%arg12 : memref<!tpu.dma_semaphore, #tpu.memory_space<semaphore_mem>>)
      %dma_wait3A_68 = arith.constant 0 : i32
      %dma_wait3A_69 = tpu.memref_slice %arg6[%add3A_61, %dma_wait3A_68] : memref<50x100xi32, #tpu.memory_space<vmem>> -> memref<1x100xi32, #tpu.memory_space<vmem>>
      %dma_wait3A_70 = tpu.memref_squeeze %dma_wait3A_69 : memref<1x100xi32, #tpu.memory_space<vmem>> -> memref<100xi32, #tpu.memory_space<vmem>>
      %dma_wait3A_71 = arith.constant 0 : i32
      %dma_wait3A_72 = arith.constant 0 : i32
      %dma_wait3A_73 = tpu.memref_slice %arg2[%dma_wait3A_71, %dma_wait3A_72] : memref<10000x128xf32, #tpu.memory_space<hbm>> -> memref<10000x128xf32, #tpu.memory_space<hbm>>
      tpu.wait_indirect_dma semaphore(%arg12 : memref<!tpu.dma_semaphore, #tpu.memory_space<semaphore_mem>>) src(%dma_wait3A_73 : memref<10000x128xf32, #tpu.memory_space<hbm>>) dst(%arg9 : memref<100x128xf32, #tpu.memory_space<vmem>>)
      %add3A_74 = arith.constant 1 : i32
      %add3A_75 = arith.addi %mul3A_49, %add3A_74 : i32
      "tpu.region"() ({
        %run_scoped3A_77 = tpu.sem_alloc : memref<!tpu.dma_semaphore, #tpu.memory_space<semaphore_mem>>
        %dma_start3A_78 = arith.constant 0 : i32
        %dma_start3A_79 = tpu.memref_slice %arg7[%add3A_75, %dma_start3A_78] : memref<50x100xi32, #tpu.memory_space<vmem>> -> memref<1x100xi32, #tpu.memory_space<vmem>>
        %dma_start3A_80 = tpu.memref_squeeze %dma_start3A_79 : memref<1x100xi32, #tpu.memory_space<vmem>> -> memref<100xi32, #tpu.memory_space<vmem>>
        %dma_start3A_81 = arith.constant 0 : i32
        %dma_start3A_82 = arith.constant 0 : i32
        %dma_start3A_83 = tpu.memref_slice %arg10[%dma_start3A_81, %dma_start3A_82] : memref<10000x128xf32, #tpu.memory_space<vmem_shared>> -> memref<10000x128xf32, #tpu.memory_space<vmem_shared>>
        tpu.enqueue_indirect_dma source(%arg9 : memref<100x128xf32, #tpu.memory_space<vmem>>) target(%dma_start3A_83 : memref<10000x128xf32, #tpu.memory_space<vmem_shared>>) offsets(%dma_start3A_80 : memref<100xi32, #tpu.memory_space<vmem>>) semaphore(%run_scoped3A_77 : memref<!tpu.dma_semaphore, #tpu.memory_space<semaphore_mem>>) {add = true}
        %dma_wait3A_84 = arith.constant 0 : i32
        %dma_wait3A_85 = tpu.memref_slice %arg7[%add3A_75, %dma_wait3A_84] : memref<50x100xi32, #tpu.memory_space<vmem>> -> memref<1x100xi32, #tpu.memory_space<vmem>>
        %dma_wait3A_86 = tpu.memref_squeeze %dma_wait3A_85 : memref<1x100xi32, #tpu.memory_space<vmem>> -> memref<100xi32, #tpu.memory_space<vmem>>
        %dma_wait3A_87 = arith.constant 0 : i32
        %dma_wait3A_88 = arith.constant 0 : i32
        %dma_wait3A_89 = tpu.memref_slice %arg10[%dma_wait3A_87, %dma_wait3A_88] : memref<10000x128xf32, #tpu.memory_space<vmem_shared>> -> memref<10000x128xf32, #tpu.memory_space<vmem_shared>>
        tpu.wait_indirect_dma semaphore(%run_scoped3A_77 : memref<!tpu.dma_semaphore, #tpu.memory_space<semaphore_mem>>) src(%arg9 : memref<100x128xf32, #tpu.memory_space<vmem>>) dst(%dma_wait3A_89 : memref<10000x128xf32, #tpu.memory_space<vmem_shared>>)
        tpu.yield
      }) : () -> ()
      %scan3A_76 = arith.constant 0 : i32
      scf.yield %scan3A_76 : i32
    }
    %scan3A_32 = arith.constant 25 : i32
    %barrier3A_33 = arith.constant 0 : index
    tpu.barrier barrier_id(%barrier3A_33)
    %scan3A_34 = arith.constant 0 : i32
    %scan3A_35 = arith.constant 0 : i32
    %scan3A_36 = arith.constant 6 : i32
    %scan3A_37 = arith.addi %scan3A_35, %scan3A_36 : i32
    %scan3A_38 = arith.constant 1 : i32
    %scan3A_39 = scf.for %scan3A_46 = %scan3A_35 to %scan3A_37 step %scan3A_38 iter_args(%scan3A_47 = %scan3A_34) -> (i32)  : i32 {
      %mul3A_48 = arith.constant 16 : i32
      %mul3A_49 = arith.muli %mul3A_48, %scan3A_46 : i32
      %add3A_50 = arith.addi %arg1, %mul3A_49 : i32
      %lt3A = arith.constant 83 : i32
      %lt3A_51 = arith.cmpi slt, %add3A_50, %lt3A : i32
      %convert_element_type3A_52 = arith.extui %lt3A_51 : i1 to i32
      %cond3A_53 = arith.constant 0 : i32
      %cond3A_54 = arith.cmpi ne, %convert_element_type3A_52, %cond3A_53 : i32
      scf.if %cond3A_54 {
        %mul3A_56 = arith.constant 120 : i32
        %mul3A_57 = arith.muli %add3A_50, %mul3A_56 : i32
        "tpu.region"() ({
          %run_scoped3A_60 = tpu.sem_alloc : memref<!tpu.dma_semaphore, #tpu.memory_space<semaphore_mem>>
          %dma_start3A = arith.constant 0 : i32
          %dma_start3A_61 = arith.constant 0 : i32
          %dma_start3A_62 = tpu.memref_slice %arg8[%dma_start3A, %dma_start3A_61] : memref<100x128xf32, #tpu.memory_space<vmem>> -> memref<120x128xf32, #tpu.memory_space<vmem>>
          %dma_start3A_63 = arith.constant 0 : i32
          %dma_start3A_64 = tpu.memref_slice %arg10[%mul3A_57, %dma_start3A_63] : memref<10000x128xf32, #tpu.memory_space<vmem_shared>> -> memref<120x128xf32, #tpu.memory_space<vmem_shared>>
          %dma_start3A_65 = arith.constant 0 : i32
          %dma_start3A_66 = arith.constant 0 : i32
          %dma_start3A_67 = tpu.memref_slice %arg8[%dma_start3A_65, %dma_start3A_66] : memref<100x128xf32, #tpu.memory_space<vmem>> -> memref<120x128xf32, #tpu.memory_space<vmem>>
          %dma_start3A_68 = arith.constant 0 : i32
          %dma_start3A_69 = tpu.memref_slice %arg10[%mul3A_57, %dma_start3A_68] : memref<10000x128xf32, #tpu.memory_space<vmem_shared>> -> memref<120x128xf32, #tpu.memory_space<vmem_shared>>
          tpu.enqueue_dma source(%dma_start3A_69 : memref<120x128xf32, #tpu.memory_space<vmem_shared>>) target(%dma_start3A_67 : memref<120x128xf32, #tpu.memory_space<vmem>>) target_semaphore(%run_scoped3A_60 : memref<!tpu.dma_semaphore, #tpu.memory_space<semaphore_mem>>)
          %dma_wait3A = arith.constant 0 : i32
          %dma_wait3A_70 = arith.constant 0 : i32
          %dma_wait3A_71 = tpu.memref_slice %arg8[%dma_wait3A, %dma_wait3A_70] : memref<100x128xf32, #tpu.memory_space<vmem>> -> memref<120x128xf32, #tpu.memory_space<vmem>>
          %dma_wait3A_72 = arith.constant 0 : i32
          %dma_wait3A_73 = tpu.memref_slice %arg10[%mul3A_57, %dma_wait3A_72] : memref<10000x128xf32, #tpu.memory_space<vmem_shared>> -> memref<120x128xf32, #tpu.memory_space<vmem_shared>>
          %dma_wait3A_74 = arith.constant 0 : i32
          %dma_wait3A_75 = arith.constant 0 : i32
          %dma_wait3A_76 = tpu.memref_slice %arg8[%dma_wait3A_74, %dma_wait3A_75] : memref<100x128xf32, #tpu.memory_space<vmem>> -> memref<120x128xf32, #tpu.memory_space<vmem>>
          %dma_wait3A_77 = arith.constant 0 : i32
          %dma_wait3A_78 = tpu.memref_slice %arg10[%mul3A_57, %dma_wait3A_77] : memref<10000x128xf32, #tpu.memory_space<vmem_shared>> -> memref<120x128xf32, #tpu.memory_space<vmem_shared>>
          tpu.wait_dma2 semaphore(%run_scoped3A_60 : memref<!tpu.dma_semaphore, #tpu.memory_space<semaphore_mem>>) src(%dma_wait3A_78 : memref<120x128xf32, #tpu.memory_space<vmem_shared>>) dst(%dma_wait3A_76 : memref<120x128xf32, #tpu.memory_space<vmem>>)
          tpu.yield
        }) : () -> ()
        %mul3A_58 = arith.constant 120 : i32
        %mul3A_59 = arith.muli %add3A_50, %mul3A_58 : i32
        "tpu.region"() ({
          %run_scoped3A_60 = tpu.sem_alloc : memref<!tpu.dma_semaphore, #tpu.memory_space<semaphore_mem>>
          %dma_start3A = arith.constant 0 : i32
          %dma_start3A_61 = arith.constant 0 : i32
          %dma_start3A_62 = tpu.memref_slice %arg8[%dma_start3A, %dma_start3A_61] : memref<100x128xf32, #tpu.memory_space<vmem>> -> memref<120x128xf32, #tpu.memory_space<vmem>>
          %dma_start3A_63 = arith.constant 0 : i32
          %dma_start3A_64 = tpu.memref_slice %arg5[%arg0, %mul3A_59, %dma_start3A_63] : memref<2x10000x128xf32, #tpu.memory_space<hbm>> -> memref<1x120x128xf32, #tpu.memory_space<hbm>>
          %dma_start3A_65 = tpu.memref_squeeze %dma_start3A_64 : memref<1x120x128xf32, #tpu.memory_space<hbm>> -> memref<120x128xf32, #tpu.memory_space<hbm>>
          %dma_start3A_66 = arith.constant 0 : i32
          %dma_start3A_67 = tpu.memref_slice %arg5[%arg0, %mul3A_59, %dma_start3A_66] : memref<2x10000x128xf32, #tpu.memory_space<hbm>> -> memref<1x120x128xf32, #tpu.memory_space<hbm>>
          %dma_start3A_68 = tpu.memref_squeeze %dma_start3A_67 : memref<1x120x128xf32, #tpu.memory_space<hbm>> -> memref<120x128xf32, #tpu.memory_space<hbm>>
          %dma_start3A_69 = arith.constant 0 : i32
          %dma_start3A_70 = arith.constant 0 : i32
          %dma_start3A_71 = tpu.memref_slice %arg8[%dma_start3A_69, %dma_start3A_70] : memref<100x128xf32, #tpu.memory_space<vmem>> -> memref<120x128xf32, #tpu.memory_space<vmem>>
          tpu.enqueue_dma source(%dma_start3A_71 : memref<120x128xf32, #tpu.memory_space<vmem>>) target(%dma_start3A_68 : memref<120x128xf32, #tpu.memory_space<hbm>>) target_semaphore(%run_scoped3A_60 : memref<!tpu.dma_semaphore, #tpu.memory_space<semaphore_mem>>)
          %dma_wait3A = arith.constant 0 : i32
          %dma_wait3A_72 = arith.constant 0 : i32
          %dma_wait3A_73 = tpu.memref_slice %arg8[%dma_wait3A, %dma_wait3A_72] : memref<100x128xf32, #tpu.memory_space<vmem>> -> memref<120x128xf32, #tpu.memory_space<vmem>>
          %dma_wait3A_74 = arith.constant 0 : i32
          %dma_wait3A_75 = tpu.memref_slice %arg5[%arg0, %mul3A_59, %dma_wait3A_74] : memref<2x10000x128xf32, #tpu.memory_space<hbm>> -> memref<1x120x128xf32, #tpu.memory_space<hbm>>
          %dma_wait3A_76 = tpu.memref_squeeze %dma_wait3A_75 : memref<1x120x128xf32, #tpu.memory_space<hbm>> -> memref<120x128xf32, #tpu.memory_space<hbm>>
          %dma_wait3A_77 = arith.constant 0 : i32
          %dma_wait3A_78 = tpu.memref_slice %arg5[%arg0, %mul3A_59, %dma_wait3A_77] : memref<2x10000x128xf32, #tpu.memory_space<hbm>> -> memref<1x120x128xf32, #tpu.memory_space<hbm>>
          %dma_wait3A_79 = tpu.memref_squeeze %dma_wait3A_78 : memref<1x120x128xf32, #tpu.memory_space<hbm>> -> memref<120x128xf32, #tpu.memory_space<hbm>>
          %dma_wait3A_80 = arith.constant 0 : i32
          %dma_wait3A_81 = arith.constant 0 : i32
          %dma_wait3A_82 = tpu.memref_slice %arg8[%dma_wait3A_80, %dma_wait3A_81] : memref<100x128xf32, #tpu.memory_space<vmem>> -> memref<120x128xf32, #tpu.memory_space<vmem>>
          tpu.wait_dma2 semaphore(%run_scoped3A_60 : memref<!tpu.dma_semaphore, #tpu.memory_space<semaphore_mem>>) src(%dma_wait3A_82 : memref<120x128xf32, #tpu.memory_space<vmem>>) dst(%dma_wait3A_79 : memref<120x128xf32, #tpu.memory_space<hbm>>)
          tpu.yield
        }) : () -> ()
      } else {
      }
      %scan3A_55 = arith.constant 0 : i32
      scf.yield %scan3A_55 : i32
    }
    %scan3A_40 = arith.constant 6 : i32
    %eq3A_41 = arith.constant 0 : i32
    %eq3A_42 = arith.cmpi eq, %arg1, %eq3A_41 : i32
    %convert_element_type3A_43 = arith.extui %eq3A_42 : i1 to i32
    %cond3A_44 = arith.constant 0 : i32
    %cond3A_45 = arith.cmpi ne, %convert_element_type3A_43, %cond3A_44 : i32
    scf.if %cond3A_45 {
      "tpu.region"() ({
        %run_scoped3A_46 = tpu.sem_alloc : memref<!tpu.dma_semaphore, #tpu.memory_space<semaphore_mem>>
        %dma_start3A = arith.constant 0 : i32
        %dma_start3A_47 = arith.constant 0 : i32
        %dma_start3A_48 = tpu.memref_slice %arg8[%dma_start3A, %dma_start3A_47] : memref<100x128xf32, #tpu.memory_space<vmem>> -> memref<40x128xf32, #tpu.memory_space<vmem>>
        %dma_start3A_49 = arith.constant 9960 : i32
        %dma_start3A_50 = arith.constant 0 : i32
        %dma_start3A_51 = tpu.memref_slice %arg10[%dma_start3A_49, %dma_start3A_50] : memref<10000x128xf32, #tpu.memory_space<vmem_shared>> -> memref<40x128xf32, #tpu.memory_space<vmem_shared>>
        %dma_start3A_52 = arith.constant 0 : i32
        %dma_start3A_53 = arith.constant 0 : i32
        %dma_start3A_54 = tpu.memref_slice %arg8[%dma_start3A_52, %dma_start3A_53] : memref<100x128xf32, #tpu.memory_space<vmem>> -> memref<40x128xf32, #tpu.memory_space<vmem>>
        %dma_start3A_55 = arith.constant 9960 : i32
        %dma_start3A_56 = arith.constant 0 : i32
        %dma_start3A_57 = tpu.memref_slice %arg10[%dma_start3A_55, %dma_start3A_56] : memref<10000x128xf32, #tpu.memory_space<vmem_shared>> -> memref<40x128xf32, #tpu.memory_space<vmem_shared>>
        tpu.enqueue_dma source(%dma_start3A_57 : memref<40x128xf32, #tpu.memory_space<vmem_shared>>) target(%dma_start3A_54 : memref<40x128xf32, #tpu.memory_space<vmem>>) target_semaphore(%run_scoped3A_46 : memref<!tpu.dma_semaphore, #tpu.memory_space<semaphore_mem>>)
        %dma_wait3A = arith.constant 0 : i32
        %dma_wait3A_58 = arith.constant 0 : i32
        %dma_wait3A_59 = tpu.memref_slice %arg8[%dma_wait3A, %dma_wait3A_58] : memref<100x128xf32, #tpu.memory_space<vmem>> -> memref<40x128xf32, #tpu.memory_space<vmem>>
        %dma_wait3A_60 = arith.constant 9960 : i32
        %dma_wait3A_61 = arith.constant 0 : i32
        %dma_wait3A_62 = tpu.memref_slice %arg10[%dma_wait3A_60, %dma_wait3A_61] : memref<10000x128xf32, #tpu.memory_space<vmem_shared>> -> memref<40x128xf32, #tpu.memory_space<vmem_shared>>
        %dma_wait3A_63 = arith.constant 0 : i32
        %dma_wait3A_64 = arith.constant 0 : i32
        %dma_wait3A_65 = tpu.memref_slice %arg8[%dma_wait3A_63, %dma_wait3A_64] : memref<100x128xf32, #tpu.memory_space<vmem>> -> memref<40x128xf32, #tpu.memory_space<vmem>>
        %dma_wait3A_66 = arith.constant 9960 : i32
        %dma_wait3A_67 = arith.constant 0 : i32
        %dma_wait3A_68 = tpu.memref_slice %arg10[%dma_wait3A_66, %dma_wait3A_67] : memref<10000x128xf32, #tpu.memory_space<vmem_shared>> -> memref<40x128xf32, #tpu.memory_space<vmem_shared>>
        tpu.wait_dma2 semaphore(%run_scoped3A_46 : memref<!tpu.dma_semaphore, #tpu.memory_space<semaphore_mem>>) src(%dma_wait3A_68 : memref<40x128xf32, #tpu.memory_space<vmem_shared>>) dst(%dma_wait3A_65 : memref<40x128xf32, #tpu.memory_space<vmem>>)
        tpu.yield
      }) : () -> ()
      "tpu.region"() ({
        %run_scoped3A_46 = tpu.sem_alloc : memref<!tpu.dma_semaphore, #tpu.memory_space<semaphore_mem>>
        %dma_start3A = arith.constant 0 : i32
        %dma_start3A_47 = arith.constant 0 : i32
        %dma_start3A_48 = tpu.memref_slice %arg8[%dma_start3A, %dma_start3A_47] : memref<100x128xf32, #tpu.memory_space<vmem>> -> memref<40x128xf32, #tpu.memory_space<vmem>>
        %dma_start3A_49 = arith.constant 9960 : i32
        %dma_start3A_50 = arith.constant 0 : i32
        %dma_start3A_51 = tpu.memref_slice %arg5[%arg0, %dma_start3A_49, %dma_start3A_50] : memref<2x10000x128xf32, #tpu.memory_space<hbm>> -> memref<1x40x128xf32, #tpu.memory_space<hbm>>
        %dma_start3A_52 = tpu.memref_squeeze %dma_start3A_51 : memref<1x40x128xf32, #tpu.memory_space<hbm>> -> memref<40x128xf32, #tpu.memory_space<hbm>>
        %dma_start3A_53 = arith.constant 9960 : i32
        %dma_start3A_54 = arith.constant 0 : i32
        %dma_start3A_55 = tpu.memref_slice %arg5[%arg0, %dma_start3A_53, %dma_start3A_54] : memref<2x10000x128xf32, #tpu.memory_space<hbm>> -> memref<1x40x128xf32, #tpu.memory_space<hbm>>
        %dma_start3A_56 = tpu.memref_squeeze %dma_start3A_55 : memref<1x40x128xf32, #tpu.memory_space<hbm>> -> memref<40x128xf32, #tpu.memory_space<hbm>>
        %dma_start3A_57 = arith.constant 0 : i32
        %dma_start3A_58 = arith.constant 0 : i32
        %dma_start3A_59 = tpu.memref_slice %arg8[%dma_start3A_57, %dma_start3A_58] : memref<100x128xf32, #tpu.memory_space<vmem>> -> memref<40x128xf32, #tpu.memory_space<vmem>>
        tpu.enqueue_dma source(%dma_start3A_59 : memref<40x128xf32, #tpu.memory_space<vmem>>) target(%dma_start3A_56 : memref<40x128xf32, #tpu.memory_space<hbm>>) target_semaphore(%run_scoped3A_46 : memref<!tpu.dma_semaphore, #tpu.memory_space<semaphore_mem>>)
        %dma_wait3A = arith.constant 0 : i32
        %dma_wait3A_60 = arith.constant 0 : i32
        %dma_wait3A_61 = tpu.memref_slice %arg8[%dma_wait3A, %dma_wait3A_60] : memref<100x128xf32, #tpu.memory_space<vmem>> -> memref<40x128xf32, #tpu.memory_space<vmem>>
        %dma_wait3A_62 = arith.constant 9960 : i32
        %dma_wait3A_63 = arith.constant 0 : i32
        %dma_wait3A_64 = tpu.memref_slice %arg5[%arg0, %dma_wait3A_62, %dma_wait3A_63] : memref<2x10000x128xf32, #tpu.memory_space<hbm>> -> memref<1x40x128xf32, #tpu.memory_space<hbm>>
        %dma_wait3A_65 = tpu.memref_squeeze %dma_wait3A_64 : memref<1x40x128xf32, #tpu.memory_space<hbm>> -> memref<40x128xf32, #tpu.memory_space<hbm>>
        %dma_wait3A_66 = arith.constant 9960 : i32
        %dma_wait3A_67 = arith.constant 0 : i32
        %dma_wait3A_68 = tpu.memref_slice %arg5[%arg0, %dma_wait3A_66, %dma_wait3A_67] : memref<2x10000x128xf32, #tpu.memory_space<hbm>> -> memref<1x40x128xf32, #tpu.memory_space<hbm>>
        %dma_wait3A_69 = tpu.memref_squeeze %dma_wait3A_68 : memref<1x40x128xf32, #tpu.memory_space<hbm>> -> memref<40x128xf32, #tpu.memory_space<hbm>>
        %dma_wait3A_70 = arith.constant 0 : i32
        %dma_wait3A_71 = arith.constant 0 : i32
        %dma_wait3A_72 = tpu.memref_slice %arg8[%dma_wait3A_70, %dma_wait3A_71] : memref<100x128xf32, #tpu.memory_space<vmem>> -> memref<40x128xf32, #tpu.memory_space<vmem>>
        tpu.wait_dma2 semaphore(%run_scoped3A_46 : memref<!tpu.dma_semaphore, #tpu.memory_space<semaphore_mem>>) src(%dma_wait3A_72 : memref<40x128xf32, #tpu.memory_space<vmem>>) dst(%dma_wait3A_69 : memref<40x128xf32, #tpu.memory_space<hbm>>)
        tpu.yield
      }) : () -> ()
    } else {
    }
    return
  }
}

#map = affine_map<(d0, d1) -> (0, 0, 0)>
module attributes {stable_mosaic.version = 14 : i64} {
  func.func @k(%arg0: i32, %arg1: i32, %arg2: memref<32x100x100xi32, #tpu.memory_space<hbm>>, %arg3: memref<2x10000x16xf32, #tpu.memory_space<hbm>>, %arg4: memref<100x100xi32, #tpu.memory_space<vmem>>, %arg5: memref<100x16xf32, #tpu.memory_space<vmem>>, %arg6: memref<128x16xf32, #tpu.memory_space<vmem>>, %arg7: memref<10000x16xf32, #tpu.memory_space<vmem_shared>>, %arg8: memref<!tpu.dma_semaphore, #tpu.memory_space<semaphore_mem>>) attributes {dimension_semantics = [#tpu.dimension_semantics<core_parallel>, #tpu.dimension_semantics<subcore_parallel>], iteration_bounds = array<i64: 2, 16>, scalar_prefetch = 0 : i64, scratch_operands = 5 : i64, tpu.core_type = #tpu.core_type<sc_vector_subcore>, window_params = [{transform_indices = #map}, {transform_indices = #map}]} {
    %mul3A = arith.constant 2 : i32
    %mul3A_0 = arith.muli %arg1, %mul3A : i32
    %add3A = arith.addi %mul3A_0, %arg0 : i32
    %scan3A = arith.constant 0 : i32
    %scan3A_1 = arith.constant 0 : i32
    %scan3A_2 = arith.constant 100 : i32
    %scan3A_3 = arith.addi %scan3A_1, %scan3A_2 : i32
    %scan3A_4 = arith.constant 1 : i32
    %scan3A_5 = scf.for %scan3A_43 = %scan3A_1 to %scan3A_3 step %scan3A_4 iter_args(%scan3A_44 = %scan3A) -> (i32)  : i32 {
      %broadcast_in_dim3A = arith.constant 1.000000e+00 : f32
      %broadcast_in_dim3A_45 = vector.broadcast %broadcast_in_dim3A : f32 to vector<16xf32>
      %swap3A = arith.index_cast %scan3A_43 : i32 to index
      %swap3A_46 = arith.constant 0 : index
      %swap3A_47 = tpu.vector_load %arg5[%swap3A, %swap3A_46] {strides = array<i32>} : memref<100x16xf32, #tpu.memory_space<vmem>>, vector<1x16xf32>,
      %swap3A_48 = vector.shape_cast %swap3A_47 : vector<1x16xf32> to vector<16xf32>
      %swap3A_49 = vector.shape_cast %broadcast_in_dim3A_45 : vector<16xf32> to vector<1x16xf32>
      tpu.vector_store %arg5[%swap3A, %swap3A_46], %swap3A_49 {strides = array<i32>} : memref<100x16xf32, #tpu.memory_space<vmem>>, vector<1x16xf32>,
      %scan3A_50 = arith.constant 0 : i32
      scf.yield %scan3A_50 : i32
    }
    %scan3A_6 = arith.constant 100 : i32
    %scan3A_7 = arith.constant 0 : i32
    %scan3A_8 = arith.constant 0 : i32
    %scan3A_9 = arith.constant 128 : i32
    %scan3A_10 = arith.addi %scan3A_8, %scan3A_9 : i32
    %scan3A_11 = arith.constant 1 : i32
    %scan3A_12 = scf.for %scan3A_43 = %scan3A_8 to %scan3A_10 step %scan3A_11 iter_args(%scan3A_44 = %scan3A_7) -> (i32)  : i32 {
      %broadcast_in_dim3A = arith.constant 0.000000e+00 : f32
      %broadcast_in_dim3A_45 = vector.broadcast %broadcast_in_dim3A : f32 to vector<16xf32>
      %swap3A = arith.index_cast %scan3A_43 : i32 to index
      %swap3A_46 = arith.constant 0 : index
      %swap3A_47 = tpu.vector_load %arg6[%swap3A, %swap3A_46] {strides = array<i32>} : memref<128x16xf32, #tpu.memory_space<vmem>>, vector<1x16xf32>,
      %swap3A_48 = vector.shape_cast %swap3A_47 : vector<1x16xf32> to vector<16xf32>
      %swap3A_49 = vector.shape_cast %broadcast_in_dim3A_45 : vector<16xf32> to vector<1x16xf32>
      tpu.vector_store %arg6[%swap3A, %swap3A_46], %swap3A_49 {strides = array<i32>} : memref<128x16xf32, #tpu.memory_space<vmem>>, vector<1x16xf32>,
      %scan3A_50 = arith.constant 0 : i32
      scf.yield %scan3A_50 : i32
    }
    %scan3A_13 = arith.constant 128 : i32
    %scan3A_14 = arith.constant 0 : i32
    %scan3A_15 = arith.constant 0 : i32
    %scan3A_16 = arith.constant 5 : i32
    %scan3A_17 = arith.addi %scan3A_15, %scan3A_16 : i32
    %scan3A_18 = arith.constant 1 : i32
    %scan3A_19 = scf.for %scan3A_43 = %scan3A_15 to %scan3A_17 step %scan3A_18 iter_args(%scan3A_44 = %scan3A_14) -> (i32)  : i32 {
      %mul3A_45 = arith.constant 16 : i32
      %mul3A_46 = arith.muli %mul3A_45, %scan3A_43 : i32
      %add3A_47 = arith.addi %arg1, %mul3A_46 : i32
      %lt3A = arith.constant 78 : i32
      %lt3A_48 = arith.cmpi slt, %add3A_47, %lt3A : i32
      %convert_element_type3A_49 = arith.extui %lt3A_48 : i1 to i32
      %cond3A_50 = arith.constant 0 : i32
      %cond3A_51 = arith.cmpi ne, %convert_element_type3A_49, %cond3A_50 : i32
      scf.if %cond3A_51 {
        %mul3A_53 = arith.constant 128 : i32
        %mul3A_54 = arith.muli %add3A_47, %mul3A_53 : i32
        "tpu.region"() ({
          %run_scoped3A = tpu.sem_alloc : memref<!tpu.dma_semaphore, #tpu.memory_space<semaphore_mem>>
          %dma_start3A = arith.constant 0 : i32
          %dma_start3A_55 = tpu.memref_slice %arg7[%mul3A_54, %dma_start3A] : memref<10000x16xf32, #tpu.memory_space<vmem_shared>> -> memref<128x16xf32, #tpu.memory_space<vmem_shared>>
          %dma_start3A_56 = arith.constant 0 : i32
          %dma_start3A_57 = tpu.memref_slice %arg7[%mul3A_54, %dma_start3A_56] : memref<10000x16xf32, #tpu.memory_space<vmem_shared>> -> memref<128x16xf32, #tpu.memory_space<vmem_shared>>
          tpu.enqueue_dma source(%arg6 : memref<128x16xf32, #tpu.memory_space<vmem>>) target(%dma_start3A_57 : memref<128x16xf32, #tpu.memory_space<vmem_shared>>) target_semaphore(%run_scoped3A : memref<!tpu.dma_semaphore, #tpu.memory_space<semaphore_mem>>)
          %dma_wait3A = arith.constant 0 : i32
          %dma_wait3A_58 = tpu.memref_slice %arg7[%mul3A_54, %dma_wait3A] : memref<10000x16xf32, #tpu.memory_space<vmem_shared>> -> memref<128x16xf32, #tpu.memory_space<vmem_shared>>
          %dma_wait3A_59 = arith.constant 0 : i32
          %dma_wait3A_60 = tpu.memref_slice %arg7[%mul3A_54, %dma_wait3A_59] : memref<10000x16xf32, #tpu.memory_space<vmem_shared>> -> memref<128x16xf32, #tpu.memory_space<vmem_shared>>
          tpu.wait_dma2 semaphore(%run_scoped3A : memref<!tpu.dma_semaphore, #tpu.memory_space<semaphore_mem>>) src(%arg6 : memref<128x16xf32, #tpu.memory_space<vmem>>) dst(%dma_wait3A_60 : memref<128x16xf32, #tpu.memory_space<vmem_shared>>)
          tpu.yield
        }) : () -> ()
      } else {
      }
      %scan3A_52 = arith.constant 0 : i32
      scf.yield %scan3A_52 : i32
    }
    %scan3A_20 = arith.constant 5 : i32
    %eq3A = arith.constant 0 : i32
    %eq3A_21 = arith.cmpi eq, %arg1, %eq3A : i32
    %convert_element_type3A = arith.extui %eq3A_21 : i1 to i32
    %cond3A = arith.constant 0 : i32
    %cond3A_22 = arith.cmpi ne, %convert_element_type3A, %cond3A : i32
    scf.if %cond3A_22 {
      "tpu.region"() ({
        %run_scoped3A = tpu.sem_alloc : memref<!tpu.dma_semaphore, #tpu.memory_space<semaphore_mem>>
        %dma_start3A = arith.constant 0 : i32
        %dma_start3A_43 = arith.constant 0 : i32
        %dma_start3A_44 = tpu.memref_slice %arg6[%dma_start3A, %dma_start3A_43] : memref<128x16xf32, #tpu.memory_space<vmem>> -> memref<16x16xf32, #tpu.memory_space<vmem>>
        %dma_start3A_45 = arith.constant 9984 : i32
        %dma_start3A_46 = arith.constant 0 : i32
        %dma_start3A_47 = tpu.memref_slice %arg7[%dma_start3A_45, %dma_start3A_46] : memref<10000x16xf32, #tpu.memory_space<vmem_shared>> -> memref<16x16xf32, #tpu.memory_space<vmem_shared>>
        %dma_start3A_48 = arith.constant 9984 : i32
        %dma_start3A_49 = arith.constant 0 : i32
        %dma_start3A_50 = tpu.memref_slice %arg7[%dma_start3A_48, %dma_start3A_49] : memref<10000x16xf32, #tpu.memory_space<vmem_shared>> -> memref<16x16xf32, #tpu.memory_space<vmem_shared>>
        %dma_start3A_51 = arith.constant 0 : i32
        %dma_start3A_52 = arith.constant 0 : i32
        %dma_start3A_53 = tpu.memref_slice %arg6[%dma_start3A_51, %dma_start3A_52] : memref<128x16xf32, #tpu.memory_space<vmem>> -> memref<16x16xf32, #tpu.memory_space<vmem>>
        tpu.enqueue_dma source(%dma_start3A_53 : memref<16x16xf32, #tpu.memory_space<vmem>>) target(%dma_start3A_50 : memref<16x16xf32, #tpu.memory_space<vmem_shared>>) target_semaphore(%run_scoped3A : memref<!tpu.dma_semaphore, #tpu.memory_space<semaphore_mem>>)
        %dma_wait3A = arith.constant 0 : i32
        %dma_wait3A_54 = arith.constant 0 : i32
        %dma_wait3A_55 = tpu.memref_slice %arg6[%dma_wait3A, %dma_wait3A_54] : memref<128x16xf32, #tpu.memory_space<vmem>> -> memref<16x16xf32, #tpu.memory_space<vmem>>
        %dma_wait3A_56 = arith.constant 9984 : i32
        %dma_wait3A_57 = arith.constant 0 : i32
        %dma_wait3A_58 = tpu.memref_slice %arg7[%dma_wait3A_56, %dma_wait3A_57] : memref<10000x16xf32, #tpu.memory_space<vmem_shared>> -> memref<16x16xf32, #tpu.memory_space<vmem_shared>>
        %dma_wait3A_59 = arith.constant 9984 : i32
        %dma_wait3A_60 = arith.constant 0 : i32
        %dma_wait3A_61 = tpu.memref_slice %arg7[%dma_wait3A_59, %dma_wait3A_60] : memref<10000x16xf32, #tpu.memory_space<vmem_shared>> -> memref<16x16xf32, #tpu.memory_space<vmem_shared>>
        %dma_wait3A_62 = arith.constant 0 : i32
        %dma_wait3A_63 = arith.constant 0 : i32
        %dma_wait3A_64 = tpu.memref_slice %arg6[%dma_wait3A_62, %dma_wait3A_63] : memref<128x16xf32, #tpu.memory_space<vmem>> -> memref<16x16xf32, #tpu.memory_space<vmem>>
        tpu.wait_dma2 semaphore(%run_scoped3A : memref<!tpu.dma_semaphore, #tpu.memory_space<semaphore_mem>>) src(%dma_wait3A_64 : memref<16x16xf32, #tpu.memory_space<vmem>>) dst(%dma_wait3A_61 : memref<16x16xf32, #tpu.memory_space<vmem_shared>>)
        tpu.yield
      }) : () -> ()
    } else {
    }
    %barrier3A = arith.constant 0 : index
    tpu.barrier barrier_id(%barrier3A)
    "tpu.region"() ({
      %run_scoped3A = tpu.sem_alloc : memref<!tpu.dma_semaphore, #tpu.memory_space<semaphore_mem>>
      %dma_start3A = arith.constant 0 : i32
      %dma_start3A_43 = arith.constant 0 : i32
      %dma_start3A_44 = tpu.memref_slice %arg2[%add3A, %dma_start3A, %dma_start3A_43] : memref<32x100x100xi32, #tpu.memory_space<hbm>> -> memref<1x100x100xi32, #tpu.memory_space<hbm>>
      %dma_start3A_45 = tpu.memref_squeeze %dma_start3A_44 : memref<1x100x100xi32, #tpu.memory_space<hbm>> -> memref<100x100xi32, #tpu.memory_space<hbm>>
      %dma_start3A_46 = arith.constant 0 : i32
      %dma_start3A_47 = arith.constant 0 : i32
      %dma_start3A_48 = tpu.memref_slice %arg2[%add3A, %dma_start3A_46, %dma_start3A_47] : memref<32x100x100xi32, #tpu.memory_space<hbm>> -> memref<1x100x100xi32, #tpu.memory_space<hbm>>
      %dma_start3A_49 = tpu.memref_squeeze %dma_start3A_48 : memref<1x100x100xi32, #tpu.memory_space<hbm>> -> memref<100x100xi32, #tpu.memory_space<hbm>>
      tpu.enqueue_dma source(%dma_start3A_49 : memref<100x100xi32, #tpu.memory_space<hbm>>) target(%arg4 : memref<100x100xi32, #tpu.memory_space<vmem>>) target_semaphore(%run_scoped3A : memref<!tpu.dma_semaphore, #tpu.memory_space<semaphore_mem>>)
      %dma_wait3A = arith.constant 0 : i32
      %dma_wait3A_50 = arith.constant 0 : i32
      %dma_wait3A_51 = tpu.memref_slice %arg2[%add3A, %dma_wait3A, %dma_wait3A_50] : memref<32x100x100xi32, #tpu.memory_space<hbm>> -> memref<1x100x100xi32, #tpu.memory_space<hbm>>
      %dma_wait3A_52 = tpu.memref_squeeze %dma_wait3A_51 : memref<1x100x100xi32, #tpu.memory_space<hbm>> -> memref<100x100xi32, #tpu.memory_space<hbm>>
      %dma_wait3A_53 = arith.constant 0 : i32
      %dma_wait3A_54 = arith.constant 0 : i32
      %dma_wait3A_55 = tpu.memref_slice %arg2[%add3A, %dma_wait3A_53, %dma_wait3A_54] : memref<32x100x100xi32, #tpu.memory_space<hbm>> -> memref<1x100x100xi32, #tpu.memory_space<hbm>>
      %dma_wait3A_56 = tpu.memref_squeeze %dma_wait3A_55 : memref<1x100x100xi32, #tpu.memory_space<hbm>> -> memref<100x100xi32, #tpu.memory_space<hbm>>
      tpu.wait_dma2 semaphore(%run_scoped3A : memref<!tpu.dma_semaphore, #tpu.memory_space<semaphore_mem>>) src(%dma_wait3A_56 : memref<100x100xi32, #tpu.memory_space<hbm>>) dst(%arg4 : memref<100x100xi32, #tpu.memory_space<vmem>>)
      tpu.yield
    }) : () -> ()
    %scan3A_23 = arith.constant 0 : i32
    %scan3A_24 = arith.constant 0 : i32
    %scan3A_25 = arith.constant 100 : i32
    %scan3A_26 = arith.addi %scan3A_24, %scan3A_25 : i32
    %scan3A_27 = arith.constant 1 : i32
    %scan3A_28 = scf.for %scan3A_43 = %scan3A_24 to %scan3A_26 step %scan3A_27 iter_args(%scan3A_44 = %scan3A_23) -> (i32)  : i32 {
      "tpu.region"() ({
        %run_scoped3A = tpu.sem_alloc : memref<!tpu.dma_semaphore, #tpu.memory_space<semaphore_mem>>
        %dma_start3A = arith.constant 0 : i32
        %dma_start3A_46 = tpu.memref_slice %arg4[%scan3A_43, %dma_start3A] : memref<100x100xi32, #tpu.memory_space<vmem>> -> memref<1x100xi32, #tpu.memory_space<vmem>>
        %dma_start3A_47 = tpu.memref_squeeze %dma_start3A_46 : memref<1x100xi32, #tpu.memory_space<vmem>> -> memref<100xi32, #tpu.memory_space<vmem>>
        %dma_start3A_48 = arith.constant 0 : i32
        %dma_start3A_49 = arith.constant 0 : i32
        %dma_start3A_50 = tpu.memref_slice %arg7[%dma_start3A_48, %dma_start3A_49] : memref<10000x16xf32, #tpu.memory_space<vmem_shared>> -> memref<10000x16xf32, #tpu.memory_space<vmem_shared>>
        tpu.enqueue_indirect_dma source(%arg5 : memref<100x16xf32, #tpu.memory_space<vmem>>) target(%dma_start3A_50 : memref<10000x16xf32, #tpu.memory_space<vmem_shared>>) offsets(%dma_start3A_47 : memref<100xi32, #tpu.memory_space<vmem>>) semaphore(%run_scoped3A : memref<!tpu.dma_semaphore, #tpu.memory_space<semaphore_mem>>) {add = true}
        %dma_wait3A = arith.constant 0 : i32
        %dma_wait3A_51 = tpu.memref_slice %arg4[%scan3A_43, %dma_wait3A] : memref<100x100xi32, #tpu.memory_space<vmem>> -> memref<1x100xi32, #tpu.memory_space<vmem>>
        %dma_wait3A_52 = tpu.memref_squeeze %dma_wait3A_51 : memref<1x100xi32, #tpu.memory_space<vmem>> -> memref<100xi32, #tpu.memory_space<vmem>>
        %dma_wait3A_53 = arith.constant 0 : i32
        %dma_wait3A_54 = arith.constant 0 : i32
        %dma_wait3A_55 = tpu.memref_slice %arg7[%dma_wait3A_53, %dma_wait3A_54] : memref<10000x16xf32, #tpu.memory_space<vmem_shared>> -> memref<10000x16xf32, #tpu.memory_space<vmem_shared>>
        tpu.wait_indirect_dma semaphore(%run_scoped3A : memref<!tpu.dma_semaphore, #tpu.memory_space<semaphore_mem>>) src(%arg5 : memref<100x16xf32, #tpu.memory_space<vmem>>) dst(%dma_wait3A_55 : memref<10000x16xf32, #tpu.memory_space<vmem_shared>>)
        tpu.yield
      }) : () -> ()
      %scan3A_45 = arith.constant 0 : i32
      scf.yield %scan3A_45 : i32
    }
    %scan3A_29 = arith.constant 100 : i32
    %barrier3A_30 = arith.constant 0 : index
    tpu.barrier barrier_id(%barrier3A_30)
    %scan3A_31 = arith.constant 0 : i32
    %scan3A_32 = arith.constant 0 : i32
    %scan3A_33 = arith.constant 5 : i32
    %scan3A_34 = arith.addi %scan3A_32, %scan3A_33 : i32
    %scan3A_35 = arith.constant 1 : i32
    %scan3A_36 = scf.for %scan3A_43 = %scan3A_32 to %scan3A_34 step %scan3A_35 iter_args(%scan3A_44 = %scan3A_31) -> (i32)  : i32 {
      %mul3A_45 = arith.constant 16 : i32
      %mul3A_46 = arith.muli %mul3A_45, %scan3A_43 : i32
      %add3A_47 = arith.addi %arg1, %mul3A_46 : i32
      %lt3A = arith.constant 78 : i32
      %lt3A_48 = arith.cmpi slt, %add3A_47, %lt3A : i32
      %convert_element_type3A_49 = arith.extui %lt3A_48 : i1 to i32
      %cond3A_50 = arith.constant 0 : i32
      %cond3A_51 = arith.cmpi ne, %convert_element_type3A_49, %cond3A_50 : i32
      scf.if %cond3A_51 {
        %mul3A_53 = arith.constant 128 : i32
        %mul3A_54 = arith.muli %add3A_47, %mul3A_53 : i32
        "tpu.region"() ({
          %run_scoped3A = tpu.sem_alloc : memref<!tpu.dma_semaphore, #tpu.memory_space<semaphore_mem>>
          %dma_start3A = arith.constant 0 : i32
          %dma_start3A_57 = tpu.memref_slice %arg7[%mul3A_54, %dma_start3A] : memref<10000x16xf32, #tpu.memory_space<vmem_shared>> -> memref<128x16xf32, #tpu.memory_space<vmem_shared>>
          %dma_start3A_58 = arith.constant 0 : i32
          %dma_start3A_59 = tpu.memref_slice %arg7[%mul3A_54, %dma_start3A_58] : memref<10000x16xf32, #tpu.memory_space<vmem_shared>> -> memref<128x16xf32, #tpu.memory_space<vmem_shared>>
          tpu.enqueue_dma source(%dma_start3A_59 : memref<128x16xf32, #tpu.memory_space<vmem_shared>>) target(%arg6 : memref<128x16xf32, #tpu.memory_space<vmem>>) target_semaphore(%run_scoped3A : memref<!tpu.dma_semaphore, #tpu.memory_space<semaphore_mem>>)
          %dma_wait3A = arith.constant 0 : i32
          %dma_wait3A_60 = tpu.memref_slice %arg7[%mul3A_54, %dma_wait3A] : memref<10000x16xf32, #tpu.memory_space<vmem_shared>> -> memref<128x16xf32, #tpu.memory_space<vmem_shared>>
          %dma_wait3A_61 = arith.constant 0 : i32
          %dma_wait3A_62 = tpu.memref_slice %arg7[%mul3A_54, %dma_wait3A_61] : memref<10000x16xf32, #tpu.memory_space<vmem_shared>> -> memref<128x16xf32, #tpu.memory_space<vmem_shared>>
          tpu.wait_dma2 semaphore(%run_scoped3A : memref<!tpu.dma_semaphore, #tpu.memory_space<semaphore_mem>>) src(%dma_wait3A_62 : memref<128x16xf32, #tpu.memory_space<vmem_shared>>) dst(%arg6 : memref<128x16xf32, #tpu.memory_space<vmem>>)
          tpu.yield
        }) : () -> ()
        %mul3A_55 = arith.constant 128 : i32
        %mul3A_56 = arith.muli %add3A_47, %mul3A_55 : i32
        "tpu.region"() ({
          %run_scoped3A = tpu.sem_alloc : memref<!tpu.dma_semaphore, #tpu.memory_space<semaphore_mem>>
          %dma_start3A = arith.constant 0 : i32
          %dma_start3A_57 = tpu.memref_slice %arg3[%arg0, %mul3A_56, %dma_start3A] : memref<2x10000x16xf32, #tpu.memory_space<hbm>> -> memref<1x128x16xf32, #tpu.memory_space<hbm>>
          %dma_start3A_58 = tpu.memref_squeeze %dma_start3A_57 : memref<1x128x16xf32, #tpu.memory_space<hbm>> -> memref<128x16xf32, #tpu.memory_space<hbm>>
          %dma_start3A_59 = arith.constant 0 : i32
          %dma_start3A_60 = tpu.memref_slice %arg3[%arg0, %mul3A_56, %dma_start3A_59] : memref<2x10000x16xf32, #tpu.memory_space<hbm>> -> memref<1x128x16xf32, #tpu.memory_space<hbm>>
          %dma_start3A_61 = tpu.memref_squeeze %dma_start3A_60 : memref<1x128x16xf32, #tpu.memory_space<hbm>> -> memref<128x16xf32, #tpu.memory_space<hbm>>
          tpu.enqueue_dma source(%arg6 : memref<128x16xf32, #tpu.memory_space<vmem>>) target(%dma_start3A_61 : memref<128x16xf32, #tpu.memory_space<hbm>>) target_semaphore(%run_scoped3A : memref<!tpu.dma_semaphore, #tpu.memory_space<semaphore_mem>>)
          %dma_wait3A = arith.constant 0 : i32
          %dma_wait3A_62 = tpu.memref_slice %arg3[%arg0, %mul3A_56, %dma_wait3A] : memref<2x10000x16xf32, #tpu.memory_space<hbm>> -> memref<1x128x16xf32, #tpu.memory_space<hbm>>
          %dma_wait3A_63 = tpu.memref_squeeze %dma_wait3A_62 : memref<1x128x16xf32, #tpu.memory_space<hbm>> -> memref<128x16xf32, #tpu.memory_space<hbm>>
          %dma_wait3A_64 = arith.constant 0 : i32
          %dma_wait3A_65 = tpu.memref_slice %arg3[%arg0, %mul3A_56, %dma_wait3A_64] : memref<2x10000x16xf32, #tpu.memory_space<hbm>> -> memref<1x128x16xf32, #tpu.memory_space<hbm>>
          %dma_wait3A_66 = tpu.memref_squeeze %dma_wait3A_65 : memref<1x128x16xf32, #tpu.memory_space<hbm>> -> memref<128x16xf32, #tpu.memory_space<hbm>>
          tpu.wait_dma2 semaphore(%run_scoped3A : memref<!tpu.dma_semaphore, #tpu.memory_space<semaphore_mem>>) src(%arg6 : memref<128x16xf32, #tpu.memory_space<vmem>>) dst(%dma_wait3A_66 : memref<128x16xf32, #tpu.memory_space<hbm>>)
          tpu.yield
        }) : () -> ()
      } else {
      }
      %scan3A_52 = arith.constant 0 : i32
      scf.yield %scan3A_52 : i32
    }
    %scan3A_37 = arith.constant 5 : i32
    %eq3A_38 = arith.constant 0 : i32
    %eq3A_39 = arith.cmpi eq, %arg1, %eq3A_38 : i32
    %convert_element_type3A_40 = arith.extui %eq3A_39 : i1 to i32
    %cond3A_41 = arith.constant 0 : i32
    %cond3A_42 = arith.cmpi ne, %convert_element_type3A_40, %cond3A_41 : i32
    scf.if %cond3A_42 {
      "tpu.region"() ({
        %run_scoped3A = tpu.sem_alloc : memref<!tpu.dma_semaphore, #tpu.memory_space<semaphore_mem>>
        %dma_start3A = arith.constant 0 : i32
        %dma_start3A_43 = arith.constant 0 : i32
        %dma_start3A_44 = tpu.memref_slice %arg6[%dma_start3A, %dma_start3A_43] : memref<128x16xf32, #tpu.memory_space<vmem>> -> memref<16x16xf32, #tpu.memory_space<vmem>>
        %dma_start3A_45 = arith.constant 9984 : i32
        %dma_start3A_46 = arith.constant 0 : i32
        %dma_start3A_47 = tpu.memref_slice %arg7[%dma_start3A_45, %dma_start3A_46] : memref<10000x16xf32, #tpu.memory_space<vmem_shared>> -> memref<16x16xf32, #tpu.memory_space<vmem_shared>>
        %dma_start3A_48 = arith.constant 0 : i32
        %dma_start3A_49 = arith.constant 0 : i32
        %dma_start3A_50 = tpu.memref_slice %arg6[%dma_start3A_48, %dma_start3A_49] : memref<128x16xf32, #tpu.memory_space<vmem>> -> memref<16x16xf32, #tpu.memory_space<vmem>>
        %dma_start3A_51 = arith.constant 9984 : i32
        %dma_start3A_52 = arith.constant 0 : i32
        %dma_start3A_53 = tpu.memref_slice %arg7[%dma_start3A_51, %dma_start3A_52] : memref<10000x16xf32, #tpu.memory_space<vmem_shared>> -> memref<16x16xf32, #tpu.memory_space<vmem_shared>>
        tpu.enqueue_dma source(%dma_start3A_53 : memref<16x16xf32, #tpu.memory_space<vmem_shared>>) target(%dma_start3A_50 : memref<16x16xf32, #tpu.memory_space<vmem>>) target_semaphore(%run_scoped3A : memref<!tpu.dma_semaphore, #tpu.memory_space<semaphore_mem>>)
        %dma_wait3A = arith.constant 0 : i32
        %dma_wait3A_54 = arith.constant 0 : i32
        %dma_wait3A_55 = tpu.memref_slice %arg6[%dma_wait3A, %dma_wait3A_54] : memref<128x16xf32, #tpu.memory_space<vmem>> -> memref<16x16xf32, #tpu.memory_space<vmem>>
        %dma_wait3A_56 = arith.constant 9984 : i32
        %dma_wait3A_57 = arith.constant 0 : i32
        %dma_wait3A_58 = tpu.memref_slice %arg7[%dma_wait3A_56, %dma_wait3A_57] : memref<10000x16xf32, #tpu.memory_space<vmem_shared>> -> memref<16x16xf32, #tpu.memory_space<vmem_shared>>
        %dma_wait3A_59 = arith.constant 0 : i32
        %dma_wait3A_60 = arith.constant 0 : i32
        %dma_wait3A_61 = tpu.memref_slice %arg6[%dma_wait3A_59, %dma_wait3A_60] : memref<128x16xf32, #tpu.memory_space<vmem>> -> memref<16x16xf32, #tpu.memory_space<vmem>>
        %dma_wait3A_62 = arith.constant 9984 : i32
        %dma_wait3A_63 = arith.constant 0 : i32
        %dma_wait3A_64 = tpu.memref_slice %arg7[%dma_wait3A_62, %dma_wait3A_63] : memref<10000x16xf32, #tpu.memory_space<vmem_shared>> -> memref<16x16xf32, #tpu.memory_space<vmem_shared>>
        tpu.wait_dma2 semaphore(%run_scoped3A : memref<!tpu.dma_semaphore, #tpu.memory_space<semaphore_mem>>) src(%dma_wait3A_64 : memref<16x16xf32, #tpu.memory_space<vmem_shared>>) dst(%dma_wait3A_61 : memref<16x16xf32, #tpu.memory_space<vmem>>)
        tpu.yield
      }) : () -> ()
      "tpu.region"() ({
        %run_scoped3A = tpu.sem_alloc : memref<!tpu.dma_semaphore, #tpu.memory_space<semaphore_mem>>
        %dma_start3A = arith.constant 0 : i32
        %dma_start3A_43 = arith.constant 0 : i32
        %dma_start3A_44 = tpu.memref_slice %arg6[%dma_start3A, %dma_start3A_43] : memref<128x16xf32, #tpu.memory_space<vmem>> -> memref<16x16xf32, #tpu.memory_space<vmem>>
        %dma_start3A_45 = arith.constant 9984 : i32
        %dma_start3A_46 = arith.constant 0 : i32
        %dma_start3A_47 = tpu.memref_slice %arg3[%arg0, %dma_start3A_45, %dma_start3A_46] : memref<2x10000x16xf32, #tpu.memory_space<hbm>> -> memref<1x16x16xf32, #tpu.memory_space<hbm>>
        %dma_start3A_48 = tpu.memref_squeeze %dma_start3A_47 : memref<1x16x16xf32, #tpu.memory_space<hbm>> -> memref<16x16xf32, #tpu.memory_space<hbm>>
        %dma_start3A_49 = arith.constant 9984 : i32
        %dma_start3A_50 = arith.constant 0 : i32
        %dma_start3A_51 = tpu.memref_slice %arg3[%arg0, %dma_start3A_49, %dma_start3A_50] : memref<2x10000x16xf32, #tpu.memory_space<hbm>> -> memref<1x16x16xf32, #tpu.memory_space<hbm>>
        %dma_start3A_52 = tpu.memref_squeeze %dma_start3A_51 : memref<1x16x16xf32, #tpu.memory_space<hbm>> -> memref<16x16xf32, #tpu.memory_space<hbm>>
        %dma_start3A_53 = arith.constant 0 : i32
        %dma_start3A_54 = arith.constant 0 : i32
        %dma_start3A_55 = tpu.memref_slice %arg6[%dma_start3A_53, %dma_start3A_54] : memref<128x16xf32, #tpu.memory_space<vmem>> -> memref<16x16xf32, #tpu.memory_space<vmem>>
        tpu.enqueue_dma source(%dma_start3A_55 : memref<16x16xf32, #tpu.memory_space<vmem>>) target(%dma_start3A_52 : memref<16x16xf32, #tpu.memory_space<hbm>>) target_semaphore(%run_scoped3A : memref<!tpu.dma_semaphore, #tpu.memory_space<semaphore_mem>>)
        %dma_wait3A = arith.constant 0 : i32
        %dma_wait3A_56 = arith.constant 0 : i32
        %dma_wait3A_57 = tpu.memref_slice %arg6[%dma_wait3A, %dma_wait3A_56] : memref<128x16xf32, #tpu.memory_space<vmem>> -> memref<16x16xf32, #tpu.memory_space<vmem>>
        %dma_wait3A_58 = arith.constant 9984 : i32
        %dma_wait3A_59 = arith.constant 0 : i32
        %dma_wait3A_60 = tpu.memref_slice %arg3[%arg0, %dma_wait3A_58, %dma_wait3A_59] : memref<2x10000x16xf32, #tpu.memory_space<hbm>> -> memref<1x16x16xf32, #tpu.memory_space<hbm>>
        %dma_wait3A_61 = tpu.memref_squeeze %dma_wait3A_60 : memref<1x16x16xf32, #tpu.memory_space<hbm>> -> memref<16x16xf32, #tpu.memory_space<hbm>>
        %dma_wait3A_62 = arith.constant 9984 : i32
        %dma_wait3A_63 = arith.constant 0 : i32
        %dma_wait3A_64 = tpu.memref_slice %arg3[%arg0, %dma_wait3A_62, %dma_wait3A_63] : memref<2x10000x16xf32, #tpu.memory_space<hbm>> -> memref<1x16x16xf32, #tpu.memory_space<hbm>>
        %dma_wait3A_65 = tpu.memref_squeeze %dma_wait3A_64 : memref<1x16x16xf32, #tpu.memory_space<hbm>> -> memref<16x16xf32, #tpu.memory_space<hbm>>
        %dma_wait3A_66 = arith.constant 0 : i32
        %dma_wait3A_67 = arith.constant 0 : i32
        %dma_wait3A_68 = tpu.memref_slice %arg6[%dma_wait3A_66, %dma_wait3A_67] : memref<128x16xf32, #tpu.memory_space<vmem>> -> memref<16x16xf32, #tpu.memory_space<vmem>>
        tpu.wait_dma2 semaphore(%run_scoped3A : memref<!tpu.dma_semaphore, #tpu.memory_space<semaphore_mem>>) src(%dma_wait3A_68 : memref<16x16xf32, #tpu.memory_space<vmem>>) dst(%dma_wait3A_65 : memref<16x16xf32, #tpu.memory_space<hbm>>)
        tpu.yield
      }) : () -> ()
    } else {
    }
    return
  }
}

#map = affine_map<(d0, d1) -> (0, 0)>
#map1 = affine_map<(d0, d1) -> (0, 0, 0, 0)>
#map2 = affine_map<(d0, d1) -> (0, 0, 0)>
module attributes {stable_mosaic.version = 14 : i64} {
  func.func @k(%arg0: i32, %arg1: i32, %arg2: memref<10000x128xf32, #tpu.memory_space<hbm>>, %arg3: memref<32x2x50x100xi32, #tpu.memory_space<hbm>>, %arg4: memref<32x2x50x100xi32, #tpu.memory_space<hbm>>, %arg5: memref<2x10000x128xf32, #tpu.memory_space<hbm>>, %arg6: memref<50x100xi32, #tpu.memory_space<vmem>>, %arg7: memref<50x100xi32, #tpu.memory_space<vmem>>, %arg8: memref<100x128xf32, #tpu.memory_space<vmem>>, %arg9: memref<100x128xf32, #tpu.memory_space<vmem>>, %arg10: memref<10000x128xf32, #tpu.memory_space<vmem_shared>>, %arg11: memref<!tpu.dma_semaphore, #tpu.memory_space<semaphore_mem>>, %arg12: memref<!tpu.dma_semaphore, #tpu.memory_space<semaphore_mem>>) attributes {dimension_semantics = [#tpu.dimension_semantics<core_parallel>, #tpu.dimension_semantics<subcore_parallel>], iteration_bounds = array<i64: 2, 16>, scalar_prefetch = 0 : i64, scratch_operands = 7 : i64, tpu.core_type = #tpu.core_type<sc_vector_subcore>, window_params = [{transform_indices = #map}, {transform_indices = #map1}, {transform_indices = #map1}, {transform_indices = #map2}]} {
    %mul3A = arith.constant 2 : i32
    %mul3A_0 = arith.muli %arg1, %mul3A : i32
    %add3A = arith.addi %mul3A_0, %arg0 : i32
    %scan3A = arith.constant 0 : i32
    %scan3A_1 = arith.constant 0 : i32
    %scan3A_2 = arith.constant 100 : i32
    %scan3A_3 = arith.addi %scan3A_1, %scan3A_2 : i32
    %scan3A_4 = arith.constant 1 : i32
    %scan3A_5 = scf.for %scan3A_46 = %scan3A_1 to %scan3A_3 step %scan3A_4 iter_args(%scan3A_47 = %scan3A) -> (i32)  : i32 {
      %scan3A_48 = arith.constant 0 : i32
      %scan3A_49 = arith.constant 0 : i32
      %scan3A_50 = arith.constant 8 : i32
      %scan3A_51 = arith.addi %scan3A_49, %scan3A_50 : i32
      %scan3A_52 = arith.constant 1 : i32
      %scan3A_53 = scf.for %scan3A_56 = %scan3A_49 to %scan3A_51 step %scan3A_52 iter_args(%scan3A_57 = %scan3A_48) -> (i32)  : i32 {
        %broadcast_in_dim3A = arith.constant 0.000000e+00 : f32
        %broadcast_in_dim3A_58 = vector.broadcast %broadcast_in_dim3A : f32 to vector<16xf32>
        %mul3A_59 = arith.constant 16 : i32
        %mul3A_60 = arith.muli %scan3A_56, %mul3A_59 : i32
        %swap3A = arith.index_cast %scan3A_46 : i32 to index
        %swap3A_61 = arith.index_cast %mul3A_60 : i32 to index
        %swap3A_62 = tpu.vector_load %arg8[%swap3A, %swap3A_61] {strides = array<i32>} : memref<100x128xf32, #tpu.memory_space<vmem>>, vector<1x16xf32>,
        %swap3A_63 = vector.shape_cast %swap3A_62 : vector<1x16xf32> to vector<16xf32>
        %swap3A_64 = vector.shape_cast %broadcast_in_dim3A_58 : vector<16xf32> to vector<1x16xf32>
        tpu.vector_store %arg8[%swap3A, %swap3A_61], %swap3A_64 {strides = array<i32>} : memref<100x128xf32, #tpu.memory_space<vmem>>, vector<1x16xf32>,
        %scan3A_65 = arith.constant 0 : i32
        scf.yield %scan3A_65 : i32
      }
      %scan3A_54 = arith.constant 8 : i32
      %scan3A_55 = arith.constant 0 : i32
      scf.yield %scan3A_55 : i32
    }
    %scan3A_6 = arith.constant 100 : i32
    %scan3A_7 = arith.constant 0 : i32
    %scan3A_8 = arith.constant 0 : i32
    %scan3A_9 = arith.constant 6 : i32
    %scan3A_10 = arith.addi %scan3A_8, %scan3A_9 : i32
    %scan3A_11 = arith.constant 1 : i32
    %scan3A_12 = scf.for %scan3A_46 = %scan3A_8 to %scan3A_10 step %scan3A_11 iter_args(%scan3A_47 = %scan3A_7) -> (i32)  : i32 {
      %mul3A_48 = arith.constant 16 : i32
      %mul3A_49 = arith.muli %mul3A_48, %scan3A_46 : i32
      %add3A_50 = arith.addi %arg1, %mul3A_49 : i32
      %lt3A = arith.constant 83 : i32
      %lt3A_51 = arith.cmpi slt, %add3A_50, %lt3A : i32
      %convert_element_type3A_52 = arith.extui %lt3A_51 : i1 to i32
      %cond3A_53 = arith.constant 0 : i32
      %cond3A_54 = arith.cmpi ne, %convert_element_type3A_52, %cond3A_53 : i32
      scf.if %cond3A_54 {
        %mul3A_56 = arith.constant 120 : i32
        %mul3A_57 = arith.muli %add3A_50, %mul3A_56 : i32
        "tpu.region"() ({
          %run_scoped3A_58 = tpu.sem_alloc : memref<!tpu.dma_semaphore, #tpu.memory_space<semaphore_mem>>
          %dma_start3A = arith.constant 0 : i32
          %dma_start3A_59 = arith.constant 0 : i32
          %dma_start3A_60 = tpu.memref_slice %arg8[%dma_start3A, %dma_start3A_59] : memref<100x128xf32, #tpu.memory_space<vmem>> -> memref<120x128xf32, #tpu.memory_space<vmem>>
          %dma_start3A_61 = arith.constant 0 : i32
          %dma_start3A_62 = tpu.memref_slice %arg10[%mul3A_57, %dma_start3A_61] : memref<10000x128xf32, #tpu.memory_space<vmem_shared>> -> memref<120x128xf32, #tpu.memory_space<vmem_shared>>
          %dma_start3A_63 = arith.constant 0 : i32
          %dma_start3A_64 = tpu.memref_slice %arg10[%mul3A_57, %dma_start3A_63] : memref<10000x128xf32, #tpu.memory_space<vmem_shared>> -> memref<120x128xf32, #tpu.memory_space<vmem_shared>>
          %dma_start3A_65 = arith.constant 0 : i32
          %dma_start3A_66 = arith.constant 0 : i32
          %dma_start3A_67 = tpu.memref_slice %arg8[%dma_start3A_65, %dma_start3A_66] : memref<100x128xf32, #tpu.memory_space<vmem>> -> memref<120x128xf32, #tpu.memory_space<vmem>>
          tpu.enqueue_dma source(%dma_start3A_67 : memref<120x128xf32, #tpu.memory_space<vmem>>) target(%dma_start3A_64 : memref<120x128xf32, #tpu.memory_space<vmem_shared>>) target_semaphore(%run_scoped3A_58 : memref<!tpu.dma_semaphore, #tpu.memory_space<semaphore_mem>>)
          %dma_wait3A = arith.constant 0 : i32
          %dma_wait3A_68 = arith.constant 0 : i32
          %dma_wait3A_69 = tpu.memref_slice %arg8[%dma_wait3A, %dma_wait3A_68] : memref<100x128xf32, #tpu.memory_space<vmem>> -> memref<120x128xf32, #tpu.memory_space<vmem>>
          %dma_wait3A_70 = arith.constant 0 : i32
          %dma_wait3A_71 = tpu.memref_slice %arg10[%mul3A_57, %dma_wait3A_70] : memref<10000x128xf32, #tpu.memory_space<vmem_shared>> -> memref<120x128xf32, #tpu.memory_space<vmem_shared>>
          %dma_wait3A_72 = arith.constant 0 : i32
          %dma_wait3A_73 = tpu.memref_slice %arg10[%mul3A_57, %dma_wait3A_72] : memref<10000x128xf32, #tpu.memory_space<vmem_shared>> -> memref<120x128xf32, #tpu.memory_space<vmem_shared>>
          %dma_wait3A_74 = arith.constant 0 : i32
          %dma_wait3A_75 = arith.constant 0 : i32
          %dma_wait3A_76 = tpu.memref_slice %arg8[%dma_wait3A_74, %dma_wait3A_75] : memref<100x128xf32, #tpu.memory_space<vmem>> -> memref<120x128xf32, #tpu.memory_space<vmem>>
          tpu.wait_dma2 semaphore(%run_scoped3A_58 : memref<!tpu.dma_semaphore, #tpu.memory_space<semaphore_mem>>) src(%dma_wait3A_76 : memref<120x128xf32, #tpu.memory_space<vmem>>) dst(%dma_wait3A_73 : memref<120x128xf32, #tpu.memory_space<vmem_shared>>)
          tpu.yield
        }) : () -> ()
      } else {
      }
      %scan3A_55 = arith.constant 0 : i32
      scf.yield %scan3A_55 : i32
    }
    %scan3A_13 = arith.constant 6 : i32
    %eq3A = arith.constant 0 : i32
    %eq3A_14 = arith.cmpi eq, %arg1, %eq3A : i32
    %convert_element_type3A = arith.extui %eq3A_14 : i1 to i32
    %cond3A = arith.constant 0 : i32
    %cond3A_15 = arith.cmpi ne, %convert_element_type3A, %cond3A : i32
    scf.if %cond3A_15 {
      "tpu.region"() ({
        %run_scoped3A_46 = tpu.sem_alloc : memref<!tpu.dma_semaphore, #tpu.memory_space<semaphore_mem>>
        %dma_start3A = arith.constant 0 : i32
        %dma_start3A_47 = arith.constant 0 : i32
        %dma_start3A_48 = tpu.memref_slice %arg8[%dma_start3A, %dma_start3A_47] : memref<100x128xf32, #tpu.memory_space<vmem>> -> memref<40x128xf32, #tpu.memory_space<vmem>>
        %dma_start3A_49 = arith.constant 9960 : i32
        %dma_start3A_50 = arith.constant 0 : i32
        %dma_start3A_51 = tpu.memref_slice %arg10[%dma_start3A_49, %dma_start3A_50] : memref<10000x128xf32, #tpu.memory_space<vmem_shared>> -> memref<40x128xf32, #tpu.memory_space<vmem_shared>>
        %dma_start3A_52 = arith.constant 9960 : i32
        %dma_start3A_53 = arith.constant 0 : i32
        %dma_start3A_54 = tpu.memref_slice %arg10[%dma_start3A_52, %dma_start3A_53] : memref<10000x128xf32, #tpu.memory_space<vmem_shared>> -> memref<40x128xf32, #tpu.memory_space<vmem_shared>>
        %dma_start3A_55 = arith.constant 0 : i32
        %dma_start3A_56 = arith.constant 0 : i32
        %dma_start3A_57 = tpu.memref_slice %arg8[%dma_start3A_55, %dma_start3A_56] : memref<100x128xf32, #tpu.memory_space<vmem>> -> memref<40x128xf32, #tpu.memory_space<vmem>>
        tpu.enqueue_dma source(%dma_start3A_57 : memref<40x128xf32, #tpu.memory_space<vmem>>) target(%dma_start3A_54 : memref<40x128xf32, #tpu.memory_space<vmem_shared>>) target_semaphore(%run_scoped3A_46 : memref<!tpu.dma_semaphore, #tpu.memory_space<semaphore_mem>>)
        %dma_wait3A = arith.constant 0 : i32
        %dma_wait3A_58 = arith.constant 0 : i32
        %dma_wait3A_59 = tpu.memref_slice %arg8[%dma_wait3A, %dma_wait3A_58] : memref<100x128xf32, #tpu.memory_space<vmem>> -> memref<40x128xf32, #tpu.memory_space<vmem>>
        %dma_wait3A_60 = arith.constant 9960 : i32
        %dma_wait3A_61 = arith.constant 0 : i32
        %dma_wait3A_62 = tpu.memref_slice %arg10[%dma_wait3A_60, %dma_wait3A_61] : memref<10000x128xf32, #tpu.memory_space<vmem_shared>> -> memref<40x128xf32, #tpu.memory_space<vmem_shared>>
        %dma_wait3A_63 = arith.constant 9960 : i32
        %dma_wait3A_64 = arith.constant 0 : i32
        %dma_wait3A_65 = tpu.memref_slice %arg10[%dma_wait3A_63, %dma_wait3A_64] : memref<10000x128xf32, #tpu.memory_space<vmem_shared>> -> memref<40x128xf32, #tpu.memory_space<vmem_shared>>
        %dma_wait3A_66 = arith.constant 0 : i32
        %dma_wait3A_67 = arith.constant 0 : i32
        %dma_wait3A_68 = tpu.memref_slice %arg8[%dma_wait3A_66, %dma_wait3A_67] : memref<100x128xf32, #tpu.memory_space<vmem>> -> memref<40x128xf32, #tpu.memory_space<vmem>>
        tpu.wait_dma2 semaphore(%run_scoped3A_46 : memref<!tpu.dma_semaphore, #tpu.memory_space<semaphore_mem>>) src(%dma_wait3A_68 : memref<40x128xf32, #tpu.memory_space<vmem>>) dst(%dma_wait3A_65 : memref<40x128xf32, #tpu.memory_space<vmem_shared>>)
        tpu.yield
      }) : () -> ()
    } else {
    }
    %barrier3A = arith.constant 0 : index
    tpu.barrier barrier_id(%barrier3A)
    %run_scoped3A = arith.constant 0 : i32
    "tpu.region"() ({
      %run_scoped3A_46 = tpu.sem_alloc : memref<!tpu.dma_semaphore, #tpu.memory_space<semaphore_mem>>
      %dma_start3A = arith.constant 0 : i32
      %dma_start3A_47 = arith.constant 0 : i32
      %dma_start3A_48 = tpu.memref_slice %arg3[%add3A, %run_scoped3A, %dma_start3A, %dma_start3A_47] : memref<32x2x50x100xi32, #tpu.memory_space<hbm>> -> memref<1x1x50x100xi32, #tpu.memory_space<hbm>>
      %dma_start3A_49 = tpu.memref_squeeze %dma_start3A_48 : memref<1x1x50x100xi32, #tpu.memory_space<hbm>> -> memref<50x100xi32, #tpu.memory_space<hbm>>
      %dma_start3A_50 = arith.constant 0 : i32
      %dma_start3A_51 = arith.constant 0 : i32
      %dma_start3A_52 = tpu.memref_slice %arg3[%add3A, %run_scoped3A, %dma_start3A_50, %dma_start3A_51] : memref<32x2x50x100xi32, #tpu.memory_space<hbm>> -> memref<1x1x50x100xi32, #tpu.memory_space<hbm>>
      %dma_start3A_53 = tpu.memref_squeeze %dma_start3A_52 : memref<1x1x50x100xi32, #tpu.memory_space<hbm>> -> memref<50x100xi32, #tpu.memory_space<hbm>>
      tpu.enqueue_dma source(%dma_start3A_53 : memref<50x100xi32, #tpu.memory_space<hbm>>) target(%arg6 : memref<50x100xi32, #tpu.memory_space<vmem>>) target_semaphore(%run_scoped3A_46 : memref<!tpu.dma_semaphore, #tpu.memory_space<semaphore_mem>>)
      %dma_wait3A = arith.constant 0 : i32
      %dma_wait3A_54 = arith.constant 0 : i32
      %dma_wait3A_55 = tpu.memref_slice %arg3[%add3A, %run_scoped3A, %dma_wait3A, %dma_wait3A_54] : memref<32x2x50x100xi32, #tpu.memory_space<hbm>> -> memref<1x1x50x100xi32, #tpu.memory_space<hbm>>
      %dma_wait3A_56 = tpu.memref_squeeze %dma_wait3A_55 : memref<1x1x50x100xi32, #tpu.memory_space<hbm>> -> memref<50x100xi32, #tpu.memory_space<hbm>>
      %dma_wait3A_57 = arith.constant 0 : i32
      %dma_wait3A_58 = arith.constant 0 : i32
      %dma_wait3A_59 = tpu.memref_slice %arg3[%add3A, %run_scoped3A, %dma_wait3A_57, %dma_wait3A_58] : memref<32x2x50x100xi32, #tpu.memory_space<hbm>> -> memref<1x1x50x100xi32, #tpu.memory_space<hbm>>
      %dma_wait3A_60 = tpu.memref_squeeze %dma_wait3A_59 : memref<1x1x50x100xi32, #tpu.memory_space<hbm>> -> memref<50x100xi32, #tpu.memory_space<hbm>>
      tpu.wait_dma2 semaphore(%run_scoped3A_46 : memref<!tpu.dma_semaphore, #tpu.memory_space<semaphore_mem>>) src(%dma_wait3A_60 : memref<50x100xi32, #tpu.memory_space<hbm>>) dst(%arg6 : memref<50x100xi32, #tpu.memory_space<vmem>>)
      tpu.yield
    }) : () -> ()
    %run_scoped3A_16 = arith.constant 0 : i32
    "tpu.region"() ({
      %run_scoped3A_46 = tpu.sem_alloc : memref<!tpu.dma_semaphore, #tpu.memory_space<semaphore_mem>>
      %dma_start3A = arith.constant 0 : i32
      %dma_start3A_47 = arith.constant 0 : i32
      %dma_start3A_48 = tpu.memref_slice %arg4[%add3A, %run_scoped3A_16, %dma_start3A, %dma_start3A_47] : memref<32x2x50x100xi32, #tpu.memory_space<hbm>> -> memref<1x1x50x100xi32, #tpu.memory_space<hbm>>
      %dma_start3A_49 = tpu.memref_squeeze %dma_start3A_48 : memref<1x1x50x100xi32, #tpu.memory_space<hbm>> -> memref<50x100xi32, #tpu.memory_space<hbm>>
      %dma_start3A_50 = arith.constant 0 : i32
      %dma_start3A_51 = arith.constant 0 : i32
      %dma_start3A_52 = tpu.memref_slice %arg4[%add3A, %run_scoped3A_16, %dma_start3A_50, %dma_start3A_51] : memref<32x2x50x100xi32, #tpu.memory_space<hbm>> -> memref<1x1x50x100xi32, #tpu.memory_space<hbm>>
      %dma_start3A_53 = tpu.memref_squeeze %dma_start3A_52 : memref<1x1x50x100xi32, #tpu.memory_space<hbm>> -> memref<50x100xi32, #tpu.memory_space<hbm>>
      tpu.enqueue_dma source(%dma_start3A_53 : memref<50x100xi32, #tpu.memory_space<hbm>>) target(%arg7 : memref<50x100xi32, #tpu.memory_space<vmem>>) target_semaphore(%run_scoped3A_46 : memref<!tpu.dma_semaphore, #tpu.memory_space<semaphore_mem>>)
      %dma_wait3A = arith.constant 0 : i32
      %dma_wait3A_54 = arith.constant 0 : i32
      %dma_wait3A_55 = tpu.memref_slice %arg4[%add3A, %run_scoped3A_16, %dma_wait3A, %dma_wait3A_54] : memref<32x2x50x100xi32, #tpu.memory_space<hbm>> -> memref<1x1x50x100xi32, #tpu.memory_space<hbm>>
      %dma_wait3A_56 = tpu.memref_squeeze %dma_wait3A_55 : memref<1x1x50x100xi32, #tpu.memory_space<hbm>> -> memref<50x100xi32, #tpu.memory_space<hbm>>
      %dma_wait3A_57 = arith.constant 0 : i32
      %dma_wait3A_58 = arith.constant 0 : i32
      %dma_wait3A_59 = tpu.memref_slice %arg4[%add3A, %run_scoped3A_16, %dma_wait3A_57, %dma_wait3A_58] : memref<32x2x50x100xi32, #tpu.memory_space<hbm>> -> memref<1x1x50x100xi32, #tpu.memory_space<hbm>>
      %dma_wait3A_60 = tpu.memref_squeeze %dma_wait3A_59 : memref<1x1x50x100xi32, #tpu.memory_space<hbm>> -> memref<50x100xi32, #tpu.memory_space<hbm>>
      tpu.wait_dma2 semaphore(%run_scoped3A_46 : memref<!tpu.dma_semaphore, #tpu.memory_space<semaphore_mem>>) src(%dma_wait3A_60 : memref<50x100xi32, #tpu.memory_space<hbm>>) dst(%arg7 : memref<50x100xi32, #tpu.memory_space<vmem>>)
      tpu.yield
    }) : () -> ()
    %scan3A_17 = arith.constant 0 : i32
    %scan3A_18 = arith.constant 0 : i32
    %scan3A_19 = arith.constant 25 : i32
    %scan3A_20 = arith.addi %scan3A_18, %scan3A_19 : i32
    %scan3A_21 = arith.constant 1 : i32
    %scan3A_22 = scf.for %scan3A_46 = %scan3A_18 to %scan3A_20 step %scan3A_21 iter_args(%scan3A_47 = %scan3A_17) -> (i32)  : i32 {
      %mul3A_48 = arith.constant 2 : i32
      %mul3A_49 = arith.muli %mul3A_48, %scan3A_46 : i32
      %dma_start3A = arith.constant 0 : i32
      %dma_start3A_50 = tpu.memref_slice %arg6[%mul3A_49, %dma_start3A] : memref<50x100xi32, #tpu.memory_space<vmem>> -> memref<1x100xi32, #tpu.memory_space<vmem>>
      %dma_start3A_51 = tpu.memref_squeeze %dma_start3A_50 : memref<1x100xi32, #tpu.memory_space<vmem>> -> memref<100xi32, #tpu.memory_space<vmem>>
      %dma_start3A_52 = arith.constant 0 : i32
      %dma_start3A_53 = arith.constant 0 : i32
      %dma_start3A_54 = tpu.memref_slice %arg2[%dma_start3A_52, %dma_start3A_53] : memref<10000x128xf32, #tpu.memory_space<hbm>> -> memref<10000x128xf32, #tpu.memory_space<hbm>>
      tpu.enqueue_indirect_dma source(%dma_start3A_54 : memref<10000x128xf32, #tpu.memory_space<hbm>>) target(%arg8 : memref<100x128xf32, #tpu.memory_space<vmem>>) offsets(%dma_start3A_51 : memref<100xi32, #tpu.memory_space<vmem>>) semaphore(%arg11 : memref<!tpu.dma_semaphore, #tpu.memory_space<semaphore_mem>>)
      %dma_wait3A = arith.constant 0 : i32
      %dma_wait3A_55 = tpu.memref_slice %arg6[%mul3A_49, %dma_wait3A] : memref<50x100xi32, #tpu.memory_space<vmem>> -> memref<1x100xi32, #tpu.memory_space<vmem>>
      %dma_wait3A_56 = tpu.memref_squeeze %dma_wait3A_55 : memref<1x100xi32, #tpu.memory_space<vmem>> -> memref<100xi32, #tpu.memory_space<vmem>>
      %dma_wait3A_57 = arith.constant 0 : i32
      %dma_wait3A_58 = arith.constant 0 : i32
      %dma_wait3A_59 = tpu.memref_slice %arg2[%dma_wait3A_57, %dma_wait3A_58] : memref<10000x128xf32, #tpu.memory_space<hbm>> -> memref<10000x128xf32, #tpu.memory_space<hbm>>
      tpu.wait_indirect_dma semaphore(%arg11 : memref<!tpu.dma_semaphore, #tpu.memory_space<semaphore_mem>>) src(%dma_wait3A_59 : memref<10000x128xf32, #tpu.memory_space<hbm>>) dst(%arg8 : memref<100x128xf32, #tpu.memory_space<vmem>>)
      "tpu.region"() ({
        %run_scoped3A_77 = tpu.sem_alloc : memref<!tpu.dma_semaphore, #tpu.memory_space<semaphore_mem>>
        %dma_start3A_78 = arith.constant 0 : i32
        %dma_start3A_79 = tpu.memref_slice %arg7[%mul3A_49, %dma_start3A_78] : memref<50x100xi32, #tpu.memory_space<vmem>> -> memref<1x100xi32, #tpu.memory_space<vmem>>
        %dma_start3A_80 = tpu.memref_squeeze %dma_start3A_79 : memref<1x100xi32, #tpu.memory_space<vmem>> -> memref<100xi32, #tpu.memory_space<vmem>>
        %dma_start3A_81 = arith.constant 0 : i32
        %dma_start3A_82 = arith.constant 0 : i32
        %dma_start3A_83 = tpu.memref_slice %arg10[%dma_start3A_81, %dma_start3A_82] : memref<10000x128xf32, #tpu.memory_space<vmem_shared>> -> memref<10000x128xf32, #tpu.memory_space<vmem_shared>>
        tpu.enqueue_indirect_dma source(%arg8 : memref<100x128xf32, #tpu.memory_space<vmem>>) target(%dma_start3A_83 : memref<10000x128xf32, #tpu.memory_space<vmem_shared>>) offsets(%dma_start3A_80 : memref<100xi32, #tpu.memory_space<vmem>>) semaphore(%run_scoped3A_77 : memref<!tpu.dma_semaphore, #tpu.memory_space<semaphore_mem>>) {add = true}
        %dma_wait3A_84 = arith.constant 0 : i32
        %dma_wait3A_85 = tpu.memref_slice %arg7[%mul3A_49, %dma_wait3A_84] : memref<50x100xi32, #tpu.memory_space<vmem>> -> memref<1x100xi32, #tpu.memory_space<vmem>>
        %dma_wait3A_86 = tpu.memref_squeeze %dma_wait3A_85 : memref<1x100xi32, #tpu.memory_space<vmem>> -> memref<100xi32, #tpu.memory_space<vmem>>
        %dma_wait3A_87 = arith.constant 0 : i32
        %dma_wait3A_88 = arith.constant 0 : i32
        %dma_wait3A_89 = tpu.memref_slice %arg10[%dma_wait3A_87, %dma_wait3A_88] : memref<10000x128xf32, #tpu.memory_space<vmem_shared>> -> memref<10000x128xf32, #tpu.memory_space<vmem_shared>>
        tpu.wait_indirect_dma semaphore(%run_scoped3A_77 : memref<!tpu.dma_semaphore, #tpu.memory_space<semaphore_mem>>) src(%arg8 : memref<100x128xf32, #tpu.memory_space<vmem>>) dst(%dma_wait3A_89 : memref<10000x128xf32, #tpu.memory_space<vmem_shared>>)
        tpu.yield
      }) : () -> ()
      %add3A_60 = arith.constant 1 : i32
      %add3A_61 = arith.addi %mul3A_49, %add3A_60 : i32
      %dma_start3A_62 = arith.constant 0 : i32
      %dma_start3A_63 = tpu.memref_slice %arg6[%add3A_61, %dma_start3A_62] : memref<50x100xi32, #tpu.memory_space<vmem>> -> memref<1x100xi32, #tpu.memory_space<vmem>>
      %dma_start3A_64 = tpu.memref_squeeze %dma_start3A_63 : memref<1x100xi32, #tpu.memory_space<vmem>> -> memref<100xi32, #tpu.memory_space<vmem>>
      %dma_start3A_65 = arith.constant 0 : i32
      %dma_start3A_66 = arith.constant 0 : i32
      %dma_start3A_67 = tpu.memref_slice %arg2[%dma_start3A_65, %dma_start3A_66] : memref<10000x128xf32, #tpu.memory_space<hbm>> -> memref<10000x128xf32, #tpu.memory_space<hbm>>
      tpu.enqueue_indirect_dma source(%dma_start3A_67 : memref<10000x128xf32, #tpu.memory_space<hbm>>) target(%arg9 : memref<100x128xf32, #tpu.memory_space<vmem>>) offsets(%dma_start3A_64 : memref<100xi32, #tpu.memory_space<vmem>>) semaphore(%arg12 : memref<!tpu.dma_semaphore, #tpu.memory_space<semaphore_mem>>)
      %dma_wait3A_68 = arith.constant 0 : i32
      %dma_wait3A_69 = tpu.memref_slice %arg6[%add3A_61, %dma_wait3A_68] : memref<50x100xi32, #tpu.memory_space<vmem>> -> memref<1x100xi32, #tpu.memory_space<vmem>>
      %dma_wait3A_70 = tpu.memref_squeeze %dma_wait3A_69 : memref<1x100xi32, #tpu.memory_space<vmem>> -> memref<100xi32, #tpu.memory_space<vmem>>
      %dma_wait3A_71 = arith.constant 0 : i32
      %dma_wait3A_72 = arith.constant 0 : i32
      %dma_wait3A_73 = tpu.memref_slice %arg2[%dma_wait3A_71, %dma_wait3A_72] : memref<10000x128xf32, #tpu.memory_space<hbm>> -> memref<10000x128xf32, #tpu.memory_space<hbm>>
      tpu.wait_indirect_dma semaphore(%arg12 : memref<!tpu.dma_semaphore, #tpu.memory_space<semaphore_mem>>) src(%dma_wait3A_73 : memref<10000x128xf32, #tpu.memory_space<hbm>>) dst(%arg9 : memref<100x128xf32, #tpu.memory_space<vmem>>)
      %add3A_74 = arith.constant 1 : i32
      %add3A_75 = arith.addi %mul3A_49, %add3A_74 : i32
      "tpu.region"() ({
        %run_scoped3A_77 = tpu.sem_alloc : memref<!tpu.dma_semaphore, #tpu.memory_space<semaphore_mem>>
        %dma_start3A_78 = arith.constant 0 : i32
        %dma_start3A_79 = tpu.memref_slice %arg7[%add3A_75, %dma_start3A_78] : memref<50x100xi32, #tpu.memory_space<vmem>> -> memref<1x100xi32, #tpu.memory_space<vmem>>
        %dma_start3A_80 = tpu.memref_squeeze %dma_start3A_79 : memref<1x100xi32, #tpu.memory_space<vmem>> -> memref<100xi32, #tpu.memory_space<vmem>>
        %dma_start3A_81 = arith.constant 0 : i32
        %dma_start3A_82 = arith.constant 0 : i32
        %dma_start3A_83 = tpu.memref_slice %arg10[%dma_start3A_81, %dma_start3A_82] : memref<10000x128xf32, #tpu.memory_space<vmem_shared>> -> memref<10000x128xf32, #tpu.memory_space<vmem_shared>>
        tpu.enqueue_indirect_dma source(%arg9 : memref<100x128xf32, #tpu.memory_space<vmem>>) target(%dma_start3A_83 : memref<10000x128xf32, #tpu.memory_space<vmem_shared>>) offsets(%dma_start3A_80 : memref<100xi32, #tpu.memory_space<vmem>>) semaphore(%run_scoped3A_77 : memref<!tpu.dma_semaphore, #tpu.memory_space<semaphore_mem>>) {add = true}
        %dma_wait3A_84 = arith.constant 0 : i32
        %dma_wait3A_85 = tpu.memref_slice %arg7[%add3A_75, %dma_wait3A_84] : memref<50x100xi32, #tpu.memory_space<vmem>> -> memref<1x100xi32, #tpu.memory_space<vmem>>
        %dma_wait3A_86 = tpu.memref_squeeze %dma_wait3A_85 : memref<1x100xi32, #tpu.memory_space<vmem>> -> memref<100xi32, #tpu.memory_space<vmem>>
        %dma_wait3A_87 = arith.constant 0 : i32
        %dma_wait3A_88 = arith.constant 0 : i32
        %dma_wait3A_89 = tpu.memref_slice %arg10[%dma_wait3A_87, %dma_wait3A_88] : memref<10000x128xf32, #tpu.memory_space<vmem_shared>> -> memref<10000x128xf32, #tpu.memory_space<vmem_shared>>
        tpu.wait_indirect_dma semaphore(%run_scoped3A_77 : memref<!tpu.dma_semaphore, #tpu.memory_space<semaphore_mem>>) src(%arg9 : memref<100x128xf32, #tpu.memory_space<vmem>>) dst(%dma_wait3A_89 : memref<10000x128xf32, #tpu.memory_space<vmem_shared>>)
        tpu.yield
      }) : () -> ()
      %scan3A_76 = arith.constant 0 : i32
      scf.yield %scan3A_76 : i32
    }
    %scan3A_23 = arith.constant 25 : i32
    %run_scoped3A_24 = arith.constant 1 : i32
    "tpu.region"() ({
      %run_scoped3A_46 = tpu.sem_alloc : memref<!tpu.dma_semaphore, #tpu.memory_space<semaphore_mem>>
      %dma_start3A = arith.constant 0 : i32
      %dma_start3A_47 = arith.constant 0 : i32
      %dma_start3A_48 = tpu.memref_slice %arg3[%add3A, %run_scoped3A_24, %dma_start3A, %dma_start3A_47] : memref<32x2x50x100xi32, #tpu.memory_space<hbm>> -> memref<1x1x50x100xi32, #tpu.memory_space<hbm>>
      %dma_start3A_49 = tpu.memref_squeeze %dma_start3A_48 : memref<1x1x50x100xi32, #tpu.memory_space<hbm>> -> memref<50x100xi32, #tpu.memory_space<hbm>>
      %dma_start3A_50 = arith.constant 0 : i32
      %dma_start3A_51 = arith.constant 0 : i32
      %dma_start3A_52 = tpu.memref_slice %arg3[%add3A, %run_scoped3A_24, %dma_start3A_50, %dma_start3A_51] : memref<32x2x50x100xi32, #tpu.memory_space<hbm>> -> memref<1x1x50x100xi32, #tpu.memory_space<hbm>>
      %dma_start3A_53 = tpu.memref_squeeze %dma_start3A_52 : memref<1x1x50x100xi32, #tpu.memory_space<hbm>> -> memref<50x100xi32, #tpu.memory_space<hbm>>
      tpu.enqueue_dma source(%dma_start3A_53 : memref<50x100xi32, #tpu.memory_space<hbm>>) target(%arg6 : memref<50x100xi32, #tpu.memory_space<vmem>>) target_semaphore(%run_scoped3A_46 : memref<!tpu.dma_semaphore, #tpu.memory_space<semaphore_mem>>)
      %dma_wait3A = arith.constant 0 : i32
      %dma_wait3A_54 = arith.constant 0 : i32
      %dma_wait3A_55 = tpu.memref_slice %arg3[%add3A, %run_scoped3A_24, %dma_wait3A, %dma_wait3A_54] : memref<32x2x50x100xi32, #tpu.memory_space<hbm>> -> memref<1x1x50x100xi32, #tpu.memory_space<hbm>>
      %dma_wait3A_56 = tpu.memref_squeeze %dma_wait3A_55 : memref<1x1x50x100xi32, #tpu.memory_space<hbm>> -> memref<50x100xi32, #tpu.memory_space<hbm>>
      %dma_wait3A_57 = arith.constant 0 : i32
      %dma_wait3A_58 = arith.constant 0 : i32
      %dma_wait3A_59 = tpu.memref_slice %arg3[%add3A, %run_scoped3A_24, %dma_wait3A_57, %dma_wait3A_58] : memref<32x2x50x100xi32, #tpu.memory_space<hbm>> -> memref<1x1x50x100xi32, #tpu.memory_space<hbm>>
      %dma_wait3A_60 = tpu.memref_squeeze %dma_wait3A_59 : memref<1x1x50x100xi32, #tpu.memory_space<hbm>> -> memref<50x100xi32, #tpu.memory_space<hbm>>
      tpu.wait_dma2 semaphore(%run_scoped3A_46 : memref<!tpu.dma_semaphore, #tpu.memory_space<semaphore_mem>>) src(%dma_wait3A_60 : memref<50x100xi32, #tpu.memory_space<hbm>>) dst(%arg6 : memref<50x100xi32, #tpu.memory_space<vmem>>)
      tpu.yield
    }) : () -> ()
    %run_scoped3A_25 = arith.constant 1 : i32
    "tpu.region"() ({
      %run_scoped3A_46 = tpu.sem_alloc : memref<!tpu.dma_semaphore, #tpu.memory_space<semaphore_mem>>
      %dma_start3A = arith.constant 0 : i32
      %dma_start3A_47 = arith.constant 0 : i32
      %dma_start3A_48 = tpu.memref_slice %arg4[%add3A, %run_scoped3A_25, %dma_start3A, %dma_start3A_47] : memref<32x2x50x100xi32, #tpu.memory_space<hbm>> -> memref<1x1x50x100xi32, #tpu.memory_space<hbm>>
      %dma_start3A_49 = tpu.memref_squeeze %dma_start3A_48 : memref<1x1x50x100xi32, #tpu.memory_space<hbm>> -> memref<50x100xi32, #tpu.memory_space<hbm>>
      %dma_start3A_50 = arith.constant 0 : i32
      %dma_start3A_51 = arith.constant 0 : i32
      %dma_start3A_52 = tpu.memref_slice %arg4[%add3A, %run_scoped3A_25, %dma_start3A_50, %dma_start3A_51] : memref<32x2x50x100xi32, #tpu.memory_space<hbm>> -> memref<1x1x50x100xi32, #tpu.memory_space<hbm>>
      %dma_start3A_53 = tpu.memref_squeeze %dma_start3A_52 : memref<1x1x50x100xi32, #tpu.memory_space<hbm>> -> memref<50x100xi32, #tpu.memory_space<hbm>>
      tpu.enqueue_dma source(%dma_start3A_53 : memref<50x100xi32, #tpu.memory_space<hbm>>) target(%arg7 : memref<50x100xi32, #tpu.memory_space<vmem>>) target_semaphore(%run_scoped3A_46 : memref<!tpu.dma_semaphore, #tpu.memory_space<semaphore_mem>>)
      %dma_wait3A = arith.constant 0 : i32
      %dma_wait3A_54 = arith.constant 0 : i32
      %dma_wait3A_55 = tpu.memref_slice %arg4[%add3A, %run_scoped3A_25, %dma_wait3A, %dma_wait3A_54] : memref<32x2x50x100xi32, #tpu.memory_space<hbm>> -> memref<1x1x50x100xi32, #tpu.memory_space<hbm>>
      %dma_wait3A_56 = tpu.memref_squeeze %dma_wait3A_55 : memref<1x1x50x100xi32, #tpu.memory_space<hbm>> -> memref<50x100xi32, #tpu.memory_space<hbm>>
      %dma_wait3A_57 = arith.constant 0 : i32
      %dma_wait3A_58 = arith.constant 0 : i32
      %dma_wait3A_59 = tpu.memref_slice %arg4[%add3A, %run_scoped3A_25, %dma_wait3A_57, %dma_wait3A_58] : memref<32x2x50x100xi32, #tpu.memory_space<hbm>> -> memref<1x1x50x100xi32, #tpu.memory_space<hbm>>
      %dma_wait3A_60 = tpu.memref_squeeze %dma_wait3A_59 : memref<1x1x50x100xi32, #tpu.memory_space<hbm>> -> memref<50x100xi32, #tpu.memory_space<hbm>>
      tpu.wait_dma2 semaphore(%run_scoped3A_46 : memref<!tpu.dma_semaphore, #tpu.memory_space<semaphore_mem>>) src(%dma_wait3A_60 : memref<50x100xi32, #tpu.memory_space<hbm>>) dst(%arg7 : memref<50x100xi32, #tpu.memory_space<vmem>>)
      tpu.yield
    }) : () -> ()
    %scan3A_26 = arith.constant 0 : i32
    %scan3A_27 = arith.constant 0 : i32
    %scan3A_28 = arith.constant 25 : i32
    %scan3A_29 = arith.addi %scan3A_27, %scan3A_28 : i32
    %scan3A_30 = arith.constant 1 : i32
    %scan3A_31 = scf.for %scan3A_46 = %scan3A_27 to %scan3A_29 step %scan3A_30 iter_args(%scan3A_47 = %scan3A_26) -> (i32)  : i32 {
      %mul3A_48 = arith.constant 2 : i32
      %mul3A_49 = arith.muli %mul3A_48, %scan3A_46 : i32
      %dma_start3A = arith.constant 0 : i32
      %dma_start3A_50 = tpu.memref_slice %arg6[%mul3A_49, %dma_start3A] : memref<50x100xi32, #tpu.memory_space<vmem>> -> memref<1x100xi32, #tpu.memory_space<vmem>>
      %dma_start3A_51 = tpu.memref_squeeze %dma_start3A_50 : memref<1x100xi32, #tpu.memory_space<vmem>> -> memref<100xi32, #tpu.memory_space<vmem>>
      %dma_start3A_52 = arith.constant 0 : i32
      %dma_start3A_53 = arith.constant 0 : i32
      %dma_start3A_54 = tpu.memref_slice %arg2[%dma_start3A_52, %dma_start3A_53] : memref<10000x128xf32, #tpu.memory_space<hbm>> -> memref<10000x128xf32, #tpu.memory_space<hbm>>
      tpu.enqueue_indirect_dma source(%dma_start3A_54 : memref<10000x128xf32, #tpu.memory_space<hbm>>) target(%arg8 : memref<100x128xf32, #tpu.memory_space<vmem>>) offsets(%dma_start3A_51 : memref<100xi32, #tpu.memory_space<vmem>>) semaphore(%arg11 : memref<!tpu.dma_semaphore, #tpu.memory_space<semaphore_mem>>)
      %dma_wait3A = arith.constant 0 : i32
      %dma_wait3A_55 = tpu.memref_slice %arg6[%mul3A_49, %dma_wait3A] : memref<50x100xi32, #tpu.memory_space<vmem>> -> memref<1x100xi32, #tpu.memory_space<vmem>>
      %dma_wait3A_56 = tpu.memref_squeeze %dma_wait3A_55 : memref<1x100xi32, #tpu.memory_space<vmem>> -> memref<100xi32, #tpu.memory_space<vmem>>
      %dma_wait3A_57 = arith.constant 0 : i32
      %dma_wait3A_58 = arith.constant 0 : i32
      %dma_wait3A_59 = tpu.memref_slice %arg2[%dma_wait3A_57, %dma_wait3A_58] : memref<10000x128xf32, #tpu.memory_space<hbm>> -> memref<10000x128xf32, #tpu.memory_space<hbm>>
      tpu.wait_indirect_dma semaphore(%arg11 : memref<!tpu.dma_semaphore, #tpu.memory_space<semaphore_mem>>) src(%dma_wait3A_59 : memref<10000x128xf32, #tpu.memory_space<hbm>>) dst(%arg8 : memref<100x128xf32, #tpu.memory_space<vmem>>)
      "tpu.region"() ({
        %run_scoped3A_77 = tpu.sem_alloc : memref<!tpu.dma_semaphore, #tpu.memory_space<semaphore_mem>>
        %dma_start3A_78 = arith.constant 0 : i32
        %dma_start3A_79 = tpu.memref_slice %arg7[%mul3A_49, %dma_start3A_78] : memref<50x100xi32, #tpu.memory_space<vmem>> -> memref<1x100xi32, #tpu.memory_space<vmem>>
        %dma_start3A_80 = tpu.memref_squeeze %dma_start3A_79 : memref<1x100xi32, #tpu.memory_space<vmem>> -> memref<100xi32, #tpu.memory_space<vmem>>
        %dma_start3A_81 = arith.constant 0 : i32
        %dma_start3A_82 = arith.constant 0 : i32
        %dma_start3A_83 = tpu.memref_slice %arg10[%dma_start3A_81, %dma_start3A_82] : memref<10000x128xf32, #tpu.memory_space<vmem_shared>> -> memref<10000x128xf32, #tpu.memory_space<vmem_shared>>
        tpu.enqueue_indirect_dma source(%arg8 : memref<100x128xf32, #tpu.memory_space<vmem>>) target(%dma_start3A_83 : memref<10000x128xf32, #tpu.memory_space<vmem_shared>>) offsets(%dma_start3A_80 : memref<100xi32, #tpu.memory_space<vmem>>) semaphore(%run_scoped3A_77 : memref<!tpu.dma_semaphore, #tpu.memory_space<semaphore_mem>>) {add = true}
        %dma_wait3A_84 = arith.constant 0 : i32
        %dma_wait3A_85 = tpu.memref_slice %arg7[%mul3A_49, %dma_wait3A_84] : memref<50x100xi32, #tpu.memory_space<vmem>> -> memref<1x100xi32, #tpu.memory_space<vmem>>
        %dma_wait3A_86 = tpu.memref_squeeze %dma_wait3A_85 : memref<1x100xi32, #tpu.memory_space<vmem>> -> memref<100xi32, #tpu.memory_space<vmem>>
        %dma_wait3A_87 = arith.constant 0 : i32
        %dma_wait3A_88 = arith.constant 0 : i32
        %dma_wait3A_89 = tpu.memref_slice %arg10[%dma_wait3A_87, %dma_wait3A_88] : memref<10000x128xf32, #tpu.memory_space<vmem_shared>> -> memref<10000x128xf32, #tpu.memory_space<vmem_shared>>
        tpu.wait_indirect_dma semaphore(%run_scoped3A_77 : memref<!tpu.dma_semaphore, #tpu.memory_space<semaphore_mem>>) src(%arg8 : memref<100x128xf32, #tpu.memory_space<vmem>>) dst(%dma_wait3A_89 : memref<10000x128xf32, #tpu.memory_space<vmem_shared>>)
        tpu.yield
      }) : () -> ()
      %add3A_60 = arith.constant 1 : i32
      %add3A_61 = arith.addi %mul3A_49, %add3A_60 : i32
      %dma_start3A_62 = arith.constant 0 : i32
      %dma_start3A_63 = tpu.memref_slice %arg6[%add3A_61, %dma_start3A_62] : memref<50x100xi32, #tpu.memory_space<vmem>> -> memref<1x100xi32, #tpu.memory_space<vmem>>
      %dma_start3A_64 = tpu.memref_squeeze %dma_start3A_63 : memref<1x100xi32, #tpu.memory_space<vmem>> -> memref<100xi32, #tpu.memory_space<vmem>>
      %dma_start3A_65 = arith.constant 0 : i32
      %dma_start3A_66 = arith.constant 0 : i32
      %dma_start3A_67 = tpu.memref_slice %arg2[%dma_start3A_65, %dma_start3A_66] : memref<10000x128xf32, #tpu.memory_space<hbm>> -> memref<10000x128xf32, #tpu.memory_space<hbm>>
      tpu.enqueue_indirect_dma source(%dma_start3A_67 : memref<10000x128xf32, #tpu.memory_space<hbm>>) target(%arg9 : memref<100x128xf32, #tpu.memory_space<vmem>>) offsets(%dma_start3A_64 : memref<100xi32, #tpu.memory_space<vmem>>) semaphore(%arg12 : memref<!tpu.dma_semaphore, #tpu.memory_space<semaphore_mem>>)
      %dma_wait3A_68 = arith.constant 0 : i32
      %dma_wait3A_69 = tpu.memref_slice %arg6[%add3A_61, %dma_wait3A_68] : memref<50x100xi32, #tpu.memory_space<vmem>> -> memref<1x100xi32, #tpu.memory_space<vmem>>
      %dma_wait3A_70 = tpu.memref_squeeze %dma_wait3A_69 : memref<1x100xi32, #tpu.memory_space<vmem>> -> memref<100xi32, #tpu.memory_space<vmem>>
      %dma_wait3A_71 = arith.constant 0 : i32
      %dma_wait3A_72 = arith.constant 0 : i32
      %dma_wait3A_73 = tpu.memref_slice %arg2[%dma_wait3A_71, %dma_wait3A_72] : memref<10000x128xf32, #tpu.memory_space<hbm>> -> memref<10000x128xf32, #tpu.memory_space<hbm>>
      tpu.wait_indirect_dma semaphore(%arg12 : memref<!tpu.dma_semaphore, #tpu.memory_space<semaphore_mem>>) src(%dma_wait3A_73 : memref<10000x128xf32, #tpu.memory_space<hbm>>) dst(%arg9 : memref<100x128xf32, #tpu.memory_space<vmem>>)
      %add3A_74 = arith.constant 1 : i32
      %add3A_75 = arith.addi %mul3A_49, %add3A_74 : i32
      "tpu.region"() ({
        %run_scoped3A_77 = tpu.sem_alloc : memref<!tpu.dma_semaphore, #tpu.memory_space<semaphore_mem>>
        %dma_start3A_78 = arith.constant 0 : i32
        %dma_start3A_79 = tpu.memref_slice %arg7[%add3A_75, %dma_start3A_78] : memref<50x100xi32, #tpu.memory_space<vmem>> -> memref<1x100xi32, #tpu.memory_space<vmem>>
        %dma_start3A_80 = tpu.memref_squeeze %dma_start3A_79 : memref<1x100xi32, #tpu.memory_space<vmem>> -> memref<100xi32, #tpu.memory_space<vmem>>
        %dma_start3A_81 = arith.constant 0 : i32
        %dma_start3A_82 = arith.constant 0 : i32
        %dma_start3A_83 = tpu.memref_slice %arg10[%dma_start3A_81, %dma_start3A_82] : memref<10000x128xf32, #tpu.memory_space<vmem_shared>> -> memref<10000x128xf32, #tpu.memory_space<vmem_shared>>
        tpu.enqueue_indirect_dma source(%arg9 : memref<100x128xf32, #tpu.memory_space<vmem>>) target(%dma_start3A_83 : memref<10000x128xf32, #tpu.memory_space<vmem_shared>>) offsets(%dma_start3A_80 : memref<100xi32, #tpu.memory_space<vmem>>) semaphore(%run_scoped3A_77 : memref<!tpu.dma_semaphore, #tpu.memory_space<semaphore_mem>>) {add = true}
        %dma_wait3A_84 = arith.constant 0 : i32
        %dma_wait3A_85 = tpu.memref_slice %arg7[%add3A_75, %dma_wait3A_84] : memref<50x100xi32, #tpu.memory_space<vmem>> -> memref<1x100xi32, #tpu.memory_space<vmem>>
        %dma_wait3A_86 = tpu.memref_squeeze %dma_wait3A_85 : memref<1x100xi32, #tpu.memory_space<vmem>> -> memref<100xi32, #tpu.memory_space<vmem>>
        %dma_wait3A_87 = arith.constant 0 : i32
        %dma_wait3A_88 = arith.constant 0 : i32
        %dma_wait3A_89 = tpu.memref_slice %arg10[%dma_wait3A_87, %dma_wait3A_88] : memref<10000x128xf32, #tpu.memory_space<vmem_shared>> -> memref<10000x128xf32, #tpu.memory_space<vmem_shared>>
        tpu.wait_indirect_dma semaphore(%run_scoped3A_77 : memref<!tpu.dma_semaphore, #tpu.memory_space<semaphore_mem>>) src(%arg9 : memref<100x128xf32, #tpu.memory_space<vmem>>) dst(%dma_wait3A_89 : memref<10000x128xf32, #tpu.memory_space<vmem_shared>>)
        tpu.yield
      }) : () -> ()
      %scan3A_76 = arith.constant 0 : i32
      scf.yield %scan3A_76 : i32
    }
    %scan3A_32 = arith.constant 25 : i32
    %barrier3A_33 = arith.constant 0 : index
    tpu.barrier barrier_id(%barrier3A_33)
    %scan3A_34 = arith.constant 0 : i32
    %scan3A_35 = arith.constant 0 : i32
    %scan3A_36 = arith.constant 6 : i32
    %scan3A_37 = arith.addi %scan3A_35, %scan3A_36 : i32
    %scan3A_38 = arith.constant 1 : i32
    %scan3A_39 = scf.for %scan3A_46 = %scan3A_35 to %scan3A_37 step %scan3A_38 iter_args(%scan3A_47 = %scan3A_34) -> (i32)  : i32 {
      %mul3A_48 = arith.constant 16 : i32
      %mul3A_49 = arith.muli %mul3A_48, %scan3A_46 : i32
      %add3A_50 = arith.addi %arg1, %mul3A_49 : i32
      %lt3A = arith.constant 83 : i32
      %lt3A_51 = arith.cmpi slt, %add3A_50, %lt3A : i32
      %convert_element_type3A_52 = arith.extui %lt3A_51 : i1 to i32
      %cond3A_53 = arith.constant 0 : i32
      %cond3A_54 = arith.cmpi ne, %convert_element_type3A_52, %cond3A_53 : i32
      scf.if %cond3A_54 {
        %mul3A_56 = arith.constant 120 : i32
        %mul3A_57 = arith.muli %add3A_50, %mul3A_56 : i32
        "tpu.region"() ({
          %run_scoped3A_60 = tpu.sem_alloc : memref<!tpu.dma_semaphore, #tpu.memory_space<semaphore_mem>>
          %dma_start3A = arith.constant 0 : i32
          %dma_start3A_61 = arith.constant 0 : i32
          %dma_start3A_62 = tpu.memref_slice %arg8[%dma_start3A, %dma_start3A_61] : memref<100x128xf32, #tpu.memory_space<vmem>> -> memref<120x128xf32, #tpu.memory_space<vmem>>
          %dma_start3A_63 = arith.constant 0 : i32
          %dma_start3A_64 = tpu.memref_slice %arg10[%mul3A_57, %dma_start3A_63] : memref<10000x128xf32, #tpu.memory_space<vmem_shared>> -> memref<120x128xf32, #tpu.memory_space<vmem_shared>>
          %dma_start3A_65 = arith.constant 0 : i32
          %dma_start3A_66 = arith.constant 0 : i32
          %dma_start3A_67 = tpu.memref_slice %arg8[%dma_start3A_65, %dma_start3A_66] : memref<100x128xf32, #tpu.memory_space<vmem>> -> memref<120x128xf32, #tpu.memory_space<vmem>>
          %dma_start3A_68 = arith.constant 0 : i32
          %dma_start3A_69 = tpu.memref_slice %arg10[%mul3A_57, %dma_start3A_68] : memref<10000x128xf32, #tpu.memory_space<vmem_shared>> -> memref<120x128xf32, #tpu.memory_space<vmem_shared>>
          tpu.enqueue_dma source(%dma_start3A_69 : memref<120x128xf32, #tpu.memory_space<vmem_shared>>) target(%dma_start3A_67 : memref<120x128xf32, #tpu.memory_space<vmem>>) target_semaphore(%run_scoped3A_60 : memref<!tpu.dma_semaphore, #tpu.memory_space<semaphore_mem>>)
          %dma_wait3A = arith.constant 0 : i32
          %dma_wait3A_70 = arith.constant 0 : i32
          %dma_wait3A_71 = tpu.memref_slice %arg8[%dma_wait3A, %dma_wait3A_70] : memref<100x128xf32, #tpu.memory_space<vmem>> -> memref<120x128xf32, #tpu.memory_space<vmem>>
          %dma_wait3A_72 = arith.constant 0 : i32
          %dma_wait3A_73 = tpu.memref_slice %arg10[%mul3A_57, %dma_wait3A_72] : memref<10000x128xf32, #tpu.memory_space<vmem_shared>> -> memref<120x128xf32, #tpu.memory_space<vmem_shared>>
          %dma_wait3A_74 = arith.constant 0 : i32
          %dma_wait3A_75 = arith.constant 0 : i32
          %dma_wait3A_76 = tpu.memref_slice %arg8[%dma_wait3A_74, %dma_wait3A_75] : memref<100x128xf32, #tpu.memory_space<vmem>> -> memref<120x128xf32, #tpu.memory_space<vmem>>
          %dma_wait3A_77 = arith.constant 0 : i32
          %dma_wait3A_78 = tpu.memref_slice %arg10[%mul3A_57, %dma_wait3A_77] : memref<10000x128xf32, #tpu.memory_space<vmem_shared>> -> memref<120x128xf32, #tpu.memory_space<vmem_shared>>
          tpu.wait_dma2 semaphore(%run_scoped3A_60 : memref<!tpu.dma_semaphore, #tpu.memory_space<semaphore_mem>>) src(%dma_wait3A_78 : memref<120x128xf32, #tpu.memory_space<vmem_shared>>) dst(%dma_wait3A_76 : memref<120x128xf32, #tpu.memory_space<vmem>>)
          tpu.yield
        }) : () -> ()
        %mul3A_58 = arith.constant 120 : i32
        %mul3A_59 = arith.muli %add3A_50, %mul3A_58 : i32
        "tpu.region"() ({
          %run_scoped3A_60 = tpu.sem_alloc : memref<!tpu.dma_semaphore, #tpu.memory_space<semaphore_mem>>
          %dma_start3A = arith.constant 0 : i32
          %dma_start3A_61 = arith.constant 0 : i32
          %dma_start3A_62 = tpu.memref_slice %arg8[%dma_start3A, %dma_start3A_61] : memref<100x128xf32, #tpu.memory_space<vmem>> -> memref<120x128xf32, #tpu.memory_space<vmem>>
          %dma_start3A_63 = arith.constant 0 : i32
          %dma_start3A_64 = tpu.memref_slice %arg5[%arg0, %mul3A_59, %dma_start3A_63] : memref<2x10000x128xf32, #tpu.memory_space<hbm>> -> memref<1x120x128xf32, #tpu.memory_space<hbm>>
          %dma_start3A_65 = tpu.memref_squeeze %dma_start3A_64 : memref<1x120x128xf32, #tpu.memory_space<hbm>> -> memref<120x128xf32, #tpu.memory_space<hbm>>
          %dma_start3A_66 = arith.constant 0 : i32
          %dma_start3A_67 = tpu.memref_slice %arg5[%arg0, %mul3A_59, %dma_start3A_66] : memref<2x10000x128xf32, #tpu.memory_space<hbm>> -> memref<1x120x128xf32, #tpu.memory_space<hbm>>
          %dma_start3A_68 = tpu.memref_squeeze %dma_start3A_67 : memref<1x120x128xf32, #tpu.memory_space<hbm>> -> memref<120x128xf32, #tpu.memory_space<hbm>>
          %dma_start3A_69 = arith.constant 0 : i32
          %dma_start3A_70 = arith.constant 0 : i32
          %dma_start3A_71 = tpu.memref_slice %arg8[%dma_start3A_69, %dma_start3A_70] : memref<100x128xf32, #tpu.memory_space<vmem>> -> memref<120x128xf32, #tpu.memory_space<vmem>>
          tpu.enqueue_dma source(%dma_start3A_71 : memref<120x128xf32, #tpu.memory_space<vmem>>) target(%dma_start3A_68 : memref<120x128xf32, #tpu.memory_space<hbm>>) target_semaphore(%run_scoped3A_60 : memref<!tpu.dma_semaphore, #tpu.memory_space<semaphore_mem>>)
          %dma_wait3A = arith.constant 0 : i32
          %dma_wait3A_72 = arith.constant 0 : i32
          %dma_wait3A_73 = tpu.memref_slice %arg8[%dma_wait3A, %dma_wait3A_72] : memref<100x128xf32, #tpu.memory_space<vmem>> -> memref<120x128xf32, #tpu.memory_space<vmem>>
          %dma_wait3A_74 = arith.constant 0 : i32
          %dma_wait3A_75 = tpu.memref_slice %arg5[%arg0, %mul3A_59, %dma_wait3A_74] : memref<2x10000x128xf32, #tpu.memory_space<hbm>> -> memref<1x120x128xf32, #tpu.memory_space<hbm>>
          %dma_wait3A_76 = tpu.memref_squeeze %dma_wait3A_75 : memref<1x120x128xf32, #tpu.memory_space<hbm>> -> memref<120x128xf32, #tpu.memory_space<hbm>>
          %dma_wait3A_77 = arith.constant 0 : i32
          %dma_wait3A_78 = tpu.memref_slice %arg5[%arg0, %mul3A_59, %dma_wait3A_77] : memref<2x10000x128xf32, #tpu.memory_space<hbm>> -> memref<1x120x128xf32, #tpu.memory_space<hbm>>
          %dma_wait3A_79 = tpu.memref_squeeze %dma_wait3A_78 : memref<1x120x128xf32, #tpu.memory_space<hbm>> -> memref<120x128xf32, #tpu.memory_space<hbm>>
          %dma_wait3A_80 = arith.constant 0 : i32
          %dma_wait3A_81 = arith.constant 0 : i32
          %dma_wait3A_82 = tpu.memref_slice %arg8[%dma_wait3A_80, %dma_wait3A_81] : memref<100x128xf32, #tpu.memory_space<vmem>> -> memref<120x128xf32, #tpu.memory_space<vmem>>
          tpu.wait_dma2 semaphore(%run_scoped3A_60 : memref<!tpu.dma_semaphore, #tpu.memory_space<semaphore_mem>>) src(%dma_wait3A_82 : memref<120x128xf32, #tpu.memory_space<vmem>>) dst(%dma_wait3A_79 : memref<120x128xf32, #tpu.memory_space<hbm>>)
          tpu.yield
        }) : () -> ()
      } else {
      }
      %scan3A_55 = arith.constant 0 : i32
      scf.yield %scan3A_55 : i32
    }
    %scan3A_40 = arith.constant 6 : i32
    %eq3A_41 = arith.constant 0 : i32
    %eq3A_42 = arith.cmpi eq, %arg1, %eq3A_41 : i32
    %convert_element_type3A_43 = arith.extui %eq3A_42 : i1 to i32
    %cond3A_44 = arith.constant 0 : i32
    %cond3A_45 = arith.cmpi ne, %convert_element_type3A_43, %cond3A_44 : i32
    scf.if %cond3A_45 {
      "tpu.region"() ({
        %run_scoped3A_46 = tpu.sem_alloc : memref<!tpu.dma_semaphore, #tpu.memory_space<semaphore_mem>>
        %dma_start3A = arith.constant 0 : i32
        %dma_start3A_47 = arith.constant 0 : i32
        %dma_start3A_48 = tpu.memref_slice %arg8[%dma_start3A, %dma_start3A_47] : memref<100x128xf32, #tpu.memory_space<vmem>> -> memref<40x128xf32, #tpu.memory_space<vmem>>
        %dma_start3A_49 = arith.constant 9960 : i32
        %dma_start3A_50 = arith.constant 0 : i32
        %dma_start3A_51 = tpu.memref_slice %arg10[%dma_start3A_49, %dma_start3A_50] : memref<10000x128xf32, #tpu.memory_space<vmem_shared>> -> memref<40x128xf32, #tpu.memory_space<vmem_shared>>
        %dma_start3A_52 = arith.constant 0 : i32
        %dma_start3A_53 = arith.constant 0 : i32
        %dma_start3A_54 = tpu.memref_slice %arg8[%dma_start3A_52, %dma_start3A_53] : memref<100x128xf32, #tpu.memory_space<vmem>> -> memref<40x128xf32, #tpu.memory_space<vmem>>
        %dma_start3A_55 = arith.constant 9960 : i32
        %dma_start3A_56 = arith.constant 0 : i32
        %dma_start3A_57 = tpu.memref_slice %arg10[%dma_start3A_55, %dma_start3A_56] : memref<10000x128xf32, #tpu.memory_space<vmem_shared>> -> memref<40x128xf32, #tpu.memory_space<vmem_shared>>
        tpu.enqueue_dma source(%dma_start3A_57 : memref<40x128xf32, #tpu.memory_space<vmem_shared>>) target(%dma_start3A_54 : memref<40x128xf32, #tpu.memory_space<vmem>>) target_semaphore(%run_scoped3A_46 : memref<!tpu.dma_semaphore, #tpu.memory_space<semaphore_mem>>)
        %dma_wait3A = arith.constant 0 : i32
        %dma_wait3A_58 = arith.constant 0 : i32
        %dma_wait3A_59 = tpu.memref_slice %arg8[%dma_wait3A, %dma_wait3A_58] : memref<100x128xf32, #tpu.memory_space<vmem>> -> memref<40x128xf32, #tpu.memory_space<vmem>>
        %dma_wait3A_60 = arith.constant 9960 : i32
        %dma_wait3A_61 = arith.constant 0 : i32
        %dma_wait3A_62 = tpu.memref_slice %arg10[%dma_wait3A_60, %dma_wait3A_61] : memref<10000x128xf32, #tpu.memory_space<vmem_shared>> -> memref<40x128xf32, #tpu.memory_space<vmem_shared>>
        %dma_wait3A_63 = arith.constant 0 : i32
        %dma_wait3A_64 = arith.constant 0 : i32
        %dma_wait3A_65 = tpu.memref_slice %arg8[%dma_wait3A_63, %dma_wait3A_64] : memref<100x128xf32, #tpu.memory_space<vmem>> -> memref<40x128xf32, #tpu.memory_space<vmem>>
        %dma_wait3A_66 = arith.constant 9960 : i32
        %dma_wait3A_67 = arith.constant 0 : i32
        %dma_wait3A_68 = tpu.memref_slice %arg10[%dma_wait3A_66, %dma_wait3A_67] : memref<10000x128xf32, #tpu.memory_space<vmem_shared>> -> memref<40x128xf32, #tpu.memory_space<vmem_shared>>
        tpu.wait_dma2 semaphore(%run_scoped3A_46 : memref<!tpu.dma_semaphore, #tpu.memory_space<semaphore_mem>>) src(%dma_wait3A_68 : memref<40x128xf32, #tpu.memory_space<vmem_shared>>) dst(%dma_wait3A_65 : memref<40x128xf32, #tpu.memory_space<vmem>>)
        tpu.yield
      }) : () -> ()
      "tpu.region"() ({
        %run_scoped3A_46 = tpu.sem_alloc : memref<!tpu.dma_semaphore, #tpu.memory_space<semaphore_mem>>
        %dma_start3A = arith.constant 0 : i32
        %dma_start3A_47 = arith.constant 0 : i32
        %dma_start3A_48 = tpu.memref_slice %arg8[%dma_start3A, %dma_start3A_47] : memref<100x128xf32, #tpu.memory_space<vmem>> -> memref<40x128xf32, #tpu.memory_space<vmem>>
        %dma_start3A_49 = arith.constant 9960 : i32
        %dma_start3A_50 = arith.constant 0 : i32
        %dma_start3A_51 = tpu.memref_slice %arg5[%arg0, %dma_start3A_49, %dma_start3A_50] : memref<2x10000x128xf32, #tpu.memory_space<hbm>> -> memref<1x40x128xf32, #tpu.memory_space<hbm>>
        %dma_start3A_52 = tpu.memref_squeeze %dma_start3A_51 : memref<1x40x128xf32, #tpu.memory_space<hbm>> -> memref<40x128xf32, #tpu.memory_space<hbm>>
        %dma_start3A_53 = arith.constant 9960 : i32
        %dma_start3A_54 = arith.constant 0 : i32
        %dma_start3A_55 = tpu.memref_slice %arg5[%arg0, %dma_start3A_53, %dma_start3A_54] : memref<2x10000x128xf32, #tpu.memory_space<hbm>> -> memref<1x40x128xf32, #tpu.memory_space<hbm>>
        %dma_start3A_56 = tpu.memref_squeeze %dma_start3A_55 : memref<1x40x128xf32, #tpu.memory_space<hbm>> -> memref<40x128xf32, #tpu.memory_space<hbm>>
        %dma_start3A_57 = arith.constant 0 : i32
        %dma_start3A_58 = arith.constant 0 : i32
        %dma_start3A_59 = tpu.memref_slice %arg8[%dma_start3A_57, %dma_start3A_58] : memref<100x128xf32, #tpu.memory_space<vmem>> -> memref<40x128xf32, #tpu.memory_space<vmem>>
        tpu.enqueue_dma source(%dma_start3A_59 : memref<40x128xf32, #tpu.memory_space<vmem>>) target(%dma_start3A_56 : memref<40x128xf32, #tpu.memory_space<hbm>>) target_semaphore(%run_scoped3A_46 : memref<!tpu.dma_semaphore, #tpu.memory_space<semaphore_mem>>)
        %dma_wait3A = arith.constant 0 : i32
        %dma_wait3A_60 = arith.constant 0 : i32
        %dma_wait3A_61 = tpu.memref_slice %arg8[%dma_wait3A, %dma_wait3A_60] : memref<100x128xf32, #tpu.memory_space<vmem>> -> memref<40x128xf32, #tpu.memory_space<vmem>>
        %dma_wait3A_62 = arith.constant 9960 : i32
        %dma_wait3A_63 = arith.constant 0 : i32
        %dma_wait3A_64 = tpu.memref_slice %arg5[%arg0, %dma_wait3A_62, %dma_wait3A_63] : memref<2x10000x128xf32, #tpu.memory_space<hbm>> -> memref<1x40x128xf32, #tpu.memory_space<hbm>>
        %dma_wait3A_65 = tpu.memref_squeeze %dma_wait3A_64 : memref<1x40x128xf32, #tpu.memory_space<hbm>> -> memref<40x128xf32, #tpu.memory_space<hbm>>
        %dma_wait3A_66 = arith.constant 9960 : i32
        %dma_wait3A_67 = arith.constant 0 : i32
        %dma_wait3A_68 = tpu.memref_slice %arg5[%arg0, %dma_wait3A_66, %dma_wait3A_67] : memref<2x10000x128xf32, #tpu.memory_space<hbm>> -> memref<1x40x128xf32, #tpu.memory_space<hbm>>
        %dma_wait3A_69 = tpu.memref_squeeze %dma_wait3A_68 : memref<1x40x128xf32, #tpu.memory_space<hbm>> -> memref<40x128xf32, #tpu.memory_space<hbm>>
        %dma_wait3A_70 = arith.constant 0 : i32
        %dma_wait3A_71 = arith.constant 0 : i32
        %dma_wait3A_72 = tpu.memref_slice %arg8[%dma_wait3A_70, %dma_wait3A_71] : memref<100x128xf32, #tpu.memory_space<vmem>> -> memref<40x128xf32, #tpu.memory_space<vmem>>
        tpu.wait_dma2 semaphore(%run_scoped3A_46 : memref<!tpu.dma_semaphore, #tpu.memory_space<semaphore_mem>>) src(%dma_wait3A_72 : memref<40x128xf32, #tpu.memory_space<vmem>>) dst(%dma_wait3A_69 : memref<40x128xf32, #tpu.memory_space<hbm>>)
        tpu.yield
      }) : () -> ()
    } else {
    }
    return
  }
}

module attributes {stable_mosaic.version = 14 : i64} {
  func.func @body(%arg0: i32, %arg1: memref<1000x128xf32, #tpu.memory_space<vmem>>, %arg2: memref<2x1000x16xf32, #tpu.memory_space<vmem>>, %arg3: memref<128x128xf32, #tpu.memory_space<vmem>>, %arg4: memref<1x128xf32, #tpu.memory_space<vmem>>, %arg5: memref<128x128xf32, #tpu.memory_space<vmem>>, %arg6: memref<1000x128xf32, #tpu.memory_space<vmem>>, %arg7: memref<1000x1xf32, #tpu.memory_space<vmem>>) attributes {dimension_semantics = [#tpu.dimension_semantics<arbitrary>], iteration_bounds = array<i64: 10>, scalar_prefetch = 0 : i64, scratch_operands = 0 : i64, tpu.core_type = #tpu.core_type<tc>, window_params = [{transform_indices = @transform_0, window_bounds = array<i64: 1000, 128>}, {transform_indices = @transform_1, window_bounds = array<i64: 2, 1000, 16>}, {pipeline_mode = #tpu.pipeline_mode<synchronous>, transform_indices = @transform_2, window_bounds = array<i64: 128, 128>}, {pipeline_mode = #tpu.pipeline_mode<synchronous>, transform_indices = @transform_3, window_bounds = array<i64: 1, 128>}, {pipeline_mode = #tpu.pipeline_mode<synchronous>, transform_indices = @transform_4, window_bounds = array<i64: 128, 128>}, {transform_indices = @transform_5, window_bounds = array<i64: 1000, 128>}, {transform_indices = @transform_6, window_bounds = array<i64: 1000, 1>}]} {
    %get3A = arith.constant 0 : index
    %get3A_0 = arith.constant 0 : index
    %get3A_1 = arith.constant 0 : index
    %get3A_2 = vector.load %arg2[%get3A, %get3A_0, %get3A_1] : memref<2x1000x16xf32, #tpu.memory_space<vmem>>, vector<2x1000x16xf32>
    %slice3A = vector.extract_strided_slice %get3A_2 {offsets = [0, 0, 0], sizes = [1, 1000, 1], strides = [1, 1, 1]} : vector<2x1000x16xf32> to vector<1x1000x1xf32>
    %squeeze3A = vector.shape_cast %slice3A : vector<1x1000x1xf32> to vector<1000x1xf32>
    %slice3A_3 = vector.extract_strided_slice %get3A_2 {offsets = [1, 0, 0], sizes = [1, 1000, 1], strides = [1, 1, 1]} : vector<2x1000x16xf32> to vector<1x1000x1xf32>
    %squeeze3A_4 = vector.shape_cast %slice3A_3 : vector<1x1000x1xf32> to vector<1000x1xf32>
    %add3A = arith.addf %squeeze3A, %squeeze3A_4 : vector<1000x1xf32>
    %add3A_5 = arith.constant 1.000000e+00 : f32
    %add3A_6 = vector.broadcast %add3A_5 : f32 to vector<1000x1xf32>
    %add3A_7 = arith.addf %add3A, %add3A_6 : vector<1000x1xf32>
    %rsqrt3A = math.rsqrt %add3A_7 : vector<1000x1xf32>
    %get3A_8 = arith.constant 0 : index
    %get3A_9 = arith.constant 0 : index
    %get3A_10 = vector.load %arg1[%get3A_8, %get3A_9] : memref<1000x128xf32, #tpu.memory_space<vmem>>, vector<1000x128xf32>
    %get3A_11 = arith.constant 0 : index
    %get3A_12 = arith.constant 0 : index
    %get3A_13 = vector.load %arg3[%get3A_11, %get3A_12] : memref<128x128xf32, #tpu.memory_space<vmem>>, vector<128x128xf32>
    %dot_general3A = arith.constant dense<0.000000e+00> : vector<1000x128xf32>
    %dot_general3A_14 = tpu.matmul %get3A_10, %get3A_13, %dot_general3A {dimension_numbers = #tpu.dot_dimension_numbers<[1], [0], [0], [1], [0, 0, 1, 1], [], []>, transpose_lhs_hint = false} : vector<1000x128xf32>, vector<128x128xf32>, vector<1000x128xf32> -> vector<1000x128xf32>
    %get3A_15 = arith.constant 0 : index
    %get3A_16 = arith.constant 0 : index
    %get3A_17 = vector.load %arg4[%get3A_15, %get3A_16] : memref<1x128xf32, #tpu.memory_space<vmem>>, vector<1x128xf32>
    %add3A_18 = vector.broadcast %get3A_17 : vector<1x128xf32> to vector<1000x128xf32>
    %add3A_19 = arith.addf %dot_general3A_14, %add3A_18 : vector<1000x128xf32>
    %max3A = arith.constant 0.000000e+00 : f32
    %max3A_20 = vector.broadcast %max3A : f32 to vector<1000x128xf32>
    %max3A_21 = arith.maximumf %add3A_19, %max3A_20 : vector<1000x128xf32>
    %get3A_22 = arith.constant 0 : index
    %get3A_23 = arith.constant 0 : index
    %get3A_24 = vector.load %arg5[%get3A_22, %get3A_23] : memref<128x128xf32, #tpu.memory_space<vmem>>, vector<128x128xf32>
    %dot_general3A_25 = arith.constant dense<0.000000e+00> : vector<1000x128xf32>
    %dot_general3A_26 = tpu.matmul %max3A_21, %get3A_24, %dot_general3A_25 {dimension_numbers = #tpu.dot_dimension_numbers<[1], [0], [0], [1], [0, 0, 1, 1], [], []>, transpose_lhs_hint = false} : vector<1000x128xf32>, vector<128x128xf32>, vector<1000x128xf32> -> vector<1000x128xf32>
    %mul3A = vector.broadcast %rsqrt3A : vector<1000x1xf32> to vector<1000x128xf32>
    %mul3A_27 = arith.mulf %dot_general3A_26, %mul3A : vector<1000x128xf32>
    %swap3A = arith.constant 0 : index
    %swap3A_28 = arith.constant 0 : index
    %swap3A_29 = vector.load %arg6[%swap3A, %swap3A_28] : memref<1000x128xf32, #tpu.memory_space<vmem>>, vector<1000x128xf32>
    tpu.vector_store %arg6[%swap3A, %swap3A_28], %mul3A_27 {strides = array<i32>} : memref<1000x128xf32, #tpu.memory_space<vmem>>, vector<1000x128xf32>,
    %swap3A_30 = arith.constant 0 : index
    %swap3A_31 = arith.constant 0 : index
    %swap3A_32 = vector.load %arg7[%swap3A_30, %swap3A_31] : memref<1000x1xf32, #tpu.memory_space<vmem>>, vector<1000x1xf32>
    tpu.vector_store %arg7[%swap3A_30, %swap3A_31], %rsqrt3A {strides = array<i32>} : memref<1000x1xf32, #tpu.memory_space<vmem>>, vector<1000x1xf32>,
    return
  }
  func.func @transform_0(%arg0: i32) -> (i32, i32) {
    %c0_i32 = arith.constant 0 : i32
    %c0_i32_0 = arith.constant 0 : i32
    return %arg0, %c0_i32 : i32, i32
  }
  func.func @transform_1(%arg0: i32) -> (i32, i32, i32) {
    %c0_i32 = arith.constant 0 : i32
    %c0_i32_0 = arith.constant 0 : i32
    %c0_i32_1 = arith.constant 0 : i32
    return %c0_i32, %arg0, %c0_i32_0 : i32, i32, i32
  }
  func.func @transform_2(%arg0: i32) -> (i32, i32) {
    %c0_i32 = arith.constant 0 : i32
    %c0_i32_0 = arith.constant 0 : i32
    %c0_i32_1 = arith.constant 0 : i32
    return %c0_i32, %c0_i32_0 : i32, i32
  }
  func.func @transform_3(%arg0: i32) -> (i32, i32) {
    %c0_i32 = arith.constant 0 : i32
    %c0_i32_0 = arith.constant 0 : i32
    %c0_i32_1 = arith.constant 0 : i32
    return %c0_i32, %c0_i32_0 : i32, i32
  }
  func.func @transform_4(%arg0: i32) -> (i32, i32) {
    %c0_i32 = arith.constant 0 : i32
    %c0_i32_0 = arith.constant 0 : i32
    %c0_i32_1 = arith.constant 0 : i32
    return %c0_i32, %c0_i32_0 : i32, i32
  }
  func.func @transform_5(%arg0: i32) -> (i32, i32) {
    %c0_i32 = arith.constant 0 : i32
    %c0_i32_0 = arith.constant 0 : i32
    return %arg0, %c0_i32 : i32, i32
  }
  func.func @transform_6(%arg0: i32) -> (i32, i32) {
    %c0_i32 = arith.constant 0 : i32
    %c0_i32_0 = arith.constant 0 : i32
    return %arg0, %c0_i32 : i32, i32
  }
}

module attributes {stable_mosaic.version = 14 : i64} {
  func.func @body(%arg0: i32, %arg1: memref<2x1000x128xf32, #tpu.memory_space<vmem>>, %arg2: memref<1000x128xf32, #tpu.memory_space<vmem>>, %arg3: memref<1000x1xf32, #tpu.memory_space<vmem>>, %arg4: memref<1x128xf32, #tpu.memory_space<vmem>>, %arg5: memref<128x128xf32, #tpu.memory_space<vmem>>, %arg6: memref<1000x128xf32, #tpu.memory_space<vmem>>) attributes {dimension_semantics = [#tpu.dimension_semantics<arbitrary>], iteration_bounds = array<i64: 10>, scalar_prefetch = 0 : i64, scratch_operands = 0 : i64, tpu.core_type = #tpu.core_type<tc>, window_params = [{transform_indices = @transform_0, window_bounds = array<i64: 2, 1000, 128>}, {transform_indices = @transform_1, window_bounds = array<i64: 1000, 128>}, {transform_indices = @transform_2, window_bounds = array<i64: 1000, 1>}, {pipeline_mode = #tpu.pipeline_mode<synchronous>, transform_indices = @transform_3, window_bounds = array<i64: 1, 128>}, {pipeline_mode = #tpu.pipeline_mode<synchronous>, transform_indices = @transform_4, window_bounds = array<i64: 128, 128>}, {transform_indices = @transform_5, window_bounds = array<i64: 1000, 128>}]} {
    %get3A = arith.constant 0 : index
    %get3A_0 = arith.constant 0 : index
    %get3A_1 = arith.constant 0 : index
    %get3A_2 = vector.load %arg1[%get3A, %get3A_0, %get3A_1] : memref<2x1000x128xf32, #tpu.memory_space<vmem>>, vector<2x1000x128xf32>
    %get3A_3 = arith.constant 0 : index
    %get3A_4 = arith.constant 0 : index
    %get3A_5 = vector.load %arg3[%get3A_3, %get3A_4] : memref<1000x1xf32, #tpu.memory_space<vmem>>, vector<1000x1xf32>
    %slice3A = vector.extract_strided_slice %get3A_2 {offsets = [0, 0, 0], sizes = [1, 1000, 128], strides = [1, 1, 1]} : vector<2x1000x128xf32> to vector<1x1000x128xf32>
    %squeeze3A = vector.shape_cast %slice3A : vector<1x1000x128xf32> to vector<1000x128xf32>
    %slice3A_6 = vector.extract_strided_slice %get3A_2 {offsets = [1, 0, 0], sizes = [1, 1000, 128], strides = [1, 1, 1]} : vector<2x1000x128xf32> to vector<1x1000x128xf32>
    %squeeze3A_7 = vector.shape_cast %slice3A_6 : vector<1x1000x128xf32> to vector<1000x128xf32>
    %add3A = arith.addf %squeeze3A, %squeeze3A_7 : vector<1000x128xf32>
    %get3A_8 = arith.constant 0 : index
    %get3A_9 = arith.constant 0 : index
    %get3A_10 = vector.load %arg2[%get3A_8, %get3A_9] : memref<1000x128xf32, #tpu.memory_space<vmem>>, vector<1000x128xf32>
    %add3A_11 = arith.addf %add3A, %get3A_10 : vector<1000x128xf32>
    %mul3A = vector.broadcast %get3A_5 : vector<1000x1xf32> to vector<1000x128xf32>
    %mul3A_12 = arith.mulf %mul3A, %add3A_11 : vector<1000x128xf32>
    %get3A_13 = arith.constant 0 : index
    %get3A_14 = arith.constant 0 : index
    %get3A_15 = vector.load %arg4[%get3A_13, %get3A_14] : memref<1x128xf32, #tpu.memory_space<vmem>>, vector<1x128xf32>
    %add3A_16 = vector.broadcast %get3A_15 : vector<1x128xf32> to vector<1000x128xf32>
    %add3A_17 = arith.addf %mul3A_12, %add3A_16 : vector<1000x128xf32>
    %max3A = arith.constant 0.000000e+00 : f32
    %max3A_18 = vector.broadcast %max3A : f32 to vector<1000x128xf32>
    %max3A_19 = arith.maximumf %add3A_17, %max3A_18 : vector<1000x128xf32>
    %get3A_20 = arith.constant 0 : index
    %get3A_21 = arith.constant 0 : index
    %get3A_22 = vector.load %arg5[%get3A_20, %get3A_21] : memref<128x128xf32, #tpu.memory_space<vmem>>, vector<128x128xf32>
    %dot_general3A = arith.constant dense<0.000000e+00> : vector<1000x128xf32>
    %dot_general3A_23 = tpu.matmul %max3A_19, %get3A_22, %dot_general3A {dimension_numbers = #tpu.dot_dimension_numbers<[1], [0], [0], [1], [0, 0, 1, 1], [], []>, transpose_lhs_hint = false} : vector<1000x128xf32>, vector<128x128xf32>, vector<1000x128xf32> -> vector<1000x128xf32>
    %mul3A_24 = vector.broadcast %get3A_5 : vector<1000x1xf32> to vector<1000x128xf32>
    %mul3A_25 = arith.mulf %dot_general3A_23, %mul3A_24 : vector<1000x128xf32>
    %swap3A = arith.constant 0 : index
    %swap3A_26 = arith.constant 0 : index
    %swap3A_27 = vector.load %arg6[%swap3A, %swap3A_26] : memref<1000x128xf32, #tpu.memory_space<vmem>>, vector<1000x128xf32>
    tpu.vector_store %arg6[%swap3A, %swap3A_26], %mul3A_25 {strides = array<i32>} : memref<1000x128xf32, #tpu.memory_space<vmem>>, vector<1000x128xf32>,
    return
  }
  func.func @transform_0(%arg0: i32) -> (i32, i32, i32) {
    %c0_i32 = arith.constant 0 : i32
    %c0_i32_0 = arith.constant 0 : i32
    %c0_i32_1 = arith.constant 0 : i32
    return %c0_i32, %arg0, %c0_i32_0 : i32, i32, i32
  }
  func.func @transform_1(%arg0: i32) -> (i32, i32) {
    %c0_i32 = arith.constant 0 : i32
    %c0_i32_0 = arith.constant 0 : i32
    return %arg0, %c0_i32 : i32, i32
  }
  func.func @transform_2(%arg0: i32) -> (i32, i32) {
    %c0_i32 = arith.constant 0 : i32
    %c0_i32_0 = arith.constant 0 : i32
    return %arg0, %c0_i32 : i32, i32
  }
  func.func @transform_3(%arg0: i32) -> (i32, i32) {
    %c0_i32 = arith.constant 0 : i32
    %c0_i32_0 = arith.constant 0 : i32
    %c0_i32_1 = arith.constant 0 : i32
    return %c0_i32, %c0_i32_0 : i32, i32
  }
  func.func @transform_4(%arg0: i32) -> (i32, i32) {
    %c0_i32 = arith.constant 0 : i32
    %c0_i32_0 = arith.constant 0 : i32
    %c0_i32_1 = arith.constant 0 : i32
    return %c0_i32, %c0_i32_0 : i32, i32
  }
  func.func @transform_5(%arg0: i32) -> (i32, i32) {
    %c0_i32 = arith.constant 0 : i32
    %c0_i32_0 = arith.constant 0 : i32
    return %arg0, %c0_i32 : i32, i32
  }
}

module attributes {stable_mosaic.version = 14 : i64} {
  func.func @body(%arg0: i32, %arg1: memref<2x200x128xf32, #tpu.memory_space<vmem>>, %arg2: memref<2x200x128xf32, #tpu.memory_space<vmem>>, %arg3: memref<200x128xf32, #tpu.memory_space<vmem>>, %arg4: memref<200x128xf32, #tpu.memory_space<vmem>>, %arg5: memref<200x1xf32, #tpu.memory_space<vmem>>, %arg6: memref<200x1xf32, #tpu.memory_space<vmem>>, %arg7: memref<1x128xf32, #tpu.memory_space<vmem>>, %arg8: memref<128x512xf32, #tpu.memory_space<vmem>>, %arg9: memref<4x256xf32, #tpu.memory_space<vmem>>, %arg10: memref<1x256xf32, #tpu.memory_space<vmem>>, %arg11: memref<256x40xf32, #tpu.memory_space<vmem>>, %arg12: memref<8x256xf32, #tpu.memory_space<vmem>>, %arg13: memref<1x256xf32, #tpu.memory_space<vmem>>, %arg14: memref<16x256xf32, #tpu.memory_space<vmem>>, %arg15: memref<1x256xf32, #tpu.memory_space<vmem>>, %arg16: memref<256x128xf32, #tpu.memory_space<vmem>>, %arg17: memref<1x128xf32, #tpu.memory_space<vmem>>, %arg18: memref<1x128xf32, #tpu.memory_space<vmem>>, %arg19: memref<1x128xf32, #tpu.memory_space<vmem>>, %arg20: memref<100x16x256xf32, #tpu.memory_space<vmem>>, %arg21: memref<100x16x256xf32, #tpu.memory_space<vmem>>, %arg22: memref<100x16x256xf32, #tpu.memory_space<vmem>>, %arg23: memref<16x256xf32, #tpu.memory_space<vmem>>, %arg24: memref<1x128xf32, #tpu.memory_space<vmem>>) attributes {dimension_semantics = [#tpu.dimension_semantics<arbitrary>], iteration_bounds = array<i64: 50>, scalar_prefetch = 0 : i64, scratch_operands = 5 : i64, tpu.core_type = #tpu.core_type<tc>, window_params = [{transform_indices = @transform_0, window_bounds = array<i64: 2, 200, 128>}, {transform_indices = @transform_1, window_bounds = array<i64: 2, 200, 128>}, {transform_indices = @transform_2, window_bounds = array<i64: 200, 128>}, {transform_indices = @transform_3, window_bounds = array<i64: 200, 128>}, {transform_indices = @transform_4, window_bounds = array<i64: 200, 1>}, {transform_indices = @transform_5, window_bounds = array<i64: 200, 1>}, {pipeline_mode = #tpu.pipeline_mode<synchronous>, transform_indices = @transform_6, window_bounds = array<i64: 1, 128>}, {pipeline_mode = #tpu.pipeline_mode<synchronous>, transform_indices = @transform_7, window_bounds = array<i64: 128, 512>}, {pipeline_mode = #tpu.pipeline_mode<synchronous>, transform_indices = @transform_8, window_bounds = array<i64: 4, 256>}, {pipeline_mode = #tpu.pipeline_mode<synchronous>, transform_indices = @transform_9, window_bounds = array<i64: 1, 256>}, {pipeline_mode = #tpu.pipeline_mode<synchronous>, transform_indices = @transform_10, window_bounds = array<i64: 256, 40>}, {pipeline_mode = #tpu.pipeline_mode<synchronous>, transform_indices = @transform_11, window_bounds = array<i64: 8, 256>}, {pipeline_mode = #tpu.pipeline_mode<synchronous>, transform_indices = @transform_12, window_bounds = array<i64: 1, 256>}, {pipeline_mode = #tpu.pipeline_mode<synchronous>, transform_indices = @transform_13, window_bounds = array<i64: 16, 256>}, {pipeline_mode = #tpu.pipeline_mode<synchronous>, transform_indices = @transform_14, window_bounds = array<i64: 1, 256>}, {pipeline_mode = #tpu.pipeline_mode<synchronous>, transform_indices = @transform_15, window_bounds = array<i64: 256, 128>}, {pipeline_mode = #tpu.pipeline_mode<synchronous>, transform_indices = @transform_16, window_bounds = array<i64: 1, 128>}, {pipeline_mode = #tpu.pipeline_mode<synchronous>, transform_indices = @transform_17, window_bounds = array<i64: 1, 128>}, {pipeline_mode = #tpu.pipeline_mode<synchronous>, transform_indices = @transform_18, window_bounds = array<i64: 1, 128>}]} {
    %get3A = arith.constant 0 : index
    %get3A_0 = arith.constant 0 : index
    %get3A_1 = arith.constant 0 : index
    %get3A_2 = vector.load %arg1[%get3A, %get3A_0, %get3A_1] : memref<2x200x128xf32, #tpu.memory_space<vmem>>, vector<2x200x128xf32>
    %get3A_3 = arith.constant 0 : index
    %get3A_4 = arith.constant 0 : index
    %get3A_5 = vector.load %arg5[%get3A_3, %get3A_4] : memref<200x1xf32, #tpu.memory_space<vmem>>, vector<200x1xf32>
    %slice3A = vector.extract_strided_slice %get3A_2 {offsets = [0, 0, 0], sizes = [1, 200, 128], strides = [1, 1, 1]} : vector<2x200x128xf32> to vector<1x200x128xf32>
    %squeeze3A = vector.shape_cast %slice3A : vector<1x200x128xf32> to vector<200x128xf32>
    %slice3A_6 = vector.extract_strided_slice %get3A_2 {offsets = [1, 0, 0], sizes = [1, 200, 128], strides = [1, 1, 1]} : vector<2x200x128xf32> to vector<1x200x128xf32>
    %squeeze3A_7 = vector.shape_cast %slice3A_6 : vector<1x200x128xf32> to vector<200x128xf32>
    %add3A = arith.addf %squeeze3A, %squeeze3A_7 : vector<200x128xf32>
    %get3A_8 = arith.constant 0 : index
    %get3A_9 = arith.constant 0 : index
    %get3A_10 = vector.load %arg3[%get3A_8, %get3A_9] : memref<200x128xf32, #tpu.memory_space<vmem>>, vector<200x128xf32>
    %add3A_11 = arith.addf %add3A, %get3A_10 : vector<200x128xf32>
    %mul3A = vector.broadcast %get3A_5 : vector<200x1xf32> to vector<200x128xf32>
    %mul3A_12 = arith.mulf %mul3A, %add3A_11 : vector<200x128xf32>
    %get3A_13 = arith.constant 0 : index
    %get3A_14 = arith.constant 0 : index
    %get3A_15 = vector.load %arg7[%get3A_13, %get3A_14] : memref<1x128xf32, #tpu.memory_space<vmem>>, vector<1x128xf32>
    %add3A_16 = vector.broadcast %get3A_15 : vector<1x128xf32> to vector<200x128xf32>
    %add3A_17 = arith.addf %mul3A_12, %add3A_16 : vector<200x128xf32>
    %max3A = arith.constant 0.000000e+00 : f32
    %max3A_18 = vector.broadcast %max3A : f32 to vector<200x128xf32>
    %max3A_19 = arith.maximumf %add3A_17, %max3A_18 : vector<200x128xf32>
    %get3A_20 = arith.constant 0 : index
    %get3A_21 = arith.constant 0 : index
    %get3A_22 = vector.load %arg8[%get3A_20, %get3A_21] : memref<128x512xf32, #tpu.memory_space<vmem>>, vector<128x512xf32>
    %dot_general3A = arith.constant dense<0.000000e+00> : vector<200x512xf32>
    %dot_general3A_23 = tpu.matmul %max3A_19, %get3A_22, %dot_general3A {dimension_numbers = #tpu.dot_dimension_numbers<[1], [0], [0], [1], [0, 0, 1, 1], [], []>, transpose_lhs_hint = false} : vector<200x128xf32>, vector<128x512xf32>, vector<200x512xf32> -> vector<200x512xf32>
    %slice3A_24 = vector.extract_strided_slice %dot_general3A_23 {offsets = [0, 0], sizes = [200, 256], strides = [1, 1]} : vector<200x512xf32> to vector<200x256xf32>
    %slice3A_25 = vector.extract_strided_slice %dot_general3A_23 {offsets = [0, 256], sizes = [200, 256], strides = [1, 1]} : vector<200x512xf32> to vector<200x256xf32>
    %logistic3A = arith.negf %slice3A_25 : vector<200x256xf32>
    %logistic3A_26 = math.exp %logistic3A : vector<200x256xf32>
    %logistic3A_27 = arith.constant 1.000000e+00 : f32
    %logistic3A_28 = vector.broadcast %logistic3A_27 : f32 to vector<200x256xf32>
    %logistic3A_29 = arith.addf %logistic3A_28, %logistic3A_26 : vector<200x256xf32>
    %logistic3A_30 = arith.divf %logistic3A_28, %logistic3A_29 : vector<200x256xf32>
    %mul3A_31 = arith.mulf %slice3A_25, %logistic3A_30 : vector<200x256xf32>
    %get3A_32 = arith.constant 0 : index
    %get3A_33 = arith.constant 0 : index
    %get3A_34 = arith.constant 0 : index
    %get3A_35 = vector.load %arg2[%get3A_32, %get3A_33, %get3A_34] : memref<2x200x128xf32, #tpu.memory_space<vmem>>, vector<2x200x128xf32>
    %get3A_36 = arith.constant 192 : index
    %get3A_37 = arith.constant 0 : index
    %get3A_38 = vector.load %arg6[%get3A_36, %get3A_37] : memref<200x1xf32, #tpu.memory_space<vmem>>, vector<8x1xf32>
    %slice3A_39 = vector.extract_strided_slice %get3A_35 {offsets = [0, 192, 0], sizes = [1, 8, 128], strides = [1, 1, 1]} : vector<2x200x128xf32> to vector<1x8x128xf32>
    %squeeze3A_40 = vector.shape_cast %slice3A_39 : vector<1x8x128xf32> to vector<8x128xf32>
    %slice3A_41 = vector.extract_strided_slice %get3A_35 {offsets = [1, 192, 0], sizes = [1, 8, 128], strides = [1, 1, 1]} : vector<2x200x128xf32> to vector<1x8x128xf32>
    %squeeze3A_42 = vector.shape_cast %slice3A_41 : vector<1x8x128xf32> to vector<8x128xf32>
    %add3A_43 = arith.addf %squeeze3A_40, %squeeze3A_42 : vector<8x128xf32>
    %get3A_44 = arith.constant 192 : index
    %get3A_45 = arith.constant 0 : index
    %get3A_46 = vector.load %arg4[%get3A_44, %get3A_45] : memref<200x128xf32, #tpu.memory_space<vmem>>, vector<8x128xf32>
    %add3A_47 = arith.addf %add3A_43, %get3A_46 : vector<8x128xf32>
    %mul3A_48 = vector.broadcast %get3A_38 : vector<8x1xf32> to vector<8x128xf32>
    %mul3A_49 = arith.mulf %mul3A_48, %add3A_47 : vector<8x128xf32>
    %get3A_50 = arith.constant 0 : index
    %get3A_51 = arith.constant 0 : index
    %get3A_52 = vector.load %arg7[%get3A_50, %get3A_51] : memref<1x128xf32, #tpu.memory_space<vmem>>, vector<1x128xf32>
    %add3A_53 = vector.broadcast %get3A_52 : vector<1x128xf32> to vector<8x128xf32>
    %add3A_54 = arith.addf %mul3A_49, %add3A_53 : vector<8x128xf32>
    %max3A_55 = arith.constant 0.000000e+00 : f32
    %max3A_56 = vector.broadcast %max3A_55 : f32 to vector<8x128xf32>
    %max3A_57 = arith.maximumf %add3A_54, %max3A_56 : vector<8x128xf32>
    %get3A_58 = arith.constant 0 : index
    %get3A_59 = arith.constant 0 : index
    %get3A_60 = vector.load %arg8[%get3A_58, %get3A_59] : memref<128x512xf32, #tpu.memory_space<vmem>>, vector<128x256xf32>
    %dot_general3A_61 = arith.constant dense<0.000000e+00> : vector<8x256xf32>
    %dot_general3A_62 = tpu.matmul %max3A_57, %get3A_60, %dot_general3A_61 {dimension_numbers = #tpu.dot_dimension_numbers<[1], [0], [0], [1], [0, 0, 1, 1], [], []>, transpose_lhs_hint = false} : vector<8x128xf32>, vector<128x256xf32>, vector<8x256xf32> -> vector<8x256xf32>
    %slice3A_63 = vector.extract_strided_slice %dot_general3A_62 {offsets = [5, 0], sizes = [3, 256], strides = [1, 1]} : vector<8x256xf32> to vector<3x256xf32>
    %eq3A = arith.constant 0 : i32
    %eq3A_64 = arith.cmpi eq, %arg0, %eq3A : i32
    %jit3A = arith.constant 0.000000e+00 : f32
    %broadcast_in_dim3A = vector.broadcast %jit3A : f32 to vector<3x256xf32>
    %select_n3A = arith.select %eq3A_64, %broadcast_in_dim3A, %slice3A_63 : vector<3x256xf32>
    %concatenate3A = tpu.concatenate %select_n3A, %slice3A_24 in 0 : vector<3x256xf32>, vector<200x256xf32> -> vector<203x256xf32>
    %get3A_65 = arith.constant 0 : index
    %get3A_66 = arith.constant 0 : index
    %get3A_67 = vector.load %arg9[%get3A_65, %get3A_66] : memref<4x256xf32, #tpu.memory_space<vmem>>, vector<4x256xf32>
    %slice3A_68 = vector.extract_strided_slice %concatenate3A {offsets = [3, 0], sizes = [200, 256], strides = [1, 1]} : vector<203x256xf32> to vector<200x256xf32>
    %slice3A_69 = vector.extract_strided_slice %get3A_67 {offsets = [3, 0], sizes = [1, 256], strides = [1, 1]} : vector<4x256xf32> to vector<1x256xf32>
    %mul3A_70 = vector.broadcast %slice3A_69 : vector<1x256xf32> to vector<200x256xf32>
    %mul3A_71 = arith.mulf %slice3A_68, %mul3A_70 : vector<200x256xf32>
    %slice3A_72 = vector.extract_strided_slice %concatenate3A {offsets = [0, 0], sizes = [200, 256], strides = [1, 1]} : vector<203x256xf32> to vector<200x256xf32>
    %slice3A_73 = vector.extract_strided_slice %get3A_67 {offsets = [0, 0], sizes = [1, 256], strides = [1, 1]} : vector<4x256xf32> to vector<1x256xf32>
    %mul3A_74 = vector.broadcast %slice3A_73 : vector<1x256xf32> to vector<200x256xf32>
    %mul3A_75 = arith.mulf %slice3A_72, %mul3A_74 : vector<200x256xf32>
    %add3A_76 = arith.addf %mul3A_71, %mul3A_75 : vector<200x256xf32>
    %slice3A_77 = vector.extract_strided_slice %concatenate3A {offsets = [1, 0], sizes = [200, 256], strides = [1, 1]} : vector<203x256xf32> to vector<200x256xf32>
    %slice3A_78 = vector.extract_strided_slice %get3A_67 {offsets = [1, 0], sizes = [1, 256], strides = [1, 1]} : vector<4x256xf32> to vector<1x256xf32>
    %mul3A_79 = vector.broadcast %slice3A_78 : vector<1x256xf32> to vector<200x256xf32>
    %mul3A_80 = arith.mulf %slice3A_77, %mul3A_79 : vector<200x256xf32>
    %add3A_81 = arith.addf %add3A_76, %mul3A_80 : vector<200x256xf32>
    %slice3A_82 = vector.extract_strided_slice %concatenate3A {offsets = [2, 0], sizes = [200, 256], strides = [1, 1]} : vector<203x256xf32> to vector<200x256xf32>
    %slice3A_83 = vector.extract_strided_slice %get3A_67 {offsets = [2, 0], sizes = [1, 256], strides = [1, 1]} : vector<4x256xf32> to vector<1x256xf32>
    %mul3A_84 = vector.broadcast %slice3A_83 : vector<1x256xf32> to vector<200x256xf32>
    %mul3A_85 = arith.mulf %slice3A_82, %mul3A_84 : vector<200x256xf32>
    %add3A_86 = arith.addf %add3A_81, %mul3A_85 : vector<200x256xf32>
    %get3A_87 = arith.constant 0 : index
    %get3A_88 = arith.constant 0 : index
    %get3A_89 = vector.load %arg10[%get3A_87, %get3A_88] : memref<1x256xf32, #tpu.memory_space<vmem>>, vector<1x256xf32>
    %add3A_90 = vector.broadcast %get3A_89 : vector<1x256xf32> to vector<200x256xf32>
    %add3A_91 = arith.addf %add3A_86, %add3A_90 : vector<200x256xf32>
    %logistic3A_92 = arith.negf %add3A_91 : vector<200x256xf32>
    %logistic3A_93 = math.exp %logistic3A_92 : vector<200x256xf32>
    %logistic3A_94 = arith.constant 1.000000e+00 : f32
    %logistic3A_95 = vector.broadcast %logistic3A_94 : f32 to vector<200x256xf32>
    %logistic3A_96 = arith.addf %logistic3A_95, %logistic3A_93 : vector<200x256xf32>
    %logistic3A_97 = arith.divf %logistic3A_95, %logistic3A_96 : vector<200x256xf32>
    %mul3A_98 = arith.mulf %add3A_91, %logistic3A_97 : vector<200x256xf32>
    %get3A_99 = arith.constant 0 : index
    %get3A_100 = arith.constant 0 : index
    %get3A_101 = vector.load %arg11[%get3A_99, %get3A_100] : memref<256x40xf32, #tpu.memory_space<vmem>>, vector<256x40xf32>
    %dot_general3A_102 = arith.constant dense<0.000000e+00> : vector<200x40xf32>
    %dot_general3A_103 = tpu.matmul %mul3A_98, %get3A_101, %dot_general3A_102 {dimension_numbers = #tpu.dot_dimension_numbers<[1], [0], [0], [1], [0, 0, 1, 1], [], []>, transpose_lhs_hint = false} : vector<200x256xf32>, vector<256x40xf32>, vector<200x40xf32> -> vector<200x40xf32>
    %slice3A_104 = vector.extract_strided_slice %dot_general3A_103 {offsets = [0, 0], sizes = [200, 8], strides = [1, 1]} : vector<200x40xf32> to vector<200x8xf32>
    %get3A_105 = arith.constant 0 : index
    %get3A_106 = arith.constant 0 : index
    %get3A_107 = vector.load %arg12[%get3A_105, %get3A_106] : memref<8x256xf32, #tpu.memory_space<vmem>>, vector<8x256xf32>
    %dot_general3A_108 = arith.constant dense<0.000000e+00> : vector<200x256xf32>
    %dot_general3A_109 = tpu.matmul %slice3A_104, %get3A_107, %dot_general3A_108 {dimension_numbers = #tpu.dot_dimension_numbers<[1], [0], [0], [1], [0, 0, 1, 1], [], []>, transpose_lhs_hint = false} : vector<200x8xf32>, vector<8x256xf32>, vector<200x256xf32> -> vector<200x256xf32>
    %get3A_110 = arith.constant 0 : index
    %get3A_111 = arith.constant 0 : index
    %get3A_112 = vector.load %arg13[%get3A_110, %get3A_111] : memref<1x256xf32, #tpu.memory_space<vmem>>, vector<1x256xf32>
    %add3A_113 = vector.broadcast %get3A_112 : vector<1x256xf32> to vector<200x256xf32>
    %add3A_114 = arith.addf %dot_general3A_109, %add3A_113 : vector<200x256xf32>
    %custom_jvp_call3A = arith.constant 0.000000e+00 : f32
    %max3A_115 = vector.broadcast %custom_jvp_call3A : f32 to vector<200x256xf32>
    %max3A_116 = arith.maximumf %add3A_114, %max3A_115 : vector<200x256xf32>
    %sub3A = vector.broadcast %custom_jvp_call3A : f32 to vector<200x256xf32>
    %sub3A_117 = arith.subf %add3A_114, %sub3A : vector<200x256xf32>
    %ne3A = arith.cmpf one, %sub3A_117, %sub3A_117 : vector<200x256xf32>
    %add3A_118 = vector.broadcast %custom_jvp_call3A : f32 to vector<200x256xf32>
    %add3A_119 = arith.addf %add3A_114, %add3A_118 : vector<200x256xf32>
    %abs3A = math.absf %sub3A_117 : vector<200x256xf32>
    %neg3A = arith.constant 0.000000e+00 : f32
    %neg3A_120 = vector.broadcast %neg3A : f32 to vector<200x256xf32>
    %neg3A_121 = arith.subf %neg3A_120, %abs3A : vector<200x256xf32>
    %exp3A = math.exp %neg3A_121 : vector<200x256xf32>
    %log1p3A = math.log1p %exp3A : vector<200x256xf32>
    %add3A_122 = arith.addf %max3A_116, %log1p3A : vector<200x256xf32>
    %select_n3A_123 = arith.select %ne3A, %add3A_119, %add3A_122 : vector<200x256xi1>, vector<200x256xf32>
    %slice3A_124 = vector.extract_strided_slice %dot_general3A_103 {offsets = [0, 8], sizes = [200, 16], strides = [1, 1]} : vector<200x40xf32> to vector<200x16xf32>
    %slice3A_125 = vector.extract_strided_slice %dot_general3A_103 {offsets = [0, 24], sizes = [200, 16], strides = [1, 1]} : vector<200x40xf32> to vector<200x16xf32>
    %get3A_126 = arith.constant 0 : index
    %get3A_127 = arith.constant 0 : index
    %get3A_128 = vector.load %arg14[%get3A_126, %get3A_127] : memref<16x256xf32, #tpu.memory_space<vmem>>, vector<16x256xf32>
    %exp3A_129 = math.exp %get3A_128 : vector<16x256xf32>
    %neg3A_130 = arith.constant 0.000000e+00 : f32
    %neg3A_131 = vector.broadcast %neg3A_130 : f32 to vector<16x256xf32>
    %neg3A_132 = arith.subf %neg3A_131, %exp3A_129 : vector<16x256xf32>
    %broadcast_in_dim3A_133 = vector.shape_cast %select_n3A_123 : vector<200x256xf32> to vector<200x1x256xf32>
    %broadcast_in_dim3A_134 = vector.shape_cast %neg3A_132 : vector<16x256xf32> to vector<1x16x256xf32>
    %mul3A_135 = vector.broadcast %broadcast_in_dim3A_133 : vector<200x1x256xf32> to vector<200x16x256xf32>
    %mul3A_136 = vector.broadcast %broadcast_in_dim3A_134 : vector<1x16x256xf32> to vector<200x16x256xf32>
    %mul3A_137 = arith.mulf %mul3A_135, %mul3A_136 : vector<200x16x256xf32>
    %exp3A_138 = math.exp %mul3A_137 : vector<200x16x256xf32>
    %broadcast_in_dim3A_139 = vector.shape_cast %slice3A_124 : vector<200x16xf32> to vector<200x16x1xf32>
    %mul3A_140 = arith.mulf %select_n3A_123, %mul3A_98 : vector<200x256xf32>
    %broadcast_in_dim3A_141 = vector.shape_cast %mul3A_140 : vector<200x256xf32> to vector<200x1x256xf32>
    %mul3A_142 = vector.broadcast %broadcast_in_dim3A_139 : vector<200x16x1xf32> to vector<200x16x256xf32>
    %mul3A_143 = vector.broadcast %broadcast_in_dim3A_141 : vector<200x1x256xf32> to vector<200x16x256xf32>
    %mul3A_144 = arith.mulf %mul3A_142, %mul3A_143 : vector<200x16x256xf32>
    %reshape3A = vector.shape_cast %exp3A_138 : vector<200x16x256xf32> to vector<100x2x16x256xf32>
    %reshape3A_145 = vector.shape_cast %mul3A_144 : vector<200x16x256xf32> to vector<100x2x16x256xf32>
    %slice3A_146 = vector.extract_strided_slice %reshape3A {offsets = [0, 0, 0, 0], sizes = [100, 1, 16, 256], strides = [1, 1, 1, 1]} : vector<100x2x16x256xf32> to vector<100x1x16x256xf32>
    %squeeze3A_147 = vector.shape_cast %slice3A_146 : vector<100x1x16x256xf32> to vector<100x16x256xf32>
    %slice3A_148 = vector.extract_strided_slice %reshape3A {offsets = [0, 1, 0, 0], sizes = [100, 1, 16, 256], strides = [1, 1, 1, 1]} : vector<100x2x16x256xf32> to vector<100x1x16x256xf32>
    %squeeze3A_149 = vector.shape_cast %slice3A_148 : vector<100x1x16x256xf32> to vector<100x16x256xf32>
    %slice3A_150 = vector.extract_strided_slice %reshape3A_145 {offsets = [0, 0, 0, 0], sizes = [100, 1, 16, 256], strides = [1, 1, 1, 1]} : vector<100x2x16x256xf32> to vector<100x1x16x256xf32>
    %squeeze3A_151 = vector.shape_cast %slice3A_150 : vector<100x1x16x256xf32> to vector<100x16x256xf32>
    %slice3A_152 = vector.extract_strided_slice %reshape3A_145 {offsets = [0, 1, 0, 0], sizes = [100, 1, 16, 256], strides = [1, 1, 1, 1]} : vector<100x2x16x256xf32> to vector<100x1x16x256xf32>
    %squeeze3A_153 = vector.shape_cast %slice3A_152 : vector<100x1x16x256xf32> to vector<100x16x256xf32>
    %mul3A_154 = arith.mulf %squeeze3A_149, %squeeze3A_147 : vector<100x16x256xf32>
    %swap3A = arith.constant 0 : index
    %swap3A_155 = arith.constant 0 : index
    %swap3A_156 = arith.constant 0 : index
    %swap3A_157 = vector.load %arg20[%swap3A, %swap3A_155, %swap3A_156] : memref<100x16x256xf32, #tpu.memory_space<vmem>>, vector<100x16x256xf32>
    tpu.vector_store %arg20[%swap3A, %swap3A_155, %swap3A_156], %mul3A_154 {strides = array<i32>} : memref<100x16x256xf32, #tpu.memory_space<vmem>>, vector<100x16x256xf32>,
    %mul3A_158 = arith.mulf %squeeze3A_149, %squeeze3A_151 : vector<100x16x256xf32>
    %add3A_159 = arith.addf %mul3A_158, %squeeze3A_153 : vector<100x16x256xf32>
    %swap3A_160 = arith.constant 0 : index
    %swap3A_161 = arith.constant 0 : index
    %swap3A_162 = arith.constant 0 : index
    %swap3A_163 = vector.load %arg21[%swap3A_160, %swap3A_161, %swap3A_162] : memref<100x16x256xf32, #tpu.memory_space<vmem>>, vector<100x16x256xf32>
    tpu.vector_store %arg21[%swap3A_160, %swap3A_161, %swap3A_162], %add3A_159 {strides = array<i32>} : memref<100x16x256xf32, #tpu.memory_space<vmem>>, vector<100x16x256xf32>,
    %eq3A_164 = arith.constant 0 : i32
    %eq3A_165 = arith.cmpi eq, %arg0, %eq3A_164 : i32
    %convert_element_type3A = arith.extui %eq3A_165 : i1 to i32
    %cond3A = arith.constant 0 : i32
    %cond3A_166 = arith.cmpi ne, %convert_element_type3A, %cond3A : i32
    scf.if %cond3A_166 {
      %broadcast_in_dim3A_267 = arith.constant 0.000000e+00 : f32
      %broadcast_in_dim3A_268 = vector.broadcast %broadcast_in_dim3A_267 : f32 to vector<16x256xf32>
      %swap3A_269 = arith.constant 0 : index
      %swap3A_270 = arith.constant 0 : index
      %swap3A_271 = vector.load %arg23[%swap3A_269, %swap3A_270] : memref<16x256xf32, #tpu.memory_space<vmem>>, vector<16x256xf32>
      tpu.vector_store %arg23[%swap3A_269, %swap3A_270], %broadcast_in_dim3A_268 {strides = array<i32>} : memref<16x256xf32, #tpu.memory_space<vmem>>, vector<16x256xf32>,
      %broadcast_in_dim3A_272 = arith.constant 0.000000e+00 : f32
      %broadcast_in_dim3A_273 = vector.broadcast %broadcast_in_dim3A_272 : f32 to vector<1x128xf32>
      %swap3A_274 = arith.constant 0 : index
      %swap3A_275 = arith.constant 0 : index
      %swap3A_276 = vector.load %arg24[%swap3A_274, %swap3A_275] : memref<1x128xf32, #tpu.memory_space<vmem>>, vector<1x128xf32>
      tpu.vector_store %arg24[%swap3A_274, %swap3A_275], %broadcast_in_dim3A_273 {strides = array<i32>} : memref<1x128xf32, #tpu.memory_space<vmem>>, vector<1x128xf32>,
    } else {
    }
    %get3A_167 = arith.constant 0 : index
    %get3A_168 = arith.constant 0 : index
    %get3A_169 = vector.load %arg23[%get3A_167, %get3A_168] : memref<16x256xf32, #tpu.memory_space<vmem>>, vector<16x256xf32>
    %scan3A = arith.constant 0 : i32
    %scan3A_170 = arith.constant 100 : i32
    %scan3A_171 = arith.addi %scan3A, %scan3A_170 : i32
    %scan3A_172 = arith.constant 1 : i32
    %scan3A_173 = scf.for %scan3A_267 = %scan3A to %scan3A_171 step %scan3A_172 iter_args(%scan3A_268 = %get3A_169) -> (vector<16x256xf32>)  : i32 {
      %get3A_269 = arith.index_cast %scan3A_267 : i32 to index
      %get3A_270 = arith.constant 0 : index
      %get3A_271 = arith.constant 0 : index
      %get3A_272 = vector.load %arg20[%get3A_269, %get3A_270, %get3A_271] : memref<100x16x256xf32, #tpu.memory_space<vmem>>, vector<1x16x256xf32>
      %get3A_273 = vector.shape_cast %get3A_272 : vector<1x16x256xf32> to vector<16x256xf32>
      %mul3A_274 = arith.mulf %get3A_273, %scan3A_268 : vector<16x256xf32>
      %get3A_275 = arith.index_cast %scan3A_267 : i32 to index
      %get3A_276 = arith.constant 0 : index
      %get3A_277 = arith.constant 0 : index
      %get3A_278 = vector.load %arg21[%get3A_275, %get3A_276, %get3A_277] : memref<100x16x256xf32, #tpu.memory_space<vmem>>, vector<1x16x256xf32>
      %get3A_279 = vector.shape_cast %get3A_278 : vector<1x16x256xf32> to vector<16x256xf32>
      %add3A_280 = arith.addf %mul3A_274, %get3A_279 : vector<16x256xf32>
      %swap3A_281 = arith.index_cast %scan3A_267 : i32 to index
      %swap3A_282 = arith.constant 0 : index
      %swap3A_283 = arith.constant 0 : index
      %swap3A_284 = vector.load %arg22[%swap3A_281, %swap3A_282, %swap3A_283] : memref<100x16x256xf32, #tpu.memory_space<vmem>>, vector<1x16x256xf32>
      %swap3A_285 = vector.shape_cast %swap3A_284 : vector<1x16x256xf32> to vector<16x256xf32>
      %swap3A_286 = vector.shape_cast %add3A_280 : vector<16x256xf32> to vector<1x16x256xf32>
      tpu.vector_store %arg22[%swap3A_281, %swap3A_282, %swap3A_283], %swap3A_286 {strides = array<i32>} : memref<100x16x256xf32, #tpu.memory_space<vmem>>, vector<1x16x256xf32>,
      scf.yield %add3A_280 : vector<16x256xf32>
    }
    %scan3A_174 = arith.constant 100 : i32
    %swap3A_175 = arith.constant 0 : index
    %swap3A_176 = arith.constant 0 : index
    %swap3A_177 = vector.load %arg23[%swap3A_175, %swap3A_176] : memref<16x256xf32, #tpu.memory_space<vmem>>, vector<16x256xf32>
    tpu.vector_store %arg23[%swap3A_175, %swap3A_176], %scan3A_173 {strides = array<i32>} : memref<16x256xf32, #tpu.memory_space<vmem>>, vector<16x256xf32>,
    %get3A_178 = arith.constant 0 : index
    %get3A_179 = arith.constant 0 : index
    %get3A_180 = arith.constant 0 : index
    %get3A_181 = vector.load %arg22[%get3A_178, %get3A_179, %get3A_180] : memref<100x16x256xf32, #tpu.memory_space<vmem>>, vector<100x16x256xf32>
    %broadcast_in_dim3A_182 = vector.shape_cast %get3A_169 : vector<16x256xf32> to vector<1x16x256xf32>
    %slice3A_183 = vector.extract_strided_slice %get3A_181 {offsets = [0, 0, 0], sizes = [99, 16, 256], strides = [1, 1, 1]} : vector<100x16x256xf32> to vector<99x16x256xf32>
    %concatenate3A_184 = tpu.concatenate %broadcast_in_dim3A_182, %slice3A_183 in 0 : vector<1x16x256xf32>, vector<99x16x256xf32> -> vector<100x16x256xf32>
    %mul3A_185 = arith.mulf %squeeze3A_147, %concatenate3A_184 : vector<100x16x256xf32>
    %add3A_186 = arith.addf %mul3A_185, %squeeze3A_151 : vector<100x16x256xf32>
    %reshape3A_187 = vector.shape_cast %slice3A_125 : vector<200x16xf32> to vector<100x2x16xf32>
    %slice3A_188 = vector.extract_strided_slice %reshape3A_187 {offsets = [0, 0, 0], sizes = [100, 1, 16], strides = [1, 1, 1]} : vector<100x2x16xf32> to vector<100x1x16xf32>
    %squeeze3A_189 = vector.shape_cast %slice3A_188 : vector<100x1x16xf32> to vector<100x16xf32>
    %broadcast_in_dim3A_190 = vector.shape_cast %squeeze3A_189 : vector<100x16xf32> to vector<100x16x1xf32>
    %mul3A_191 = vector.broadcast %broadcast_in_dim3A_190 : vector<100x16x1xf32> to vector<100x16x256xf32>
    %mul3A_192 = arith.mulf %add3A_186, %mul3A_191 : vector<100x16x256xf32>
    %reduce_sum3A = arith.constant dense<0.000000e+00> : vector<100x256xf32>
    %reduce_sum3A_193 = vector.multi_reduction <add>, %mul3A_192, %reduce_sum3A [1] : vector<100x16x256xf32> to vector<100x256xf32>
    %slice3A_194 = vector.extract_strided_slice %reshape3A_187 {offsets = [0, 1, 0], sizes = [100, 1, 16], strides = [1, 1, 1]} : vector<100x2x16xf32> to vector<100x1x16xf32>
    %squeeze3A_195 = vector.shape_cast %slice3A_194 : vector<100x1x16xf32> to vector<100x16xf32>
    %broadcast_in_dim3A_196 = vector.shape_cast %squeeze3A_195 : vector<100x16xf32> to vector<100x16x1xf32>
    %mul3A_197 = vector.broadcast %broadcast_in_dim3A_196 : vector<100x16x1xf32> to vector<100x16x256xf32>
    %mul3A_198 = arith.mulf %get3A_181, %mul3A_197 : vector<100x16x256xf32>
    %reduce_sum3A_199 = arith.constant dense<0.000000e+00> : vector<100x256xf32>
    %reduce_sum3A_200 = vector.multi_reduction <add>, %mul3A_198, %reduce_sum3A_199 [1] : vector<100x16x256xf32> to vector<100x256xf32>
    %broadcast_in_dim3A_201 = vector.shape_cast %reduce_sum3A_193 : vector<100x256xf32> to vector<100x1x256xf32>
    %broadcast_in_dim3A_202 = vector.shape_cast %reduce_sum3A_200 : vector<100x256xf32> to vector<100x1x256xf32>
    %concatenate3A_203 = tpu.concatenate %broadcast_in_dim3A_201, %broadcast_in_dim3A_202 in 1 : vector<100x1x256xf32>, vector<100x1x256xf32> -> vector<100x2x256xf32>
    %reshape3A_204 = vector.shape_cast %concatenate3A_203 : vector<100x2x256xf32> to vector<200x256xf32>
    %get3A_205 = arith.constant 0 : index
    %get3A_206 = arith.constant 0 : index
    %get3A_207 = vector.load %arg15[%get3A_205, %get3A_206] : memref<1x256xf32, #tpu.memory_space<vmem>>, vector<1x256xf32>
    %mul3A_208 = vector.broadcast %get3A_207 : vector<1x256xf32> to vector<200x256xf32>
    %mul3A_209 = arith.mulf %mul3A_98, %mul3A_208 : vector<200x256xf32>
    %add3A_210 = arith.addf %reshape3A_204, %mul3A_209 : vector<200x256xf32>
    %mul3A_211 = arith.mulf %add3A_210, %mul3A_31 : vector<200x256xf32>
    %get3A_212 = arith.constant 0 : index
    %get3A_213 = arith.constant 0 : index
    %get3A_214 = vector.load %arg16[%get3A_212, %get3A_213] : memref<256x128xf32, #tpu.memory_space<vmem>>, vector<256x128xf32>
    %dot_general3A_215 = arith.constant dense<0.000000e+00> : vector<200x128xf32>
    %dot_general3A_216 = tpu.matmul %mul3A_211, %get3A_214, %dot_general3A_215 {dimension_numbers = #tpu.dot_dimension_numbers<[1], [0], [0], [1], [0, 0, 1, 1], [], []>, transpose_lhs_hint = false} : vector<200x256xf32>, vector<256x128xf32>, vector<200x128xf32> -> vector<200x128xf32>
    %add3A_217 = arith.addf %max3A_19, %dot_general3A_216 : vector<200x128xf32>
    %reduce_sum3A_218 = arith.constant dense<0.000000e+00> : vector<200xf32>
    %reduce_sum3A_219 = vector.multi_reduction <add>, %add3A_217, %reduce_sum3A_218 [1] : vector<200x128xf32> to vector<200xf32>
    %broadcast_in_dim3A_220 = vector.shape_cast %reduce_sum3A_219 : vector<200xf32> to vector<200x1xf32>
    %div3A = arith.constant 1.280000e+02 : f32
    %div3A_221 = vector.broadcast %div3A : f32 to vector<200x1xf32>
    %div3A_222 = arith.divf %broadcast_in_dim3A_220, %div3A_221 : vector<200x1xf32>
    %sub3A_223 = vector.broadcast %div3A_222 : vector<200x1xf32> to vector<200x128xf32>
    %sub3A_224 = arith.subf %add3A_217, %sub3A_223 : vector<200x128xf32>
    %integer_pow3A = arith.mulf %sub3A_224, %sub3A_224 : vector<200x128xf32>
    %reduce_sum3A_225 = arith.constant dense<0.000000e+00> : vector<200xf32>
    %reduce_sum3A_226 = vector.multi_reduction <add>, %integer_pow3A, %reduce_sum3A_225 [1] : vector<200x128xf32> to vector<200xf32>
    %broadcast_in_dim3A_227 = vector.shape_cast %reduce_sum3A_226 : vector<200xf32> to vector<200x1xf32>
    %div3A_228 = arith.constant 1.280000e+02 : f32
    %div3A_229 = vector.broadcast %div3A_228 : f32 to vector<200x1xf32>
    %div3A_230 = arith.divf %broadcast_in_dim3A_227, %div3A_229 : vector<200x1xf32>
    %sub3A_231 = vector.broadcast %div3A_222 : vector<200x1xf32> to vector<200x128xf32>
    %sub3A_232 = arith.subf %add3A_217, %sub3A_231 : vector<200x128xf32>
    %add3A_233 = arith.constant 9.99999974E-6 : f32
    %add3A_234 = vector.broadcast %add3A_233 : f32 to vector<200x1xf32>
    %add3A_235 = arith.addf %div3A_230, %add3A_234 : vector<200x1xf32>
    %rsqrt3A = math.rsqrt %add3A_235 : vector<200x1xf32>
    %mul3A_236 = vector.broadcast %rsqrt3A : vector<200x1xf32> to vector<200x128xf32>
    %mul3A_237 = arith.mulf %sub3A_232, %mul3A_236 : vector<200x128xf32>
    %get3A_238 = arith.constant 0 : index
    %get3A_239 = arith.constant 0 : index
    %get3A_240 = vector.load %arg17[%get3A_238, %get3A_239] : memref<1x128xf32, #tpu.memory_space<vmem>>, vector<1x128xf32>
    %mul3A_241 = vector.broadcast %get3A_240 : vector<1x128xf32> to vector<200x128xf32>
    %mul3A_242 = arith.mulf %mul3A_237, %mul3A_241 : vector<200x128xf32>
    %get3A_243 = arith.constant 0 : index
    %get3A_244 = arith.constant 0 : index
    %get3A_245 = vector.load %arg18[%get3A_243, %get3A_244] : memref<1x128xf32, #tpu.memory_space<vmem>>, vector<1x128xf32>
    %add3A_246 = vector.broadcast %get3A_245 : vector<1x128xf32> to vector<200x128xf32>
    %add3A_247 = arith.addf %mul3A_242, %add3A_246 : vector<200x128xf32>
    %get3A_248 = arith.constant 0 : index
    %get3A_249 = arith.constant 0 : index
    %get3A_250 = vector.load %arg24[%get3A_248, %get3A_249] : memref<1x128xf32, #tpu.memory_space<vmem>>, vector<1x128xf32>
    %reduce_sum3A_251 = arith.constant dense<0.000000e+00> : vector<128xf32>
    %reduce_sum3A_252 = vector.multi_reduction <add>, %add3A_247, %reduce_sum3A_251 [0] : vector<200x128xf32> to vector<128xf32>
    %broadcast_in_dim3A_253 = vector.shape_cast %reduce_sum3A_252 : vector<128xf32> to vector<1x128xf32>
    %add3A_254 = arith.addf %get3A_250, %broadcast_in_dim3A_253 : vector<1x128xf32>
    %swap3A_255 = arith.constant 0 : index
    %swap3A_256 = arith.constant 0 : index
    %swap3A_257 = vector.load %arg24[%swap3A_255, %swap3A_256] : memref<1x128xf32, #tpu.memory_space<vmem>>, vector<1x128xf32>
    tpu.vector_store %arg24[%swap3A_255, %swap3A_256], %add3A_254 {strides = array<i32>} : memref<1x128xf32, #tpu.memory_space<vmem>>, vector<1x128xf32>,
    %get3A_258 = arith.constant 0 : index
    %get3A_259 = arith.constant 0 : index
    %get3A_260 = vector.load %arg24[%get3A_258, %get3A_259] : memref<1x128xf32, #tpu.memory_space<vmem>>, vector<1x128xf32>
    %mul3A_261 = arith.constant 9.99999974E-5 : f32
    %mul3A_262 = vector.broadcast %mul3A_261 : f32 to vector<1x128xf32>
    %mul3A_263 = arith.mulf %get3A_260, %mul3A_262 : vector<1x128xf32>
    %swap3A_264 = arith.constant 0 : index
    %swap3A_265 = arith.constant 0 : index
    %swap3A_266 = vector.load %arg19[%swap3A_264, %swap3A_265] : memref<1x128xf32, #tpu.memory_space<vmem>>, vector<1x128xf32>
    tpu.vector_store %arg19[%swap3A_264, %swap3A_265], %mul3A_263 {strides = array<i32>} : memref<1x128xf32, #tpu.memory_space<vmem>>, vector<1x128xf32>,
    return
  }
  func.func @transform_0(%arg0: i32) -> (i32, i32, i32) {
    %c0_i32 = arith.constant 0 : i32
    %c0_i32_0 = arith.constant 0 : i32
    %c0_i32_1 = arith.constant 0 : i32
    return %c0_i32, %arg0, %c0_i32_0 : i32, i32, i32
  }
  func.func @transform_1(%arg0: i32) -> (i32, i32, i32) {
    %sub3A = arith.constant 1 : i32
    %sub3A_0 = arith.subi %arg0, %sub3A : i32
    %max3A = arith.constant 0 : i32
    %max3A_1 = arith.maxsi %sub3A_0, %max3A : i32
    %c0_i32 = arith.constant 0 : i32
    %c0_i32_2 = arith.constant 0 : i32
    %c0_i32_3 = arith.constant 0 : i32
    return %c0_i32, %max3A_1, %c0_i32_2 : i32, i32, i32
  }
  func.func @transform_2(%arg0: i32) -> (i32, i32) {
    %c0_i32 = arith.constant 0 : i32
    %c0_i32_0 = arith.constant 0 : i32
    return %arg0, %c0_i32 : i32, i32
  }
  func.func @transform_3(%arg0: i32) -> (i32, i32) {
    %sub3A = arith.constant 1 : i32
    %sub3A_0 = arith.subi %arg0, %sub3A : i32
    %max3A = arith.constant 0 : i32
    %max3A_1 = arith.maxsi %sub3A_0, %max3A : i32
    %c0_i32 = arith.constant 0 : i32
    %c0_i32_2 = arith.constant 0 : i32
    return %max3A_1, %c0_i32 : i32, i32
  }
  func.func @transform_4(%arg0: i32) -> (i32, i32) {
    %c0_i32 = arith.constant 0 : i32
    %c0_i32_0 = arith.constant 0 : i32
    return %arg0, %c0_i32 : i32, i32
  }
  func.func @transform_5(%arg0: i32) -> (i32, i32) {
    %sub3A = arith.constant 1 : i32
    %sub3A_0 = arith.subi %arg0, %sub3A : i32
    %max3A = arith.constant 0 : i32
    %max3A_1 = arith.maxsi %sub3A_0, %max3A : i32
    %c0_i32 = arith.constant 0 : i32
    %c0_i32_2 = arith.constant 0 : i32
    return %max3A_1, %c0_i32 : i32, i32
  }
  func.func @transform_6(%arg0: i32) -> (i32, i32) {
    %c0_i32 = arith.constant 0 : i32
    %c0_i32_0 = arith.constant 0 : i32
    %c0_i32_1 = arith.constant 0 : i32
    return %c0_i32, %c0_i32_0 : i32, i32
  }
  func.func @transform_7(%arg0: i32) -> (i32, i32) {
    %c0_i32 = arith.constant 0 : i32
    %c0_i32_0 = arith.constant 0 : i32
    %c0_i32_1 = arith.constant 0 : i32
    return %c0_i32, %c0_i32_0 : i32, i32
  }
  func.func @transform_8(%arg0: i32) -> (i32, i32) {
    %c0_i32 = arith.constant 0 : i32
    %c0_i32_0 = arith.constant 0 : i32
    %c0_i32_1 = arith.constant 0 : i32
    return %c0_i32, %c0_i32_0 : i32, i32
  }
  func.func @transform_9(%arg0: i32) -> (i32, i32) {
    %c0_i32 = arith.constant 0 : i32
    %c0_i32_0 = arith.constant 0 : i32
    %c0_i32_1 = arith.constant 0 : i32
    return %c0_i32, %c0_i32_0 : i32, i32
  }
  func.func @transform_10(%arg0: i32) -> (i32, i32) {
    %c0_i32 = arith.constant 0 : i32
    %c0_i32_0 = arith.constant 0 : i32
    %c0_i32_1 = arith.constant 0 : i32
    return %c0_i32, %c0_i32_0 : i32, i32
  }
  func.func @transform_11(%arg0: i32) -> (i32, i32) {
    %c0_i32 = arith.constant 0 : i32
    %c0_i32_0 = arith.constant 0 : i32
    %c0_i32_1 = arith.constant 0 : i32
    return %c0_i32, %c0_i32_0 : i32, i32
  }
  func.func @transform_12(%arg0: i32) -> (i32, i32) {
    %c0_i32 = arith.constant 0 : i32
    %c0_i32_0 = arith.constant 0 : i32
    %c0_i32_1 = arith.constant 0 : i32
    return %c0_i32, %c0_i32_0 : i32, i32
  }
  func.func @transform_13(%arg0: i32) -> (i32, i32) {
    %c0_i32 = arith.constant 0 : i32
    %c0_i32_0 = arith.constant 0 : i32
    %c0_i32_1 = arith.constant 0 : i32
    return %c0_i32, %c0_i32_0 : i32, i32
  }
  func.func @transform_14(%arg0: i32) -> (i32, i32) {
    %c0_i32 = arith.constant 0 : i32
    %c0_i32_0 = arith.constant 0 : i32
    %c0_i32_1 = arith.constant 0 : i32
    return %c0_i32, %c0_i32_0 : i32, i32
  }
  func.func @transform_15(%arg0: i32) -> (i32, i32) {
    %c0_i32 = arith.constant 0 : i32
    %c0_i32_0 = arith.constant 0 : i32
    %c0_i32_1 = arith.constant 0 : i32
    return %c0_i32, %c0_i32_0 : i32, i32
  }
  func.func @transform_16(%arg0: i32) -> (i32, i32) {
    %c0_i32 = arith.constant 0 : i32
    %c0_i32_0 = arith.constant 0 : i32
    %c0_i32_1 = arith.constant 0 : i32
    return %c0_i32, %c0_i32_0 : i32, i32
  }
  func.func @transform_17(%arg0: i32) -> (i32, i32) {
    %c0_i32 = arith.constant 0 : i32
    %c0_i32_0 = arith.constant 0 : i32
    %c0_i32_1 = arith.constant 0 : i32
    return %c0_i32, %c0_i32_0 : i32, i32
  }
  func.func @transform_18(%arg0: i32) -> (i32, i32) {
    %c0_i32 = arith.constant 0 : i32
    %c0_i32_0 = arith.constant 0 : i32
    %c0_i32_1 = arith.constant 0 : i32
    return %c0_i32, %c0_i32_0 : i32, i32
  }
}

module attributes {stable_mosaic.version = 14 : i64} {
  func.func @body(%arg0: memref<1x128xf32, #tpu.memory_space<vmem>>, %arg1: memref<128x1xf32, #tpu.memory_space<vmem>>, %arg2: memref<128x4xf32, #tpu.memory_space<vmem>>, %arg3: memref<128x3xf32, #tpu.memory_space<vmem>>, %arg4: memref<128x10000xf32, #tpu.memory_space<vmem>>, %arg5: memref<128x10000xf32, #tpu.memory_space<vmem>>, %arg6: memref<128x10000xf32, #tpu.memory_space<vmem>>, %arg7: memref<128x8xf32, #tpu.memory_space<vmem>>, %arg8: memref<1x1xf32, #tpu.memory_space<vmem>>, %arg9: memref<1x4xf32, #tpu.memory_space<vmem>>, %arg10: memref<1x3xf32, #tpu.memory_space<vmem>>, %arg11: memref<1x10000xf32, #tpu.memory_space<vmem>>, %arg12: memref<1x10000xf32, #tpu.memory_space<vmem>>, %arg13: memref<1x10000xf32, #tpu.memory_space<vmem>>, %arg14: memref<1x8xf32, #tpu.memory_space<vmem>>, %arg15: memref<1x1xf32, #tpu.memory_space<vmem>>, %arg16: memref<1x4xf32, #tpu.memory_space<vmem>>, %arg17: memref<1x3xf32, #tpu.memory_space<vmem>>, %arg18: memref<1x10000xf32, #tpu.memory_space<vmem>>, %arg19: memref<1x10000xf32, #tpu.memory_space<vmem>>, %arg20: memref<1x10000xf32, #tpu.memory_space<vmem>>, %arg21: memref<1x8xf32, #tpu.memory_space<vmem>>) attributes {dimension_semantics = [], scalar_prefetch = 0 : i64, scratch_operands = 0 : i64, tpu.core_type = #tpu.core_type<tc>} {
    %get3A = arith.constant 0 : index
    %get3A_0 = arith.constant 0 : index
    %get3A_1 = vector.load %arg0[%get3A, %get3A_0] : memref<1x128xf32, #tpu.memory_space<vmem>>, vector<1x128xf32>
    %get3A_2 = arith.constant 0 : index
    %get3A_3 = arith.constant 0 : index
    %get3A_4 = vector.load %arg1[%get3A_2, %get3A_3] : memref<128x1xf32, #tpu.memory_space<vmem>>, vector<128x1xf32>
    %dot_general3A = arith.constant dense<0.000000e+00> : vector<1x1xf32>
    %dot_general3A_5 = tpu.matmul %get3A_1, %get3A_4, %dot_general3A {dimension_numbers = #tpu.dot_dimension_numbers<[1], [0], [0], [1], [0, 0, 1, 1], [], []>, transpose_lhs_hint = false} : vector<1x128xf32>, vector<128x1xf32>, vector<1x1xf32> -> vector<1x1xf32>
    %get3A_6 = arith.constant 0 : index
    %get3A_7 = arith.constant 0 : index
    %get3A_8 = vector.load %arg8[%get3A_6, %get3A_7] : memref<1x1xf32, #tpu.memory_space<vmem>>, vector<1x1xf32>
    %add3A = arith.addf %dot_general3A_5, %get3A_8 : vector<1x1xf32>
    %swap3A = arith.constant 0 : index
    %swap3A_9 = arith.constant 0 : index
    %swap3A_10 = vector.load %arg15[%swap3A, %swap3A_9] : memref<1x1xf32, #tpu.memory_space<vmem>>, vector<1x1xf32>
    tpu.vector_store %arg15[%swap3A, %swap3A_9], %add3A {strides = array<i32>} : memref<1x1xf32, #tpu.memory_space<vmem>>, vector<1x1xf32>,
    %get3A_11 = arith.constant 0 : index
    %get3A_12 = arith.constant 0 : index
    %get3A_13 = vector.load %arg2[%get3A_11, %get3A_12] : memref<128x4xf32, #tpu.memory_space<vmem>>, vector<128x4xf32>
    %dot_general3A_14 = arith.constant dense<0.000000e+00> : vector<1x4xf32>
    %dot_general3A_15 = tpu.matmul %get3A_1, %get3A_13, %dot_general3A_14 {dimension_numbers = #tpu.dot_dimension_numbers<[1], [0], [0], [1], [0, 0, 1, 1], [], []>, transpose_lhs_hint = false} : vector<1x128xf32>, vector<128x4xf32>, vector<1x4xf32> -> vector<1x4xf32>
    %get3A_16 = arith.constant 0 : index
    %get3A_17 = arith.constant 0 : index
    %get3A_18 = vector.load %arg9[%get3A_16, %get3A_17] : memref<1x4xf32, #tpu.memory_space<vmem>>, vector<1x4xf32>
    %add3A_19 = arith.addf %dot_general3A_15, %get3A_18 : vector<1x4xf32>
    %swap3A_20 = arith.constant 0 : index
    %swap3A_21 = arith.constant 0 : index
    %swap3A_22 = vector.load %arg16[%swap3A_20, %swap3A_21] : memref<1x4xf32, #tpu.memory_space<vmem>>, vector<1x4xf32>
    tpu.vector_store %arg16[%swap3A_20, %swap3A_21], %add3A_19 {strides = array<i32>} : memref<1x4xf32, #tpu.memory_space<vmem>>, vector<1x4xf32>,
    %get3A_23 = arith.constant 0 : index
    %get3A_24 = arith.constant 0 : index
    %get3A_25 = vector.load %arg3[%get3A_23, %get3A_24] : memref<128x3xf32, #tpu.memory_space<vmem>>, vector<128x3xf32>
    %dot_general3A_26 = arith.constant dense<0.000000e+00> : vector<1x3xf32>
    %dot_general3A_27 = tpu.matmul %get3A_1, %get3A_25, %dot_general3A_26 {dimension_numbers = #tpu.dot_dimension_numbers<[1], [0], [0], [1], [0, 0, 1, 1], [], []>, transpose_lhs_hint = false} : vector<1x128xf32>, vector<128x3xf32>, vector<1x3xf32> -> vector<1x3xf32>
    %get3A_28 = arith.constant 0 : index
    %get3A_29 = arith.constant 0 : index
    %get3A_30 = vector.load %arg10[%get3A_28, %get3A_29] : memref<1x3xf32, #tpu.memory_space<vmem>>, vector<1x3xf32>
    %add3A_31 = arith.addf %dot_general3A_27, %get3A_30 : vector<1x3xf32>
    %swap3A_32 = arith.constant 0 : index
    %swap3A_33 = arith.constant 0 : index
    %swap3A_34 = vector.load %arg17[%swap3A_32, %swap3A_33] : memref<1x3xf32, #tpu.memory_space<vmem>>, vector<1x3xf32>
    tpu.vector_store %arg17[%swap3A_32, %swap3A_33], %add3A_31 {strides = array<i32>} : memref<1x3xf32, #tpu.memory_space<vmem>>, vector<1x3xf32>,
    %get3A_35 = arith.constant 0 : index
    %get3A_36 = arith.constant 0 : index
    %get3A_37 = vector.load %arg4[%get3A_35, %get3A_36] : memref<128x10000xf32, #tpu.memory_space<vmem>>, vector<128x10000xf32>
    %dot_general3A_38 = arith.constant dense<0.000000e+00> : vector<1x10000xf32>
    %dot_general3A_39 = tpu.matmul %get3A_1, %get3A_37, %dot_general3A_38 {dimension_numbers = #tpu.dot_dimension_numbers<[1], [0], [0], [1], [0, 0, 1, 1], [], []>, transpose_lhs_hint = false} : vector<1x128xf32>, vector<128x10000xf32>, vector<1x10000xf32> -> vector<1x10000xf32>
    %get3A_40 = arith.constant 0 : index
    %get3A_41 = arith.constant 0 : index
    %get3A_42 = vector.load %arg11[%get3A_40, %get3A_41] : memref<1x10000xf32, #tpu.memory_space<vmem>>, vector<1x10000xf32>
    %add3A_43 = arith.addf %dot_general3A_39, %get3A_42 : vector<1x10000xf32>
    %swap3A_44 = arith.constant 0 : index
    %swap3A_45 = arith.constant 0 : index
    %swap3A_46 = vector.load %arg18[%swap3A_44, %swap3A_45] : memref<1x10000xf32, #tpu.memory_space<vmem>>, vector<1x10000xf32>
    tpu.vector_store %arg18[%swap3A_44, %swap3A_45], %add3A_43 {strides = array<i32>} : memref<1x10000xf32, #tpu.memory_space<vmem>>, vector<1x10000xf32>,
    %get3A_47 = arith.constant 0 : index
    %get3A_48 = arith.constant 0 : index
    %get3A_49 = vector.load %arg5[%get3A_47, %get3A_48] : memref<128x10000xf32, #tpu.memory_space<vmem>>, vector<128x10000xf32>
    %dot_general3A_50 = arith.constant dense<0.000000e+00> : vector<1x10000xf32>
    %dot_general3A_51 = tpu.matmul %get3A_1, %get3A_49, %dot_general3A_50 {dimension_numbers = #tpu.dot_dimension_numbers<[1], [0], [0], [1], [0, 0, 1, 1], [], []>, transpose_lhs_hint = false} : vector<1x128xf32>, vector<128x10000xf32>, vector<1x10000xf32> -> vector<1x10000xf32>
    %get3A_52 = arith.constant 0 : index
    %get3A_53 = arith.constant 0 : index
    %get3A_54 = vector.load %arg12[%get3A_52, %get3A_53] : memref<1x10000xf32, #tpu.memory_space<vmem>>, vector<1x10000xf32>
    %add3A_55 = arith.addf %dot_general3A_51, %get3A_54 : vector<1x10000xf32>
    %swap3A_56 = arith.constant 0 : index
    %swap3A_57 = arith.constant 0 : index
    %swap3A_58 = vector.load %arg19[%swap3A_56, %swap3A_57] : memref<1x10000xf32, #tpu.memory_space<vmem>>, vector<1x10000xf32>
    tpu.vector_store %arg19[%swap3A_56, %swap3A_57], %add3A_55 {strides = array<i32>} : memref<1x10000xf32, #tpu.memory_space<vmem>>, vector<1x10000xf32>,
    %get3A_59 = arith.constant 0 : index
    %get3A_60 = arith.constant 0 : index
    %get3A_61 = vector.load %arg6[%get3A_59, %get3A_60] : memref<128x10000xf32, #tpu.memory_space<vmem>>, vector<128x10000xf32>
    %dot_general3A_62 = arith.constant dense<0.000000e+00> : vector<1x10000xf32>
    %dot_general3A_63 = tpu.matmul %get3A_1, %get3A_61, %dot_general3A_62 {dimension_numbers = #tpu.dot_dimension_numbers<[1], [0], [0], [1], [0, 0, 1, 1], [], []>, transpose_lhs_hint = false} : vector<1x128xf32>, vector<128x10000xf32>, vector<1x10000xf32> -> vector<1x10000xf32>
    %get3A_64 = arith.constant 0 : index
    %get3A_65 = arith.constant 0 : index
    %get3A_66 = vector.load %arg13[%get3A_64, %get3A_65] : memref<1x10000xf32, #tpu.memory_space<vmem>>, vector<1x10000xf32>
    %add3A_67 = arith.addf %dot_general3A_63, %get3A_66 : vector<1x10000xf32>
    %swap3A_68 = arith.constant 0 : index
    %swap3A_69 = arith.constant 0 : index
    %swap3A_70 = vector.load %arg20[%swap3A_68, %swap3A_69] : memref<1x10000xf32, #tpu.memory_space<vmem>>, vector<1x10000xf32>
    tpu.vector_store %arg20[%swap3A_68, %swap3A_69], %add3A_67 {strides = array<i32>} : memref<1x10000xf32, #tpu.memory_space<vmem>>, vector<1x10000xf32>,
    %get3A_71 = arith.constant 0 : index
    %get3A_72 = arith.constant 0 : index
    %get3A_73 = vector.load %arg7[%get3A_71, %get3A_72] : memref<128x8xf32, #tpu.memory_space<vmem>>, vector<128x8xf32>
    %dot_general3A_74 = arith.constant dense<0.000000e+00> : vector<1x8xf32>
    %dot_general3A_75 = tpu.matmul %get3A_1, %get3A_73, %dot_general3A_74 {dimension_numbers = #tpu.dot_dimension_numbers<[1], [0], [0], [1], [0, 0, 1, 1], [], []>, transpose_lhs_hint = false} : vector<1x128xf32>, vector<128x8xf32>, vector<1x8xf32> -> vector<1x8xf32>
    %get3A_76 = arith.constant 0 : index
    %get3A_77 = arith.constant 0 : index
    %get3A_78 = vector.load %arg14[%get3A_76, %get3A_77] : memref<1x8xf32, #tpu.memory_space<vmem>>, vector<1x8xf32>
    %add3A_79 = arith.addf %dot_general3A_75, %get3A_78 : vector<1x8xf32>
    %swap3A_80 = arith.constant 0 : index
    %swap3A_81 = arith.constant 0 : index
    %swap3A_82 = vector.load %arg21[%swap3A_80, %swap3A_81] : memref<1x8xf32, #tpu.memory_space<vmem>>, vector<1x8xf32>
    tpu.vector_store %arg21[%swap3A_80, %swap3A_81], %add3A_79 {strides = array<i32>} : memref<1x8xf32, #tpu.memory_space<vmem>>, vector<1x8xf32>,
    return
  }
}

</mosaic_0001>

<sc_bundles>
// kernel: kernel.12.cloned.1.call-start
scs
__scs_entry_jumppad:
0x0: {  	(pc) =	sbr.rel $0x88, $3  }
0x1: {  	(tag) =	ssettag $0x0;
	lr =	simm.s32 $0x1  }
0x2: {  	[smem:$0x3F80] =	sst lr;
	_ =	strace $0xD0000000  }
0x3: {  	_ = 	snop  }
0x4: {  	_ = 	snop  }
0x5: {  	_ = 	snop  }
0x6: {  	_ = 	snop  }
0x7: {  	_ = 	snop  }
__scs_overlays_trampoline_lowered:
0x8: {  	[smem:$0x3F8F] =	sst s0  }
0x9: {  	[smem:$0x3F90] =	sst s1  }
0xa: {  	[smem:$0x3F91] =	sst s2  }
0xb: {  	[smem:$0x3F92] =	sst s3  }
0xc: {  	[smem:$0x3F93] =	sst s4  }
0xd: {  	[smem:$0x3F94] =	sst s5  }
0xe: {  	[smem:$0x3F95] =	sst s6  }
0xf: {  	[smem:$0x3F96] =	sst s7  }
0x10: {  	[smem:$0x3F97] =	sst s8  }
0x11: {  	[smem:$0x3F98] =	sst s9;
	s0 =	simm.s32 @!p0 $0x0  }
0x12: {  	s1 =	sld [smem:$0x3F7E];
	s0 =	simm.s32 @p0 $0x1  }
0x13: {  	[smem:$0x3F99] =	sst s0;
	s0 =	simm.s32 @!p1 $0x0  }
0x14: {  	s2 =	sld [smem:$0x3F7D];
	s0 =	simm.s32 @p1 $0x1  }
0x15: {  	[smem:$0x3F9A] =	sst s0;
	s0 =	simm.s32 @!p2 $0x0  }
0x16: {  	s3 =	sld [smem:$0x3FDB];
	s0 =	simm.s32 @p2 $0x1  }
0x17: {  	s4 =	simm.s32 $0x1BF5;
	[smem:$0x3F9C] =	sst s0  }
0x18: {  	s0 =	sld [smem:$0x3F7F];
	_ =	swait.ge [sflag:s4], $0x0  }
0x19: {  	s7 =	sld [smem:$0x3F80]  }
0x1a: {  	s8 =	sadd.s32 $0xFFFFE003, lr  }
0x1b: {  	s9 =	sadd.s32 $0xFFFFFEF7, lr;
	s5 =	simm.s32 $0xFFFFFFFF;
	p2 =	slt.u32 s8, $0xFFFFF086  }
0x1c: {  	p1 =	slt.u32 s9, $0xF7A;
	s5 =	simm.s32 @!p2 $0x0  }
0x1d: {  	s5 =	simm.s32 @p1 $0x1;
	p0 =	seq.s32 s7, s2  }
0x1e: {  	s7 =	smul.u32 @!p0 $0xF7A, s2;
	p2 =	seq.s32 @!p0 s5, $0x0  }
0x1f: {  	s9 =	smul.u32 $0xF7A, s1;
	s8 =	simm.s32 @!p0 $0x1BF5;
	p2 =	por !p2, p0  }
0x20: {  	[sflag:s8] =	ssyncset.s32 @!p0 $0xFFFFF086;
	s6 =	sadd.s32 @!p0 s3, s7;
	s7 =	simm.s32 @!p0 $0x108  }
0x21: {  	s3 =	sadd.s32 s3, s9;
	s6 =	sadd.s32 @!p0 $0x88, s6;
	s7 =	simm.s32 @p2 $0x1082  }
0x22: {  	[simem:s7], [sflag:s8] =	dma.local @!p0 [hbm:s6], $0xF7A  }
0x23: {  	s9 =	sor.u32 $0xD0000000, s2;
	s6 =	simm.s32 $0x108;
	_ =	swait.ge @!p0 [sflag:s8], $0x0  }
0x24: {  	s3 =	sadd.s32 $0x88, s3;
	s6 =	simm.s32 @!p1 $0x1082;
	[sflag:s4] =	ssyncset.s32 $0xFFFFF086  }
0x25: {  	[simem:s6], [sflag:s4] =	dma.local [hbm:s3], $0xF7A  }
0x26: {  	[smem:$0x3F80] =	sst s1;
	(tag) =	ssettag s2;
	_ =	strace s9  }
0x27: {  	s1 =	sld [smem:$0x3F90]  }
0x28: {  	s2 =	sld [smem:$0x3F91]  }
0x29: {  	s4 =	sld [smem:$0x3F93]  }
0x2a: {  	p0 =	seq.s32 s5, $0x0;
	s5 =	sld [smem:$0x3F94]  }
0x2b: {  	s6 =	sld [smem:$0x3F95]  }
0x2c: {  	s7 =	sld [smem:$0x3F96]  }
0x2d: {  	s3 =	simm.s32 $0x108;
	s8 =	sld [smem:$0x3F97]  }
0x2e: {  	s3 =	simm.s32 @!p0 $0x1082;
	s9 =	sld [smem:$0x3F98]  }
0x2f: {  	lr =	sadd.s32 s0, s3;
	s0 =	sld [smem:$0x3F8F]  }
0x30: {  	s3 =	sld [smem:$0x3F92]  }
0x31: {  	[smem:$0x3F9B] =	sst s10  }
0x32: {  	s10 =	sld [smem:$0x3F99];
	_ =	sdelay $0x3  }
0x33: {  	p0 =	seq.s32 s10, $0x1;
	s10 =	sld [smem:$0x3F9B];
	_ =	sdelay $0x3  }
0x34: {  	[smem:$0x3F9B] =	sst s10  }
0x35: {  	s10 =	sld [smem:$0x3F9A];
	_ =	sdelay $0x3  }
0x36: {  	p1 =	seq.s32 s10, $0x1;
	s10 =	sld [smem:$0x3F9B];
	_ =	sdelay $0x3  }
0x37: {  	[smem:$0x3F9B] =	sst s10  }
0x38: {  	s10 =	sld [smem:$0x3F9C]  }
0x39: {  	_ = 	snop;
	(pc) =	sbr.ind lr, $3  }
0x3a: {  	_ = 	snop  }
0x3b: {  	_ = 	snop  }
0x3c: {  	p2 =	seq.s32 s10, $0x1;
	s10 =	sld [smem:$0x3F9B]  }
0x3d: {  	_ =	shalt  }
0x3e: {  	_ =	shalt  }
0x3f: {  	_ =	shalt  }
0x40: {  	_ =	shalt  }
0x41: {  	_ =	shalt  }
0x42: {  	_ =	shalt  }
0x43: {  	_ =	shalt  }
0x44: {  	_ =	shalt  }
0x45: {  	_ =	shalt  }
0x46: {  	_ =	shalt  }
0x47: {  	_ =	shalt  }
0x48: {  	_ =	shalt  }
0x49: {  	_ =	shalt  }
0x4a: {  	_ =	shalt  }
0x4b: {  	_ =	shalt  }
0x4c: {  	_ =	shalt  }
0x4d: {  	_ =	shalt  }
0x4e: {  	_ =	shalt  }
0x4f: {  	_ =	shalt  }
0x50: {  	_ =	shalt  }
0x51: {  	_ =	shalt  }
0x52: {  	_ =	shalt  }
0x53: {  	_ =	shalt  }
0x54: {  	_ =	shalt  }
0x55: {  	_ =	shalt  }
0x56: {  	_ =	shalt  }
0x57: {  	_ =	shalt  }
0x58: {  	_ =	shalt  }
0x59: {  	_ =	shalt  }
0x5a: {  	_ =	shalt  }
0x5b: {  	_ =	shalt  }
0x5c: {  	_ =	shalt  }
0x5d: {  	_ =	shalt  }
0x5e: {  	_ =	shalt  }
0x5f: {  	_ =	shalt  }
0x60: {  	_ =	shalt  }
0x61: {  	_ =	shalt  }
0x62: {  	_ =	shalt  }
0x63: {  	_ =	shalt  }
0x64: {  	_ =	shalt  }
0x65: {  	_ =	shalt  }
0x66: {  	_ =	shalt  }
0x67: {  	_ =	shalt  }
0x68: {  	_ =	shalt  }
0x69: {  	_ =	shalt  }
0x6a: {  	_ =	shalt  }
0x6b: {  	_ =	shalt  }
0x6c: {  	_ =	shalt  }
0x6d: {  	_ =	shalt  }
0x6e: {  	_ =	shalt  }
0x6f: {  	_ =	shalt  }
0x70: {  	_ =	shalt  }
0x71: {  	_ =	shalt  }
0x72: {  	_ =	shalt  }
0x73: {  	_ =	shalt  }
0x74: {  	_ =	shalt  }
0x75: {  	_ =	shalt  }
0x76: {  	_ =	shalt  }
0x77: {  	_ =	shalt  }
0x78: {  	_ =	shalt  }
0x79: {  	_ =	shalt  }
0x7a: {  	_ =	shalt  }
0x7b: {  	_ =	shalt  }
0x7c: {  	_ =	shalt  }
0x7d: {  	_ =	shalt  }
0x7e: {  	_ =	shalt  }
0x7f: {  	_ =	shalt  }
0x80: {  	_ =	shalt  }
0x81: {  	_ =	shalt  }
0x82: {  	_ =	shalt  }
0x83: {  	_ =	shalt  }
0x84: {  	_ =	shalt  }
0x85: {  	_ =	shalt  }
0x86: {  	_ =	shalt  }
0x87: {  	_ =	shalt  }
.Lfunc_end0:
.L_simem_size_0:
called_computation.1_lowered:
.L_overlay_start_0:
0x88: {  	s2 =	sld [smem:$0x3FD9]  }
0x89: {  	s3 =	sld [smem:$0x3FFE];
	_ =	sdelay $0x1  }
0x8a: {  	s1 =	srdreg.scid  }
0x8b: {  	s0 =	sand.u32 $0x1, s1  }
0x8c: {  	s16 =	sshll.u32 s0, $0xA;
	s2 =	sadd.s32 s3, s2  }
0x8d: {  	s2 =	sadd.s32 s2, s16  }
0x8e: {  	[smem:$0x3FA7] =	sst s2  }
0x8f: {  	_ = 	snop  }
0x90: {  	(tm) =	ssettm $0x1  }
0x91: {  	s17 =	sld [smem:$0x3FFB];
	_ =	sdelay $0x3  }
0x92: {  	_ =	strace s17  }
0x93: {  	s2 =	sld [smem:$0x3FFC];
	_ =	sdelay $0x3  }
0x94: {  	_ =	strace s2  }
0x95: {  	s2 =	sld [smem:$0x3FFD];
	_ =	sdelay $0x3  }
0x96: {  	_ =	strace s2  }
0x97: {  	_ =	strace $0x8FFFFFFF  }
0x98: {  	s18 =	sld [smem:$0x3FDB];
	_ =	sdelay $0x1  }
0x99: {  	s19 =	simm.s32 $_scs_section_size  }
0x9a: {  	s4 =	simm.s32 $_size__tile_overlayer_lowered;
	s5 =	simm.s32 $_tile_overlayer_lowered  }
0x9b: {  	s22 =	simm.s32 $0x1BFF;
	s21 =	sshll.u32 s5, $0x1;
	s2 =	sadd.s32 s19, s18  }
0x9c: {  	s6 =	simm.s32 $0x0;
	s20 =	sshll.u32 s4, $0x1;
	s4 =	sadd.s32 s21, s2  }
0x9d: {  	[timem:s6], [sflag:s22] =	dma.local [hbm:s4], s20  }
0x9e: {  	_ =	swait.ge [sflag:s22], s20  }
0x9f: {  	s3 =	ssub.s32 $0x0, s20;
	[sflag:s22] =	ssyncset.done $0x0  }
0xa0: {  	[sflag:s22] =	ssyncadd.s32 s3;
	_ =	sdelay $0x1  }
0xa1: {  	s23 =	simm.s32 $0x1B8B  }
0xa2: {  	_ =	swait.ge [sflag:s23], $0x1  }
0xa3: {  	[sflag:s23] =	ssyncset.done $0x0  }
0xa4: {  	s25 =	simm.s32 $0x1B8E;
	s24 =	sld [smem:$0x3FFE];
	[sflag:s23] =	ssyncadd.s32 $0xFFFFFFFF  }
0xa5: {  	s26 =	simm.s32 $execute0_lowered;
	[smem:$0x3FD2] =	sst s25  }
0xa6: {  	s4 =	sshll.u32 s26, $0x1;
	_ =	strace $0x80000049;
	[dreg:$0x1] =	wrdreg $0xFFFFFFFF  }
0xa7: {  	s28 =	simm.s32 $_size_execute0_lowered;
	s2 =	sadd.s32 s2, s4;
	[dreg:$0x0] =	wrdreg $0x0  }
0xa8: {  	s4 =	sshll.u32 s28, $0x1;
	[dreg:$0x2] =	wrdreg s2  }
0xa9: {  	[dreg:$0x3] =	wrdreg s4  }
0xaa: {  	[dreg:$0x4] =	wrdreg $0xC0  }
0xab: {  	_ =	task [dreg:s6], $0x5FFFF  }
0xac: {  	[dreg:$0x1] =	wrdreg $0xFFFFFFFF  }
0xad: {  	[dreg:$0x0] =	wrdreg $0x60  }
0xae: {  	[dreg:$0x2] =	wrdreg s24  }
0xaf: {  	[dreg:$0x3] =	wrdreg $0xA0000  }
0xb0: {  	[dreg:$0x4] =	wrdreg $0x9  }
0xb1: {  	_ =	task.clear_ibuf [dreg:s6], $0x5FFFF;
	_ =	strace $0x90000049  }
0xb2: {  	s29 =	simm.s32 $0x9;
	_ =	strace $0x8000004B  }
0xb3: {  	_ =	swait.ge [sflag:s29], $0x1  }
0xb4: {  	[sflag:s29] =	ssyncadd.s32 $0xFFFFFFFF  }
0xb5: {  	_ =	strace $0x9000004B  }
0xb6: {  	_ =	sfence  }
0xb7: {  	s30 =	sld [smem:$0x0];
	_ =	sdelay $0x2  }
0xb8: {  	s31 =	sshll.u32 s1, $0xD;
	s1 =	sshrl.u32 s1, $0x2  }
0xb9: {  	s3 =	sand.u32 $0x4000, s31;
	s1 =	sadd.s32 s1, s30  }
0xba: {  	s0 =	sor.u32 s3, s0;
	s1 =	sshll.u32 s1, $0x11  }
0xbb: {  	s0 =	sor.u32 s1, s0  }
0xbc: {  	s0 =	sadd.s32 $0x8F2B, s0  }
0xbd: {  	[sflag:s0] =	ssyncadd.remote.s32 $0x1  }
0xbe: {  	_ =	sfence.sel $0xFFFF  }
0xbf: {  	[dreg:$0x0] =	wrdreg $0xFFFFFFFF;
	(pc) =	sbr.abs _section_cstart, $3  }
0xc0: {  	[dreg:$0x1] =	wrdreg $0xFFFFFFFF  }
0xc1: {  	_ =	task.clear_ibuf [dreg:s6], $0x2FFFF;
	_ =	strace $0x9FFFFFFF  }
0xc2: {  	(tm) =	ssettm $0x7FFFFFFF  }
0xc3: {  	_ =	shalt  }
tec
execute0_lowered:
.L_overlay_start_1:
0x0: {  	(tag) =	ssettag $0x1  }
0x1: {  	s0 =	rddreg [dreg:$0x0]  }
0x2: {  	s1 =	rddreg [dreg:$0x1];
	s2 =	simm.s32 $0x0  }
0x3: {  	s3 =	srdreg.scid;
	s25 =	stileid.u32;
	s28 =	simm.s32 $0x64  }
0x4: {  	s29 =	simm.s32 $0x1;
	s3 =	sand.u32 $0x1, s3;
	s12 =	smul.u32 $0xF000, s25  }
0x5: {  	s5 =	sshll.u32 s25, $0x1;
	s13 =	sor.u32 $0x10, s25;
	s21 =	smul.u32 $0x3C00, s25  }
0x6: {  	s8 =	ssub.s32 $0x2, s3;
	s5 =	sor.u32 s3, s5;
	s3 =	smul.u32 $0x138800, s3  }
0x7: {  	s30 =	simm.s32 $0x6C00;
	s15 =	sor.u32 $0x20, s25;
	s14 =	smul.u32 $0xF000, s13  }
0x8: {  	s31 =	simm.s32 $0x2;
	s17 =	sor.u32 $0x30, s25;
	s16 =	smul.u32 $0xF000, s15  }
0x9: {  	[smem:$0x7FF] =	sst s2;
	s19 =	sor.u32 $0x40, s25;
	s18 =	smul.u32 $0xF000, s17  }
0xa: {  	s4 =	sadd.s32 $0x7200, s0;
	s6 =	sadd.s32 $0x70400, s0;
	s20 =	smul.u32 $0xF000, s19  }
0xb: {  	s7 =	sadd.s32 $0x62400, s0;
	s0 =	sadd.s32 $0x7E400, s0;
	s22 =	smul.u32 $0x3C00, s13  }
0xc: {  	_ =	strace $0x8000004A;
	s9 =	sshrl.u32 s8, $0x1;
	s10 =	smul.u32 $0x3800, s5  }
0xd: {  	s5 =	sadd.s32 $0x137400, s1;
	s12 =	sshrl.u32 s12, $0x2;
	s11 =	ssub.s32 s8, s9  }
0xe: {  	s12 =	sadd.s32 s12, s1;
	s16 =	sshrl.u32 s16, $0x2;
	s18 =	sshrl.u32 s18, $0x2  }
0xf: {  	s20 =	sshrl.u32 s20, $0x2;
	s23 =	sshrl.u32 s10, $0x3;
	s10 =	sshrl.u32 s3, $0x3  }
0x10: {  	s11 =	smax.u32 s11, $0x1;
	s24 =	sadd.s32 s6, s23;
	s26 =	sadd.s32 s7, s23  }
0x11: {  	s8 =	sadd.s32 $0x380, s23;
	s23 =	sshrl.u32 s14, $0x2;
	[dreg:$0x3] =	wrdreg s24  }
0x12: {  	s14 =	sadd.s32 s16, s1;
	s16 =	sadd.s32 s20, s1;
	[dreg:$0x4] =	wrdreg s26  }
0x13: {  	s6 =	sadd.s32 s6, s8;
	s7 =	sadd.s32 s7, s8;
	s24 =	smul.u32 $0x3C00, s15  }
0x14: {  	s13 =	sadd.s32 s23, s1;
	s26 =	smul.u32 $0x3C00, s17;
	s23 =	sor.u32 $0x50, s25  }
0x15: {  	s8 =	smul.u32 $0x3C00, s19;
	s15 =	sadd.s32 s18, s1;
	[dreg:$0x5] =	wrdreg s6  }
0x16: {  	[dreg:$0x6] =	wrdreg s7;
	s6 =	sadd.s32 s0, s10;
	s9 =	smul.u32 $0x3C00, s23  }
0x17: {  	s7 =	sadd.s32 s3, s21;
	s19 =	smul.u32 $0xF000, s23;
	p0 =	sgt.u32 s23, $0x52  }
0x18: {  	s10 =	sadd.s32 $0x26E80, s6;
	s6 =	sadd.s32 s3, s22;
	s21 =	sadd.s32 s3, s24  }
0x19: {  	s22 =	sadd.s32 s3, s26;
	s24 =	sadd.s32 s3, s8;
	s7 =	sshrl.u32 s7, $0x3  }
0x1a: {  	p1 =	sne.s32 @!p0 s25, $0x0;
	s25 =	simm.s32 $0x3;
	s3 =	sadd.s32 s3, s9  }
0x1b: {  	s17 =	sshrl.u32 s19, $0x2;
	s18 =	sadd.s32 s0, s7;
	s6 =	sshrl.u32 s6, $0x3  }
0x1c: {  	s21 =	sshrl.u32 s21, $0x3;
	s22 =	sshrl.u32 s22, $0x3;
	s26 =	sshrl.u32 s24, $0x3  }
0x1d: {  	s24 =	simm.s32 $0x3800;
	p1 =	por p1, p0;
	s17 =	sadd.s32 s17, s1  }
0x1e: {  	s19 =	sadd.s32 s0, s6;
	s20 =	sadd.s32 s0, s21;
	s21 =	sadd.s32 s0, s22  }
0x1f: {  	s22 =	sadd.s32 s0, s26;
	s3 =	sshrl.u32 s3, $0x3;
	s26 =	simm.s32 $0x1C00  }
0x20: {  	v0 =	vimm.f32 $0.0e+00;
	s23 =	sadd.s32 s0, s3;
	s0 =	simm.s32 $0x4;
	s3 =	simm.s32 $0x0  }
.LBB2_1:
0x21: {  	s6 =	simm.s32 $0x70;
	s7 =	simm.s32 $0x3C0  }
.LBB2_2:
0x22: {  	p2 =	sne.s32 s7, $0xC7C0;
	[tilespmem:s6+$0x3800] =	vst v0  }
0x23: {  	[tilespmem:s6+$0x3790] =	vst v0  }
0x24: {  	[tilespmem:s6+$0x37A0] =	vst v0  }
.Ltmp0:
0x25: {  	[tilespmem:s6+$0x37B0] =	vst v0;
	(pc) =	sbr.rel @p2 .LBB2_2-.Ltmp0, $4  }
0x26: {  	[tilespmem:s6+$0x37C0] =	vst v0  }
0x27: {  	[tilespmem:s6+$0x37D0] =	vst v0  }
0x28: {  	[tilespmem:s6+$0x37E0] =	vst v0  }
0x29: {  	[tilespmem:s6+$0x37F0] =	vst v0;
	s6 =	sshra.s32 s7, $0x2;
	s7 =	sadd.s32 $0x200, s7  }
0x2a: {  	[tilespmem:s6+$0x3800] =	vst v0  }
0x2b: {  	[tilespmem:s6+$0x3790] =	vst v0  }
0x2c: {  	[tilespmem:s6+$0x37A0] =	vst v0  }
0x2d: {  	[tilespmem:s6+$0x37B0] =	vst v0  }
0x2e: {  	[tilespmem:s6+$0x37C0] =	vst v0  }
0x2f: {  	[tilespmem:s6+$0x37D0] =	vst v0  }
0x30: {  	[tilespmem:s6+$0x37E0] =	vst v0  }
0x31: {  	[tilespmem:s6+$0x37F0] =	vst v0  }
0x32: {  	[spmem:s12] =	stream.linear.scatter [tilespmem:s24], [sflag:$0x3], $0x3C00, $0x38;
	[tilespmem:$0x1D880] =	vst v63  }
0x33: {  	_ =	swait.ge [sflag:s25], $0x3C00  }
0x34: {  	[sflag:s25] =	ssyncset.done $0x0  }
0x35: {  	[sflag:s25] =	ssyncadd.s32 $0xFFFFC400  }
0x36: {  	[spmem:s13] =	stream.linear.scatter [tilespmem:s24], [sflag:$0x3], $0x3C00, $0x38;
	[tilespmem:$0x1D880] =	vst v63  }
0x37: {  	_ =	swait.ge [sflag:s25], $0x3C00  }
0x38: {  	[sflag:s25] =	ssyncset.done $0x0  }
0x39: {  	[sflag:s25] =	ssyncadd.s32 $0xFFFFC400  }
0x3a: {  	[spmem:s14] =	stream.linear.scatter [tilespmem:s24], [sflag:$0x3], $0x3C00, $0x38;
	[tilespmem:$0x1D880] =	vst v63  }
0x3b: {  	_ =	swait.ge [sflag:s25], $0x3C00  }
0x3c: {  	[sflag:s25] =	ssyncset.done $0x0  }
0x3d: {  	[sflag:s25] =	ssyncadd.s32 $0xFFFFC400  }
0x3e: {  	[spmem:s15] =	stream.linear.scatter [tilespmem:s24], [sflag:$0x3], $0x3C00, $0x38;
	[tilespmem:$0x1D880] =	vst v63  }
0x3f: {  	_ =	swait.ge [sflag:s25], $0x3C00  }
0x40: {  	[sflag:s25] =	ssyncset.done $0x0  }
0x41: {  	[sflag:s25] =	ssyncadd.s32 $0xFFFFC400  }
0x42: {  	[spmem:s16] =	stream.linear.scatter [tilespmem:s24], [sflag:$0x3], $0x3C00, $0x38;
	[tilespmem:$0x1D880] =	vst v63  }
0x43: {  	_ =	swait.ge [sflag:s25], $0x3C00  }
0x44: {  	[sflag:s25] =	ssyncset.done $0x0  }
0x45: {  	s6 =	simm.s32 @!p0 $0x3800;
	[sflag:s25] =	ssyncadd.s32 $0xFFFFC400  }
0x46: {  	[spmem:s17] =	stream.linear.scatter @!p0 [tilespmem:s6], [sflag:$0x3], $0x3C00, $0x38;
	[tilespmem:$0x1D880] =	vst v63  }
0x47: {  	s6 =	simm.s32 @!p0 $0x3  }
0x48: {  	_ =	swait.ge @!p0 [sflag:s6], $0x3C00  }
0x49: {  	[sflag:s6] =	ssyncset.done @!p0 $0x0  }
0x4a: {  	[sflag:s6] =	ssyncadd.s32 @!p0 $0xFFFFC400;
	s6 =	simm.s32 @!p1 $0x3800  }
0x4b: {  	[spmem:s5] =	stream.linear.scatter @!p1 [tilespmem:s6], [sflag:$0x3], $0x1400, $0x38;
	[tilespmem:$0x1D880] =	vst v63  }
0x4c: {  	s6 =	simm.s32 @!p1 $0x3  }
0x4d: {  	_ =	swait.ge @!p1 [sflag:s6], $0x1400  }
0x4e: {  	[sflag:s6] =	ssyncset.done @!p1 $0x0  }
0x4f: {  	[sflag:s6] =	ssyncadd.s32 @!p1 $0xFFFFEC00  }
0x50: {  	[bflag:$0x0] =	sbarrier.arrive $0xFFFF  }
0x51: {  	s9 =	simm.s32 $0x0;
	s7 =	rddreg [dreg:$0x3]  }
0x52: {  	[tilespmem:s9], [sflag:$0x3] =	stream.linear.gather [hbm4b:s7+s9], $0x1900, $0x38;
	[tilespmem:$0x1D880] =	vst v63  }
0x53: {  	_ =	swait.ge [sflag:s25], $0x1900  }
0x54: {  	[sflag:s25] =	ssyncset.done $0x0  }
0x55: {  	s8 =	rddreg [dreg:$0x4];
	[sflag:s25] =	ssyncadd.s32 $0xFFFFE700  }
0x56: {  	[tilespmem:s26], [sflag:$0x3] =	stream.linear.gather [hbm4b:s8+s9], $0x1900, $0x38;
	[tilespmem:$0x1D880] =	vst v63  }
0x57: {  	_ =	swait.ge [sflag:s25], $0x1900  }
0x58: {  	[sflag:s25] =	ssyncset.done $0x0  }
0x59: {  	s9 =	simm.s32 $0x0;
	[sflag:s25] =	ssyncadd.s32 $0xFFFFE700  }
0x5a: {  	[tilespmem:s24], [sflag:$0x1] =	stream.indirect.gather [hbm4b:s4+s28], $0x80, s9, s28, $0xb8;
	[tilespmem:$0x1D880] =	vst v63  }
0x5b: {  	_ =	swait.ge [sflag:s29], $0x3200  }
0x5c: {  	[sflag:s29] =	ssyncset.done $0x0  }
0x5d: {  	s7 =	simm.s32 $0x1C00;
	[sflag:s29] =	ssyncadd.s32 $0xFFFFCE00  }
0x5e: {  	[spmem:s1] =	stream.indirect.scatter.add.f32 [tilespmem:s24], [sflag:$0x3], $0x80, s7, s28, $0xb8;
	[tilespmem:$0x1D880] =	vst v63  }
0x5f: {  	_ =	swait.ge [sflag:s25], $0x3200  }
0x60: {  	[sflag:s25] =	ssyncset.done $0x0  }
0x61: {  	s8 =	simm.s32 $0x80;
	[sflag:s25] =	ssyncadd.s32 $0xFFFFCE00  }
0x62: {  	[tilespmem:s30], [sflag:$0x2] =	stream.indirect.gather [hbm4b:s4+s28], $0x80, s8, s28, $0xb8;
	[tilespmem:$0x1D880] =	vst v63  }
0x63: {  	_ =	swait.ge [sflag:s31], $0x3200  }
0x64: {  	[sflag:s31] =	ssyncset.done $0x0  }
0x65: {  	s9 =	simm.s32 $0x1C80;
	[sflag:s31] =	ssyncadd.s32 $0xFFFFCE00  }
0x66: {  	[spmem:s1] =	stream.indirect.scatter.add.f32 [tilespmem:s30], [sflag:$0x3], $0x80, s9, s28, $0xb8;
	[tilespmem:$0x1D880] =	vst v63  }
0x67: {  	_ =	swait.ge [sflag:s25], $0x3200  }
0x68: {  	s6 =	simm.s32 $0x400;
	s7 =	simm.s32 $0x800;
	[sflag:s25] =	ssyncset.done $0x0  }
.LBB2_4:
0x69: {  	s8 =	sshra.s32 s6, $0x2  }
0x6a: {  	[sflag:s25] =	ssyncadd.s32 $0xFFFFCE00;
	s6 =	smov.u32 s7;
	s9 =	sadd.s32 $0x400, s7  }
0x6b: {  	[tilespmem:s24], [sflag:$0x1] =	stream.indirect.gather [hbm4b:s4+s28], $0x80, s8, s28, $0xb8;
	[tilespmem:$0x1D880] =	vst v63  }
0x6c: {  	p2 =	sne.s32 s7, $0x6000;
	_ =	swait.ge [sflag:s29], $0x3200  }
0x6d: {  	[sflag:s29] =	ssyncset.done $0x0  }
0x6e: {  	s7 =	sadd.s32 $0x1C00, s8;
	[sflag:s29] =	ssyncadd.s32 $0xFFFFCE00  }
0x6f: {  	[spmem:s1] =	stream.indirect.scatter.add.f32 [tilespmem:s24], [sflag:$0x3], $0x80, s7, s28, $0xb8;
	[tilespmem:$0x1D880] =	vst v63  }
0x70: {  	_ =	swait.ge [sflag:s25], $0x3200  }
0x71: {  	[sflag:s25] =	ssyncset.done $0x0  }
0x72: {  	s7 =	sadd.s32 $0x80, s8;
	[sflag:s25] =	ssyncadd.s32 $0xFFFFCE00  }
0x73: {  	[tilespmem:s30], [sflag:$0x2] =	stream.indirect.gather [hbm4b:s4+s28], $0x80, s7, s28, $0xb8;
	[tilespmem:$0x1D880] =	vst v63  }
0x74: {  	_ =	swait.ge [sflag:s31], $0x3200  }
.Ltmp1:
0x75: {  	[sflag:s31] =	ssyncset.done $0x0;
	(pc) =	sbr.rel @p2 .LBB2_4-.Ltmp1, $4  }
0x76: {  	s7 =	sadd.s32 $0x1C80, s8;
	[sflag:s31] =	ssyncadd.s32 $0xFFFFCE00  }
0x77: {  	[spmem:s1] =	stream.indirect.scatter.add.f32 [tilespmem:s30], [sflag:$0x3], $0x80, s7, s28, $0xb8;
	[tilespmem:$0x1D880] =	vst v63  }
0x78: {  	_ =	swait.ge [sflag:s25], $0x3200  }
0x79: {  	s7 =	smov.u32 s9;
	[sflag:s25] =	ssyncset.done $0x0  }
0x7a: {  	s6 =	sshra.s32 s6, $0x2;
	[sflag:s25] =	ssyncadd.s32 $0xFFFFCE00  }
0x7b: {  	[tilespmem:s24], [sflag:$0x1] =	stream.indirect.gather [hbm4b:s4+s28], $0x80, s6, s28, $0xb8;
	[tilespmem:$0x1D880] =	vst v63  }
0x7c: {  	_ =	swait.ge [sflag:s29], $0x3200  }
0x7d: {  	[sflag:s29] =	ssyncset.done $0x0  }
0x7e: {  	s7 =	sadd.s32 $0x1C00, s6;
	[sflag:s29] =	ssyncadd.s32 $0xFFFFCE00  }
0x7f: {  	[spmem:s1] =	stream.indirect.scatter.add.f32 [tilespmem:s24], [sflag:$0x3], $0x80, s7, s28, $0xb8;
	[tilespmem:$0x1D880] =	vst v63  }
0x80: {  	_ =	swait.ge [sflag:s25], $0x3200  }
0x81: {  	[sflag:s25] =	ssyncset.done $0x0  }
0x82: {  	s8 =	sadd.s32 $0x80, s6;
	[sflag:s25] =	ssyncadd.s32 $0xFFFFCE00  }
0x83: {  	[tilespmem:s30], [sflag:$0x2] =	stream.indirect.gather [hbm4b:s4+s28], $0x80, s8, s28, $0xb8;
	[tilespmem:$0x1D880] =	vst v63  }
0x84: {  	_ =	swait.ge [sflag:s31], $0x3200  }
0x85: {  	[sflag:s31] =	ssyncset.done $0x0  }
0x86: {  	s6 =	sadd.s32 $0x1C80, s6;
	[sflag:s31] =	ssyncadd.s32 $0xFFFFCE00  }
0x87: {  	[spmem:s1] =	stream.indirect.scatter.add.f32 [tilespmem:s30], [sflag:$0x3], $0x80, s6, s28, $0xb8;
	[tilespmem:$0x1D880] =	vst v63  }
0x88: {  	_ =	swait.ge [sflag:s25], $0x3200  }
0x89: {  	[sflag:s25] =	ssyncset.done $0x0  }
0x8a: {  	s6 =	simm.s32 $0x0;
	s9 =	rddreg [dreg:$0x5];
	[sflag:s25] =	ssyncadd.s32 $0xFFFFCE00  }
0x8b: {  	[tilespmem:s6], [sflag:$0x3] =	stream.linear.gather [hbm4b:s9+s6], $0x1900, $0x38;
	[tilespmem:$0x1D880] =	vst v63  }
0x8c: {  	_ =	swait.ge [sflag:s25], $0x1900  }
0x8d: {  	[sflag:s25] =	ssyncset.done $0x0  }
0x8e: {  	s8 =	rddreg [dreg:$0x6];
	[sflag:s25] =	ssyncadd.s32 $0xFFFFE700  }
0x8f: {  	[tilespmem:s26], [sflag:$0x3] =	stream.linear.gather [hbm4b:s8+s6], $0x1900, $0x38;
	[tilespmem:$0x1D880] =	vst v63  }
0x90: {  	_ =	swait.ge [sflag:s25], $0x1900  }
0x91: {  	[sflag:s25] =	ssyncset.done $0x0  }
0x92: {  	s9 =	simm.s32 $0x0;
	[sflag:s25] =	ssyncadd.s32 $0xFFFFE700  }
0x93: {  	[tilespmem:s24], [sflag:$0x1] =	stream.indirect.gather [hbm4b:s4+s28], $0x80, s9, s28, $0xb8;
	[tilespmem:$0x1D880] =	vst v63  }
0x94: {  	_ =	swait.ge [sflag:s29], $0x3200  }
0x95: {  	[sflag:s29] =	ssyncset.done $0x0  }
0x96: {  	s7 =	simm.s32 $0x1C00;
	[sflag:s29] =	ssyncadd.s32 $0xFFFFCE00  }
0x97: {  	[spmem:s1] =	stream.indirect.scatter.add.f32 [tilespmem:s24], [sflag:$0x3], $0x80, s7, s28, $0xb8;
	[tilespmem:$0x1D880] =	vst v63  }
0x98: {  	_ =	swait.ge [sflag:s25], $0x3200  }
0x99: {  	[sflag:s25] =	ssyncset.done $0x0  }
0x9a: {  	s8 =	simm.s32 $0x80;
	[sflag:s25] =	ssyncadd.s32 $0xFFFFCE00  }
0x9b: {  	[tilespmem:s30], [sflag:$0x2] =	stream.indirect.gather [hbm4b:s4+s28], $0x80, s8, s28, $0xb8;
	[tilespmem:$0x1D880] =	vst v63  }
0x9c: {  	_ =	swait.ge [sflag:s31], $0x3200  }
0x9d: {  	[sflag:s31] =	ssyncset.done $0x0  }
0x9e: {  	s9 =	simm.s32 $0x1C80;
	[sflag:s31] =	ssyncadd.s32 $0xFFFFCE00  }
0x9f: {  	[spmem:s1] =	stream.indirect.scatter.add.f32 [tilespmem:s30], [sflag:$0x3], $0x80, s9, s28, $0xb8;
	[tilespmem:$0x1D880] =	vst v63  }
0xa0: {  	_ =	swait.ge [sflag:s25], $0x3200  }
0xa1: {  	s6 =	simm.s32 $0x400;
	s7 =	simm.s32 $0x800;
	[sflag:s25] =	ssyncset.done $0x0  }
.LBB2_6:
0xa2: {  	s8 =	sshra.s32 s6, $0x2  }
0xa3: {  	[sflag:s25] =	ssyncadd.s32 $0xFFFFCE00;
	s6 =	smov.u32 s7;
	s9 =	sadd.s32 $0x400, s7  }
0xa4: {  	[tilespmem:s24], [sflag:$0x1] =	stream.indirect.gather [hbm4b:s4+s28], $0x80, s8, s28, $0xb8;
	[tilespmem:$0x1D880] =	vst v63  }
0xa5: {  	p2 =	sne.s32 s7, $0x6000;
	_ =	swait.ge [sflag:s29], $0x3200  }
0xa6: {  	[sflag:s29] =	ssyncset.done $0x0  }
0xa7: {  	s7 =	sadd.s32 $0x1C00, s8;
	[sflag:s29] =	ssyncadd.s32 $0xFFFFCE00  }
0xa8: {  	[spmem:s1] =	stream.indirect.scatter.add.f32 [tilespmem:s24], [sflag:$0x3], $0x80, s7, s28, $0xb8;
	[tilespmem:$0x1D880] =	vst v63  }
0xa9: {  	_ =	swait.ge [sflag:s25], $0x3200  }
0xaa: {  	[sflag:s25] =	ssyncset.done $0x0  }
0xab: {  	s7 =	sadd.s32 $0x80, s8;
	[sflag:s25] =	ssyncadd.s32 $0xFFFFCE00  }
0xac: {  	[tilespmem:s30], [sflag:$0x2] =	stream.indirect.gather [hbm4b:s4+s28], $0x80, s7, s28, $0xb8;
	[tilespmem:$0x1D880] =	vst v63  }
0xad: {  	_ =	swait.ge [sflag:s31], $0x3200  }
.Ltmp2:
0xae: {  	[sflag:s31] =	ssyncset.done $0x0;
	(pc) =	sbr.rel @p2 .LBB2_6-.Ltmp2, $4  }
0xaf: {  	s7 =	sadd.s32 $0x1C80, s8;
	[sflag:s31] =	ssyncadd.s32 $0xFFFFCE00  }
0xb0: {  	[spmem:s1] =	stream.indirect.scatter.add.f32 [tilespmem:s30], [sflag:$0x3], $0x80, s7, s28, $0xb8;
	[tilespmem:$0x1D880] =	vst v63  }
0xb1: {  	_ =	swait.ge [sflag:s25], $0x3200  }
0xb2: {  	s7 =	smov.u32 s9;
	[sflag:s25] =	ssyncset.done $0x0  }
0xb3: {  	s6 =	sshra.s32 s6, $0x2;
	[sflag:s25] =	ssyncadd.s32 $0xFFFFCE00  }
0xb4: {  	[tilespmem:s24], [sflag:$0x1] =	stream.indirect.gather [hbm4b:s4+s28], $0x80, s6, s28, $0xb8;
	[tilespmem:$0x1D880] =	vst v63  }
0xb5: {  	_ =	swait.ge [sflag:s29], $0x3200  }
0xb6: {  	[sflag:s29] =	ssyncset.done $0x0  }
0xb7: {  	s7 =	sadd.s32 $0x1C00, s6;
	[sflag:s29] =	ssyncadd.s32 $0xFFFFCE00  }
0xb8: {  	[spmem:s1] =	stream.indirect.scatter.add.f32 [tilespmem:s24], [sflag:$0x3], $0x80, s7, s28, $0xb8;
	[tilespmem:$0x1D880] =	vst v63  }
0xb9: {  	_ =	swait.ge [sflag:s25], $0x3200  }
0xba: {  	[sflag:s25] =	ssyncset.done $0x0  }
0xbb: {  	s9 =	sadd.s32 $0x80, s6;
	[sflag:s25] =	ssyncadd.s32 $0xFFFFCE00  }
0xbc: {  	[tilespmem:s30], [sflag:$0x2] =	stream.indirect.gather [hbm4b:s4+s28], $0x80, s9, s28, $0xb8;
	[tilespmem:$0x1D880] =	vst v63  }
0xbd: {  	_ =	swait.ge [sflag:s31], $0x3200  }
0xbe: {  	[sflag:s31] =	ssyncset.done $0x0  }
0xbf: {  	s6 =	sadd.s32 $0x1C80, s6;
	[sflag:s31] =	ssyncadd.s32 $0xFFFFCE00  }
0xc0: {  	[spmem:s1] =	stream.indirect.scatter.add.f32 [tilespmem:s30], [sflag:$0x3], $0x80, s6, s28, $0xb8;
	[tilespmem:$0x1D880] =	vst v63  }
0xc1: {  	_ =	swait.ge [sflag:s25], $0x3200  }
0xc2: {  	[sflag:s25] =	ssyncset.done $0x0  }
0xc3: {  	[sflag:s25] =	ssyncadd.s32 $0xFFFFCE00  }
0xc4: {  	[bflag:$0x0] =	sbarrier.arrive $0xFFFF  }
0xc5: {  	[tilespmem:s24], [sflag:$0x4] =	stream.linear.gather [spmem:s12], $0x3C00, $0x38;
	[tilespmem:$0x1D880] =	vst v63  }
0xc6: {  	_ =	swait.ge [sflag:s0], $0x3C00  }
0xc7: {  	[sflag:s0] =	ssyncset.done $0x0  }
0xc8: {  	[sflag:s0] =	ssyncadd.s32 $0xFFFFC400  }
0xc9: {  	[hbm4b:s18+s2] =	stream.linear.scatter [tilespmem:s24], [sflag:$0x3], $0x3C00, $0x38;
	[tilespmem:$0x1D880] =	vst v63  }
0xca: {  	_ =	swait.ge [sflag:s25], $0x3C00  }
0xcb: {  	[sflag:s25] =	ssyncset.done $0x0  }
0xcc: {  	[sflag:s25] =	ssyncadd.s32 $0xFFFFC400  }
0xcd: {  	[tilespmem:s24], [sflag:$0x4] =	stream.linear.gather [spmem:s13], $0x3C00, $0x38;
	[tilespmem:$0x1D880] =	vst v63  }
0xce: {  	_ =	swait.ge [sflag:s0], $0x3C00  }
0xcf: {  	[sflag:s0] =	ssyncset.done $0x0  }
0xd0: {  	[sflag:s0] =	ssyncadd.s32 $0xFFFFC400  }
0xd1: {  	[hbm4b:s19+s2] =	stream.linear.scatter [tilespmem:s24], [sflag:$0x3], $0x3C00, $0x38;
	[tilespmem:$0x1D880] =	vst v63  }
0xd2: {  	_ =	swait.ge [sflag:s25], $0x3C00  }
0xd3: {  	[sflag:s25] =	ssyncset.done $0x0  }
0xd4: {  	[sflag:s25] =	ssyncadd.s32 $0xFFFFC400  }
0xd5: {  	[tilespmem:s24], [sflag:$0x4] =	stream.linear.gather [spmem:s14], $0x3C00, $0x38;
	[tilespmem:$0x1D880] =	vst v63  }
0xd6: {  	_ =	swait.ge [sflag:s0], $0x3C00  }
0xd7: {  	[sflag:s0] =	ssyncset.done $0x0  }
0xd8: {  	[sflag:s0] =	ssyncadd.s32 $0xFFFFC400  }
0xd9: {  	[hbm4b:s20+s2] =	stream.linear.scatter [tilespmem:s24], [sflag:$0x3], $0x3C00, $0x38;
	[tilespmem:$0x1D880] =	vst v63  }
0xda: {  	_ =	swait.ge [sflag:s25], $0x3C00  }
0xdb: {  	[sflag:s25] =	ssyncset.done $0x0  }
0xdc: {  	[sflag:s25] =	ssyncadd.s32 $0xFFFFC400  }
0xdd: {  	[tilespmem:s24], [sflag:$0x4] =	stream.linear.gather [spmem:s15], $0x3C00, $0x38;
	[tilespmem:$0x1D880] =	vst v63  }
0xde: {  	_ =	swait.ge [sflag:s0], $0x3C00  }
0xdf: {  	[sflag:s0] =	ssyncset.done $0x0  }
0xe0: {  	[sflag:s0] =	ssyncadd.s32 $0xFFFFC400  }
0xe1: {  	[hbm4b:s21+s2] =	stream.linear.scatter [tilespmem:s24], [sflag:$0x3], $0x3C00, $0x38;
	[tilespmem:$0x1D880] =	vst v63  }
0xe2: {  	_ =	swait.ge [sflag:s25], $0x3C00  }
0xe3: {  	[sflag:s25] =	ssyncset.done $0x0  }
0xe4: {  	[sflag:s25] =	ssyncadd.s32 $0xFFFFC400  }
0xe5: {  	[tilespmem:s24], [sflag:$0x4] =	stream.linear.gather [spmem:s16], $0x3C00, $0x38;
	[tilespmem:$0x1D880] =	vst v63  }
0xe6: {  	_ =	swait.ge [sflag:s0], $0x3C00  }
0xe7: {  	[sflag:s0] =	ssyncset.done $0x0  }
0xe8: {  	[sflag:s0] =	ssyncadd.s32 $0xFFFFC400  }
0xe9: {  	[hbm4b:s22+s2] =	stream.linear.scatter [tilespmem:s24], [sflag:$0x3], $0x3C00, $0x38;
	[tilespmem:$0x1D880] =	vst v63  }
0xea: {  	_ =	swait.ge [sflag:s25], $0x3C00  }
0xeb: {  	[sflag:s25] =	ssyncset.done $0x0  }
0xec: {  	s7 =	simm.s32 @!p0 $0x4;
	s6 =	simm.s32 @!p0 $0x3800;
	[sflag:s25] =	ssyncadd.s32 $0xFFFFC400  }
0xed: {  	[tilespmem:s6], [sflag:$0x4] =	stream.linear.gather @!p0 [spmem:s17], $0x3C00, $0x38;
	[tilespmem:$0x1D880] =	vst v63  }
0xee: {  	_ =	swait.ge @!p0 [sflag:s7], $0x3C00  }
0xef: {  	[sflag:s7] =	ssyncset.done @!p0 $0x0  }
0xf0: {  	[sflag:s7] =	ssyncadd.s32 @!p0 $0xFFFFC400;
	s7 =	simm.s32 @!p0 $0x0  }
0xf1: {  	[hbm4b:s23+s7] =	stream.linear.scatter @!p0 [tilespmem:s6], [sflag:$0x3], $0x3C00, $0x38;
	[tilespmem:$0x1D880] =	vst v63  }
0xf2: {  	s6 =	simm.s32 @!p0 $0x3  }
0xf3: {  	_ =	swait.ge @!p0 [sflag:s6], $0x3C00  }
0xf4: {  	[sflag:s6] =	ssyncset.done @!p0 $0x0  }
0xf5: {  	s7 =	simm.s32 @!p1 $0x3;
	[sflag:s6] =	ssyncadd.s32 @!p0 $0xFFFFC400;
	s6 =	simm.s32 @!p1 $0x3800  }
0xf6: {  	[tilespmem:s6], [sflag:$0x3] =	stream.linear.gather @!p1 [spmem:s5], $0x1400, $0x38;
	[tilespmem:$0x1D880] =	vst v63  }
0xf7: {  	s3 =	sadd.s32 $0x1, s3;
	_ =	swait.ge @!p1 [sflag:s7], $0x1400  }
0xf8: {  	p2 =	sne.s32 s3, s11;
	[sflag:s7] =	ssyncset.done @!p1 $0x0  }
.Ltmp3:
0xf9: {  	s8 =	simm.s32 @!p1 $0x0;
	[sflag:s7] =	ssyncadd.s32 @!p1 $0xFFFFEC00;
	(pc) =	sbr.rel @p2 .LBB2_1-.Ltmp3, $4  }
0xfa: {  	[hbm4b:s10+s8] =	stream.linear.scatter @!p1 [tilespmem:s6], [sflag:$0x3], $0x1400, $0x38;
	[tilespmem:$0x1D880] =	vst v63  }
0xfb: {  	_ =	swait.ge @!p1 [sflag:s7], $0x1400  }
0xfc: {  	[sflag:s7] =	ssyncset.done @!p1 $0x0  }
0xfd: {  	[sflag:s7] =	ssyncadd.s32 @!p1 $0xFFFFEC00  }
0xfe: {  	_ =	sfence.sel $0x180000  }
0xff: {  	[bflag:$0x0] =	sbarrier.arrive $0xFFFF  }
0x100: {  	_ =	strace $0x9000004A  }
0x101: {  	s0 =	stileid.u32;
	[bflag:$0x2] =	sbarrier.arrive $0xFFFF  }
0x102: {  	p0 =	sne.s32 s0, $0x0;
	s0 =	rddreg [dreg:$0x2]  }
0x103: {  	s0 =	sadd.s32 @!p0 $0x100000, s0  }
0x104: {  	[sflag:s0] =	ssyncadd.tile.s32 @!p0 $0x1;
	_ =	shalt  }
.Lfunc_end2:
_tile_overlayer_lowered:
.L_overlay_start_2:
0x105: {  	(tag) =	ssettag $0x2  }
0x106: {  	s0 =	rddreg [dreg:$0x0];
	s2 =	stileid.u32  }
0x107: {  	s1 =	rddreg [dreg:$0x1];
	p0 =	sne.s32 s2, $0x0  }
0x108: {  	s3 =	rddreg [dreg:$0x2];
	[bflag:$0x3] =	sbarrier.arrive $0xFFFF;
	s2 =	simm.s32 @!p0 $0x1C03  }
0x109: {  	[timem:s3], [sflag:s2] =	dma.local @!p0 [hbm:s0], s1  }
0x10a: {  	s0 =	simm.s32 @!p0 $0x3  }
0x10b: {  	_ =	swait.ge @!p0 [sflag:s0], s1  }
0x10c: {  	s1 =	ssub.s32 @!p0 $0x0, s1;
	[sflag:s0] =	ssyncset.done @!p0 $0x0  }
0x10d: {  	[sflag:s0] =	ssyncadd.s32 @!p0 s1  }
0x10e: {  	[bflag:$0x3] =	sbarrier.arrive $0xFFFF  }
0x10f: {  	_ =	shalt  }

// kernel: kernel.15.cloned.1.call-start
scs
__scs_entry_jumppad:
0x0: {  	(pc) =	sbr.rel $0x88, $3  }
0x1: {  	(tag) =	ssettag $0x0;
	lr =	simm.s32 $0x1  }
0x2: {  	[smem:$0x3F80] =	sst lr;
	_ =	strace $0xD0000000  }
0x3: {  	_ = 	snop  }
0x4: {  	_ = 	snop  }
0x5: {  	_ = 	snop  }
0x6: {  	_ = 	snop  }
0x7: {  	_ = 	snop  }
__scs_overlays_trampoline_lowered:
0x8: {  	[smem:$0x3F8F] =	sst s0  }
0x9: {  	[smem:$0x3F90] =	sst s1  }
0xa: {  	[smem:$0x3F91] =	sst s2  }
0xb: {  	[smem:$0x3F92] =	sst s3  }
0xc: {  	[smem:$0x3F93] =	sst s4  }
0xd: {  	[smem:$0x3F94] =	sst s5  }
0xe: {  	[smem:$0x3F95] =	sst s6  }
0xf: {  	[smem:$0x3F96] =	sst s7  }
0x10: {  	[smem:$0x3F97] =	sst s8  }
0x11: {  	[smem:$0x3F98] =	sst s9;
	s0 =	simm.s32 @!p0 $0x0  }
0x12: {  	s1 =	sld [smem:$0x3F7E];
	s0 =	simm.s32 @p0 $0x1  }
0x13: {  	[smem:$0x3F99] =	sst s0;
	s0 =	simm.s32 @!p1 $0x0  }
0x14: {  	s2 =	sld [smem:$0x3F7D];
	s0 =	simm.s32 @p1 $0x1  }
0x15: {  	[smem:$0x3F9A] =	sst s0;
	s0 =	simm.s32 @!p2 $0x0  }
0x16: {  	s3 =	sld [smem:$0x3FDB];
	s0 =	simm.s32 @p2 $0x1  }
0x17: {  	s4 =	simm.s32 $0x1BF5;
	[smem:$0x3F9C] =	sst s0  }
0x18: {  	s0 =	sld [smem:$0x3F7F];
	_ =	swait.ge [sflag:s4], $0x0  }
0x19: {  	s7 =	sld [smem:$0x3F80]  }
0x1a: {  	s8 =	sadd.s32 $0xFFFFE003, lr  }
0x1b: {  	s9 =	sadd.s32 $0xFFFFFEF7, lr;
	s5 =	simm.s32 $0xFFFFFFFF;
	p2 =	slt.u32 s8, $0xFFFFF086  }
0x1c: {  	p1 =	slt.u32 s9, $0xF7A;
	s5 =	simm.s32 @!p2 $0x0  }
0x1d: {  	s5 =	simm.s32 @p1 $0x1;
	p0 =	seq.s32 s7, s2  }
0x1e: {  	s7 =	smul.u32 @!p0 $0xF7A, s2;
	p2 =	seq.s32 @!p0 s5, $0x0  }
0x1f: {  	s9 =	smul.u32 $0xF7A, s1;
	s8 =	simm.s32 @!p0 $0x1BF5;
	p2 =	por !p2, p0  }
0x20: {  	[sflag:s8] =	ssyncset.s32 @!p0 $0xFFFFF086;
	s6 =	sadd.s32 @!p0 s3, s7;
	s7 =	simm.s32 @!p0 $0x108  }
0x21: {  	s3 =	sadd.s32 s3, s9;
	s6 =	sadd.s32 @!p0 $0x88, s6;
	s7 =	simm.s32 @p2 $0x1082  }
0x22: {  	[simem:s7], [sflag:s8] =	dma.local @!p0 [hbm:s6], $0xF7A  }
0x23: {  	s9 =	sor.u32 $0xD0000000, s2;
	s6 =	simm.s32 $0x108;
	_ =	swait.ge @!p0 [sflag:s8], $0x0  }
0x24: {  	s3 =	sadd.s32 $0x88, s3;
	s6 =	simm.s32 @!p1 $0x1082;
	[sflag:s4] =	ssyncset.s32 $0xFFFFF086  }
0x25: {  	[simem:s6], [sflag:s4] =	dma.local [hbm:s3], $0xF7A  }
0x26: {  	[smem:$0x3F80] =	sst s1;
	(tag) =	ssettag s2;
	_ =	strace s9  }
0x27: {  	s1 =	sld [smem:$0x3F90]  }
0x28: {  	s2 =	sld [smem:$0x3F91]  }
0x29: {  	s4 =	sld [smem:$0x3F93]  }
0x2a: {  	p0 =	seq.s32 s5, $0x0;
	s5 =	sld [smem:$0x3F94]  }
0x2b: {  	s6 =	sld [smem:$0x3F95]  }
0x2c: {  	s7 =	sld [smem:$0x3F96]  }
0x2d: {  	s3 =	simm.s32 $0x108;
	s8 =	sld [smem:$0x3F97]  }
0x2e: {  	s3 =	simm.s32 @!p0 $0x1082;
	s9 =	sld [smem:$0x3F98]  }
0x2f: {  	lr =	sadd.s32 s0, s3;
	s0 =	sld [smem:$0x3F8F]  }
0x30: {  	s3 =	sld [smem:$0x3F92]  }
0x31: {  	[smem:$0x3F9B] =	sst s10  }
0x32: {  	s10 =	sld [smem:$0x3F99];
	_ =	sdelay $0x3  }
0x33: {  	p0 =	seq.s32 s10, $0x1;
	s10 =	sld [smem:$0x3F9B];
	_ =	sdelay $0x3  }
0x34: {  	[smem:$0x3F9B] =	sst s10  }
0x35: {  	s10 =	sld [smem:$0x3F9A];
	_ =	sdelay $0x3  }
0x36: {  	p1 =	seq.s32 s10, $0x1;
	s10 =	sld [smem:$0x3F9B];
	_ =	sdelay $0x3  }
0x37: {  	[smem:$0x3F9B] =	sst s10  }
0x38: {  	s10 =	sld [smem:$0x3F9C]  }
0x39: {  	_ = 	snop;
	(pc) =	sbr.ind lr, $3  }
0x3a: {  	_ = 	snop  }
0x3b: {  	_ = 	snop  }
0x3c: {  	p2 =	seq.s32 s10, $0x1;
	s10 =	sld [smem:$0x3F9B]  }
0x3d: {  	_ =	shalt  }
0x3e: {  	_ =	shalt  }
0x3f: {  	_ =	shalt  }
0x40: {  	_ =	shalt  }
0x41: {  	_ =	shalt  }
0x42: {  	_ =	shalt  }
0x43: {  	_ =	shalt  }
0x44: {  	_ =	shalt  }
0x45: {  	_ =	shalt  }
0x46: {  	_ =	shalt  }
0x47: {  	_ =	shalt  }
0x48: {  	_ =	shalt  }
0x49: {  	_ =	shalt  }
0x4a: {  	_ =	shalt  }
0x4b: {  	_ =	shalt  }
0x4c: {  	_ =	shalt  }
0x4d: {  	_ =	shalt  }
0x4e: {  	_ =	shalt  }
0x4f: {  	_ =	shalt  }
0x50: {  	_ =	shalt  }
0x51: {  	_ =	shalt  }
0x52: {  	_ =	shalt  }
0x53: {  	_ =	shalt  }
0x54: {  	_ =	shalt  }
0x55: {  	_ =	shalt  }
0x56: {  	_ =	shalt  }
0x57: {  	_ =	shalt  }
0x58: {  	_ =	shalt  }
0x59: {  	_ =	shalt  }
0x5a: {  	_ =	shalt  }
0x5b: {  	_ =	shalt  }
0x5c: {  	_ =	shalt  }
0x5d: {  	_ =	shalt  }
0x5e: {  	_ =	shalt  }
0x5f: {  	_ =	shalt  }
0x60: {  	_ =	shalt  }
0x61: {  	_ =	shalt  }
0x62: {  	_ =	shalt  }
0x63: {  	_ =	shalt  }
0x64: {  	_ =	shalt  }
0x65: {  	_ =	shalt  }
0x66: {  	_ =	shalt  }
0x67: {  	_ =	shalt  }
0x68: {  	_ =	shalt  }
0x69: {  	_ =	shalt  }
0x6a: {  	_ =	shalt  }
0x6b: {  	_ =	shalt  }
0x6c: {  	_ =	shalt  }
0x6d: {  	_ =	shalt  }
0x6e: {  	_ =	shalt  }
0x6f: {  	_ =	shalt  }
0x70: {  	_ =	shalt  }
0x71: {  	_ =	shalt  }
0x72: {  	_ =	shalt  }
0x73: {  	_ =	shalt  }
0x74: {  	_ =	shalt  }
0x75: {  	_ =	shalt  }
0x76: {  	_ =	shalt  }
0x77: {  	_ =	shalt  }
0x78: {  	_ =	shalt  }
0x79: {  	_ =	shalt  }
0x7a: {  	_ =	shalt  }
0x7b: {  	_ =	shalt  }
0x7c: {  	_ =	shalt  }
0x7d: {  	_ =	shalt  }
0x7e: {  	_ =	shalt  }
0x7f: {  	_ =	shalt  }
0x80: {  	_ =	shalt  }
0x81: {  	_ =	shalt  }
0x82: {  	_ =	shalt  }
0x83: {  	_ =	shalt  }
0x84: {  	_ =	shalt  }
0x85: {  	_ =	shalt  }
0x86: {  	_ =	shalt  }
0x87: {  	_ =	shalt  }
.Lfunc_end0:
.L_simem_size_0:
called_computation.2_lowered:
.L_overlay_start_0:
0x88: {  	s2 =	sld [smem:$0x3FD9]  }
0x89: {  	s3 =	sld [smem:$0x3FFE];
	_ =	sdelay $0x1  }
0x8a: {  	s1 =	srdreg.scid  }
0x8b: {  	s0 =	sand.u32 $0x1, s1  }
0x8c: {  	s16 =	sshll.u32 s0, $0xA;
	s2 =	sadd.s32 s3, s2  }
0x8d: {  	s2 =	sadd.s32 s2, s16  }
0x8e: {  	[smem:$0x3FA7] =	sst s2  }
0x8f: {  	_ = 	snop  }
0x90: {  	(tm) =	ssettm $0x1  }
0x91: {  	s17 =	sld [smem:$0x3FFB];
	_ =	sdelay $0x3  }
0x92: {  	_ =	strace s17  }
0x93: {  	s2 =	sld [smem:$0x3FFC];
	_ =	sdelay $0x3  }
0x94: {  	_ =	strace s2  }
0x95: {  	s2 =	sld [smem:$0x3FFD];
	_ =	sdelay $0x3  }
0x96: {  	_ =	strace s2  }
0x97: {  	_ =	strace $0x8FFFFFFF  }
0x98: {  	s18 =	sld [smem:$0x3FDB];
	_ =	sdelay $0x1  }
0x99: {  	s19 =	simm.s32 $_scs_section_size  }
0x9a: {  	s4 =	simm.s32 $_size__tile_overlayer_lowered;
	s5 =	simm.s32 $_tile_overlayer_lowered  }
0x9b: {  	s22 =	simm.s32 $0x1BFF;
	s21 =	sshll.u32 s5, $0x1;
	s2 =	sadd.s32 s19, s18  }
0x9c: {  	s6 =	simm.s32 $0x0;
	s20 =	sshll.u32 s4, $0x1;
	s4 =	sadd.s32 s21, s2  }
0x9d: {  	[timem:s6], [sflag:s22] =	dma.local [hbm:s4], s20  }
0x9e: {  	_ =	swait.ge [sflag:s22], s20  }
0x9f: {  	s3 =	ssub.s32 $0x0, s20;
	[sflag:s22] =	ssyncset.done $0x0  }
0xa0: {  	[sflag:s22] =	ssyncadd.s32 s3;
	_ =	sdelay $0x1  }
0xa1: {  	s23 =	simm.s32 $0x1B8B  }
0xa2: {  	_ =	swait.ge [sflag:s23], $0x1  }
0xa3: {  	[sflag:s23] =	ssyncset.done $0x0  }
0xa4: {  	s25 =	simm.s32 $0x1B8E;
	s24 =	sld [smem:$0x3FFE];
	[sflag:s23] =	ssyncadd.s32 $0xFFFFFFFF  }
0xa5: {  	s26 =	simm.s32 $execute0_lowered;
	[smem:$0x3FD2] =	sst s25  }
0xa6: {  	s4 =	sshll.u32 s26, $0x1;
	_ =	strace $0x8000004C;
	[dreg:$0x1] =	wrdreg $0xFFFFFFFF  }
0xa7: {  	s28 =	simm.s32 $_size_execute0_lowered;
	s2 =	sadd.s32 s2, s4;
	[dreg:$0x0] =	wrdreg $0x0  }
0xa8: {  	s4 =	sshll.u32 s28, $0x1;
	[dreg:$0x2] =	wrdreg s2  }
0xa9: {  	[dreg:$0x3] =	wrdreg s4  }
0xaa: {  	[dreg:$0x4] =	wrdreg $0xC0  }
0xab: {  	_ =	task [dreg:s6], $0x5FFFF  }
0xac: {  	[dreg:$0x1] =	wrdreg $0xFFFFFFFF  }
0xad: {  	[dreg:$0x0] =	wrdreg $0x60  }
0xae: {  	[dreg:$0x2] =	wrdreg s24  }
0xaf: {  	[dreg:$0x3] =	wrdreg $0xA0000  }
0xb0: {  	[dreg:$0x4] =	wrdreg $0x9  }
0xb1: {  	_ =	task.clear_ibuf [dreg:s6], $0x5FFFF;
	_ =	strace $0x9000004C  }
0xb2: {  	s29 =	simm.s32 $0x9;
	_ =	strace $0x8000004E  }
0xb3: {  	_ =	swait.ge [sflag:s29], $0x1  }
0xb4: {  	[sflag:s29] =	ssyncadd.s32 $0xFFFFFFFF  }
0xb5: {  	_ =	strace $0x9000004E  }
0xb6: {  	_ =	sfence  }
0xb7: {  	s30 =	sld [smem:$0x0];
	_ =	sdelay $0x2  }
0xb8: {  	s31 =	sshll.u32 s1, $0xD;
	s1 =	sshrl.u32 s1, $0x2  }
0xb9: {  	s3 =	sand.u32 $0x4000, s31;
	s1 =	sadd.s32 s1, s30  }
0xba: {  	s0 =	sor.u32 s3, s0;
	s1 =	sshll.u32 s1, $0x11  }
0xbb: {  	s0 =	sor.u32 s1, s0  }
0xbc: {  	s0 =	sadd.s32 $0x8F2B, s0  }
0xbd: {  	[sflag:s0] =	ssyncadd.remote.s32 $0x1  }
0xbe: {  	_ =	sfence.sel $0xFFFF  }
0xbf: {  	[dreg:$0x0] =	wrdreg $0xFFFFFFFF;
	(pc) =	sbr.abs _section_cstart, $3  }
0xc0: {  	[dreg:$0x1] =	wrdreg $0xFFFFFFFF  }
0xc1: {  	_ =	task.clear_ibuf [dreg:s6], $0x2FFFF;
	_ =	strace $0x9FFFFFFF  }
0xc2: {  	(tm) =	ssettm $0x7FFFFFFF  }
0xc3: {  	_ =	shalt  }
tec
execute0_lowered:
.L_overlay_start_1:
0x0: {  	(tag) =	ssettag $0x1  }
0x1: {  	s0 =	rddreg [dreg:$0x0]  }
0x2: {  	s1 =	rddreg [dreg:$0x1];
	s2 =	simm.s32 $0x0  }
0x3: {  	s3 =	srdreg.scid;
	s25 =	stileid.u32;
	s28 =	simm.s32 $0x64  }
0x4: {  	s29 =	simm.s32 $0x1;
	s3 =	sand.u32 $0x1, s3;
	s12 =	smul.u32 $0xF000, s25  }
0x5: {  	s5 =	sshll.u32 s25, $0x1;
	s13 =	sor.u32 $0x10, s25;
	s21 =	smul.u32 $0x3C00, s25  }
0x6: {  	s8 =	ssub.s32 $0x2, s3;
	s5 =	sor.u32 s3, s5;
	s3 =	smul.u32 $0x138800, s3  }
0x7: {  	s30 =	simm.s32 $0x6C00;
	s15 =	sor.u32 $0x20, s25;
	s14 =	smul.u32 $0xF000, s13  }
0x8: {  	s31 =	simm.s32 $0x2;
	s17 =	sor.u32 $0x30, s25;
	s16 =	smul.u32 $0xF000, s15  }
0x9: {  	[smem:$0x7FF] =	sst s2;
	s19 =	sor.u32 $0x40, s25;
	s18 =	smul.u32 $0xF000, s17  }
0xa: {  	s4 =	sadd.s32 $0x7200, s0;
	s6 =	sadd.s32 $0x70400, s0;
	s20 =	smul.u32 $0xF000, s19  }
0xb: {  	s7 =	sadd.s32 $0x62400, s0;
	s0 =	sadd.s32 $0x7E400, s0;
	s22 =	smul.u32 $0x3C00, s13  }
0xc: {  	_ =	strace $0x8000004D;
	s9 =	sshrl.u32 s8, $0x1;
	s10 =	smul.u32 $0x3800, s5  }
0xd: {  	s5 =	sadd.s32 $0x137400, s1;
	s12 =	sshrl.u32 s12, $0x2;
	s11 =	ssub.s32 s8, s9  }
0xe: {  	s12 =	sadd.s32 s12, s1;
	s16 =	sshrl.u32 s16, $0x2;
	s18 =	sshrl.u32 s18, $0x2  }
0xf: {  	s20 =	sshrl.u32 s20, $0x2;
	s23 =	sshrl.u32 s10, $0x3;
	s10 =	sshrl.u32 s3, $0x3  }
0x10: {  	s11 =	smax.u32 s11, $0x1;
	s24 =	sadd.s32 s6, s23;
	s26 =	sadd.s32 s7, s23  }
0x11: {  	s8 =	sadd.s32 $0x380, s23;
	s23 =	sshrl.u32 s14, $0x2;
	[dreg:$0x3] =	wrdreg s24  }
0x12: {  	s14 =	sadd.s32 s16, s1;
	s16 =	sadd.s32 s20, s1;
	[dreg:$0x4] =	wrdreg s26  }
0x13: {  	s6 =	sadd.s32 s6, s8;
	s7 =	sadd.s32 s7, s8;
	s24 =	smul.u32 $0x3C00, s15  }
0x14: {  	s13 =	sadd.s32 s23, s1;
	s26 =	smul.u32 $0x3C00, s17;
	s23 =	sor.u32 $0x50, s25  }
0x15: {  	s8 =	smul.u32 $0x3C00, s19;
	s15 =	sadd.s32 s18, s1;
	[dreg:$0x5] =	wrdreg s6  }
0x16: {  	[dreg:$0x6] =	wrdreg s7;
	s6 =	sadd.s32 s0, s10;
	s9 =	smul.u32 $0x3C00, s23  }
0x17: {  	s7 =	sadd.s32 s3, s21;
	s19 =	smul.u32 $0xF000, s23;
	p0 =	sgt.u32 s23, $0x52  }
0x18: {  	s10 =	sadd.s32 $0x26E80, s6;
	s6 =	sadd.s32 s3, s22;
	s21 =	sadd.s32 s3, s24  }
0x19: {  	s22 =	sadd.s32 s3, s26;
	s24 =	sadd.s32 s3, s8;
	s7 =	sshrl.u32 s7, $0x3  }
0x1a: {  	p1 =	sne.s32 @!p0 s25, $0x0;
	s25 =	simm.s32 $0x3;
	s3 =	sadd.s32 s3, s9  }
0x1b: {  	s17 =	sshrl.u32 s19, $0x2;
	s18 =	sadd.s32 s0, s7;
	s6 =	sshrl.u32 s6, $0x3  }
0x1c: {  	s21 =	sshrl.u32 s21, $0x3;
	s22 =	sshrl.u32 s22, $0x3;
	s26 =	sshrl.u32 s24, $0x3  }
0x1d: {  	s24 =	simm.s32 $0x3800;
	p1 =	por p1, p0;
	s17 =	sadd.s32 s17, s1  }
0x1e: {  	s19 =	sadd.s32 s0, s6;
	s20 =	sadd.s32 s0, s21;
	s21 =	sadd.s32 s0, s22  }
0x1f: {  	s22 =	sadd.s32 s0, s26;
	s3 =	sshrl.u32 s3, $0x3;
	s26 =	simm.s32 $0x1C00  }
0x20: {  	v0 =	vimm.f32 $0.0e+00;
	s23 =	sadd.s32 s0, s3;
	s0 =	simm.s32 $0x4;
	s3 =	simm.s32 $0x0  }
.LBB2_1:
0x21: {  	s6 =	simm.s32 $0x70;
	s7 =	simm.s32 $0x3C0  }
.LBB2_2:
0x22: {  	p2 =	sne.s32 s7, $0xC7C0;
	[tilespmem:s6+$0x3800] =	vst v0  }
0x23: {  	[tilespmem:s6+$0x3790] =	vst v0  }
0x24: {  	[tilespmem:s6+$0x37A0] =	vst v0  }
.Ltmp0:
0x25: {  	[tilespmem:s6+$0x37B0] =	vst v0;
	(pc) =	sbr.rel @p2 .LBB2_2-.Ltmp0, $4  }
0x26: {  	[tilespmem:s6+$0x37C0] =	vst v0  }
0x27: {  	[tilespmem:s6+$0x37D0] =	vst v0  }
0x28: {  	[tilespmem:s6+$0x37E0] =	vst v0  }
0x29: {  	[tilespmem:s6+$0x37F0] =	vst v0;
	s6 =	sshra.s32 s7, $0x2;
	s7 =	sadd.s32 $0x200, s7  }
0x2a: {  	[tilespmem:s6+$0x3800] =	vst v0  }
0x2b: {  	[tilespmem:s6+$0x3790] =	vst v0  }
0x2c: {  	[tilespmem:s6+$0x37A0] =	vst v0  }
0x2d: {  	[tilespmem:s6+$0x37B0] =	vst v0  }
0x2e: {  	[tilespmem:s6+$0x37C0] =	vst v0  }
0x2f: {  	[tilespmem:s6+$0x37D0] =	vst v0  }
0x30: {  	[tilespmem:s6+$0x37E0] =	vst v0  }
0x31: {  	[tilespmem:s6+$0x37F0] =	vst v0  }
0x32: {  	[spmem:s12] =	stream.linear.scatter [tilespmem:s24], [sflag:$0x3], $0x3C00, $0x38;
	[tilespmem:$0x1D880] =	vst v63  }
0x33: {  	_ =	swait.ge [sflag:s25], $0x3C00  }
0x34: {  	[sflag:s25] =	ssyncset.done $0x0  }
0x35: {  	[sflag:s25] =	ssyncadd.s32 $0xFFFFC400  }
0x36: {  	[spmem:s13] =	stream.linear.scatter [tilespmem:s24], [sflag:$0x3], $0x3C00, $0x38;
	[tilespmem:$0x1D880] =	vst v63  }
0x37: {  	_ =	swait.ge [sflag:s25], $0x3C00  }
0x38: {  	[sflag:s25] =	ssyncset.done $0x0  }
0x39: {  	[sflag:s25] =	ssyncadd.s32 $0xFFFFC400  }
0x3a: {  	[spmem:s14] =	stream.linear.scatter [tilespmem:s24], [sflag:$0x3], $0x3C00, $0x38;
	[tilespmem:$0x1D880] =	vst v63  }
0x3b: {  	_ =	swait.ge [sflag:s25], $0x3C00  }
0x3c: {  	[sflag:s25] =	ssyncset.done $0x0  }
0x3d: {  	[sflag:s25] =	ssyncadd.s32 $0xFFFFC400  }
0x3e: {  	[spmem:s15] =	stream.linear.scatter [tilespmem:s24], [sflag:$0x3], $0x3C00, $0x38;
	[tilespmem:$0x1D880] =	vst v63  }
0x3f: {  	_ =	swait.ge [sflag:s25], $0x3C00  }
0x40: {  	[sflag:s25] =	ssyncset.done $0x0  }
0x41: {  	[sflag:s25] =	ssyncadd.s32 $0xFFFFC400  }
0x42: {  	[spmem:s16] =	stream.linear.scatter [tilespmem:s24], [sflag:$0x3], $0x3C00, $0x38;
	[tilespmem:$0x1D880] =	vst v63  }
0x43: {  	_ =	swait.ge [sflag:s25], $0x3C00  }
0x44: {  	[sflag:s25] =	ssyncset.done $0x0  }
0x45: {  	s6 =	simm.s32 @!p0 $0x3800;
	[sflag:s25] =	ssyncadd.s32 $0xFFFFC400  }
0x46: {  	[spmem:s17] =	stream.linear.scatter @!p0 [tilespmem:s6], [sflag:$0x3], $0x3C00, $0x38;
	[tilespmem:$0x1D880] =	vst v63  }
0x47: {  	s6 =	simm.s32 @!p0 $0x3  }
0x48: {  	_ =	swait.ge @!p0 [sflag:s6], $0x3C00  }
0x49: {  	[sflag:s6] =	ssyncset.done @!p0 $0x0  }
0x4a: {  	[sflag:s6] =	ssyncadd.s32 @!p0 $0xFFFFC400;
	s6 =	simm.s32 @!p1 $0x3800  }
0x4b: {  	[spmem:s5] =	stream.linear.scatter @!p1 [tilespmem:s6], [sflag:$0x3], $0x1400, $0x38;
	[tilespmem:$0x1D880] =	vst v63  }
0x4c: {  	s6 =	simm.s32 @!p1 $0x3  }
0x4d: {  	_ =	swait.ge @!p1 [sflag:s6], $0x1400  }
0x4e: {  	[sflag:s6] =	ssyncset.done @!p1 $0x0  }
0x4f: {  	[sflag:s6] =	ssyncadd.s32 @!p1 $0xFFFFEC00  }
0x50: {  	[bflag:$0x0] =	sbarrier.arrive $0xFFFF  }
0x51: {  	s9 =	simm.s32 $0x0;
	s7 =	rddreg [dreg:$0x3]  }
0x52: {  	[tilespmem:s9], [sflag:$0x3] =	stream.linear.gather [hbm4b:s7+s9], $0x1900, $0x38;
	[tilespmem:$0x1D880] =	vst v63  }
0x53: {  	_ =	swait.ge [sflag:s25], $0x1900  }
0x54: {  	[sflag:s25] =	ssyncset.done $0x0  }
0x55: {  	s8 =	rddreg [dreg:$0x4];
	[sflag:s25] =	ssyncadd.s32 $0xFFFFE700  }
0x56: {  	[tilespmem:s26], [sflag:$0x3] =	stream.linear.gather [hbm4b:s8+s9], $0x1900, $0x38;
	[tilespmem:$0x1D880] =	vst v63  }
0x57: {  	_ =	swait.ge [sflag:s25], $0x1900  }
0x58: {  	[sflag:s25] =	ssyncset.done $0x0  }
0x59: {  	s9 =	simm.s32 $0x0;
	[sflag:s25] =	ssyncadd.s32 $0xFFFFE700  }
0x5a: {  	[tilespmem:s24], [sflag:$0x1] =	stream.indirect.gather [hbm4b:s4+s28], $0x80, s9, s28, $0xb8;
	[tilespmem:$0x1D880] =	vst v63  }
0x5b: {  	_ =	swait.ge [sflag:s29], $0x3200  }
0x5c: {  	[sflag:s29] =	ssyncset.done $0x0  }
0x5d: {  	s7 =	simm.s32 $0x1C00;
	[sflag:s29] =	ssyncadd.s32 $0xFFFFCE00  }
0x5e: {  	[spmem:s1] =	stream.indirect.scatter.add.f32 [tilespmem:s24], [sflag:$0x3], $0x80, s7, s28, $0xb8;
	[tilespmem:$0x1D880] =	vst v63  }
0x5f: {  	_ =	swait.ge [sflag:s25], $0x3200  }
0x60: {  	[sflag:s25] =	ssyncset.done $0x0  }
0x61: {  	s8 =	simm.s32 $0x80;
	[sflag:s25] =	ssyncadd.s32 $0xFFFFCE00  }
0x62: {  	[tilespmem:s30], [sflag:$0x2] =	stream.indirect.gather [hbm4b:s4+s28], $0x80, s8, s28, $0xb8;
	[tilespmem:$0x1D880] =	vst v63  }
0x63: {  	_ =	swait.ge [sflag:s31], $0x3200  }
0x64: {  	[sflag:s31] =	ssyncset.done $0x0  }
0x65: {  	s9 =	simm.s32 $0x1C80;
	[sflag:s31] =	ssyncadd.s32 $0xFFFFCE00  }
0x66: {  	[spmem:s1] =	stream.indirect.scatter.add.f32 [tilespmem:s30], [sflag:$0x3], $0x80, s9, s28, $0xb8;
	[tilespmem:$0x1D880] =	vst v63  }
0x67: {  	_ =	swait.ge [sflag:s25], $0x3200  }
0x68: {  	s6 =	simm.s32 $0x400;
	s7 =	simm.s32 $0x800;
	[sflag:s25] =	ssyncset.done $0x0  }
.LBB2_4:
0x69: {  	s8 =	sshra.s32 s6, $0x2  }
0x6a: {  	[sflag:s25] =	ssyncadd.s32 $0xFFFFCE00;
	s6 =	smov.u32 s7;
	s9 =	sadd.s32 $0x400, s7  }
0x6b: {  	[tilespmem:s24], [sflag:$0x1] =	stream.indirect.gather [hbm4b:s4+s28], $0x80, s8, s28, $0xb8;
	[tilespmem:$0x1D880] =	vst v63  }
0x6c: {  	p2 =	sne.s32 s7, $0x6000;
	_ =	swait.ge [sflag:s29], $0x3200  }
0x6d: {  	[sflag:s29] =	ssyncset.done $0x0  }
0x6e: {  	s7 =	sadd.s32 $0x1C00, s8;
	[sflag:s29] =	ssyncadd.s32 $0xFFFFCE00  }
0x6f: {  	[spmem:s1] =	stream.indirect.scatter.add.f32 [tilespmem:s24], [sflag:$0x3], $0x80, s7, s28, $0xb8;
	[tilespmem:$0x1D880] =	vst v63  }
0x70: {  	_ =	swait.ge [sflag:s25], $0x3200  }
0x71: {  	[sflag:s25] =	ssyncset.done $0x0  }
0x72: {  	s7 =	sadd.s32 $0x80, s8;
	[sflag:s25] =	ssyncadd.s32 $0xFFFFCE00  }
0x73: {  	[tilespmem:s30], [sflag:$0x2] =	stream.indirect.gather [hbm4b:s4+s28], $0x80, s7, s28, $0xb8;
	[tilespmem:$0x1D880] =	vst v63  }
0x74: {  	_ =	swait.ge [sflag:s31], $0x3200  }
.Ltmp1:
0x75: {  	[sflag:s31] =	ssyncset.done $0x0;
	(pc) =	sbr.rel @p2 .LBB2_4-.Ltmp1, $4  }
0x76: {  	s7 =	sadd.s32 $0x1C80, s8;
	[sflag:s31] =	ssyncadd.s32 $0xFFFFCE00  }
0x77: {  	[spmem:s1] =	stream.indirect.scatter.add.f32 [tilespmem:s30], [sflag:$0x3], $0x80, s7, s28, $0xb8;
	[tilespmem:$0x1D880] =	vst v63  }
0x78: {  	_ =	swait.ge [sflag:s25], $0x3200  }
0x79: {  	s7 =	smov.u32 s9;
	[sflag:s25] =	ssyncset.done $0x0  }
0x7a: {  	s6 =	sshra.s32 s6, $0x2;
	[sflag:s25] =	ssyncadd.s32 $0xFFFFCE00  }
0x7b: {  	[tilespmem:s24], [sflag:$0x1] =	stream.indirect.gather [hbm4b:s4+s28], $0x80, s6, s28, $0xb8;
	[tilespmem:$0x1D880] =	vst v63  }
0x7c: {  	_ =	swait.ge [sflag:s29], $0x3200  }
0x7d: {  	[sflag:s29] =	ssyncset.done $0x0  }
0x7e: {  	s7 =	sadd.s32 $0x1C00, s6;
	[sflag:s29] =	ssyncadd.s32 $0xFFFFCE00  }
0x7f: {  	[spmem:s1] =	stream.indirect.scatter.add.f32 [tilespmem:s24], [sflag:$0x3], $0x80, s7, s28, $0xb8;
	[tilespmem:$0x1D880] =	vst v63  }
0x80: {  	_ =	swait.ge [sflag:s25], $0x3200  }
0x81: {  	[sflag:s25] =	ssyncset.done $0x0  }
0x82: {  	s8 =	sadd.s32 $0x80, s6;
	[sflag:s25] =	ssyncadd.s32 $0xFFFFCE00  }
0x83: {  	[tilespmem:s30], [sflag:$0x2] =	stream.indirect.gather [hbm4b:s4+s28], $0x80, s8, s28, $0xb8;
	[tilespmem:$0x1D880] =	vst v63  }
0x84: {  	_ =	swait.ge [sflag:s31], $0x3200  }
0x85: {  	[sflag:s31] =	ssyncset.done $0x0  }
0x86: {  	s6 =	sadd.s32 $0x1C80, s6;
	[sflag:s31] =	ssyncadd.s32 $0xFFFFCE00  }
0x87: {  	[spmem:s1] =	stream.indirect.scatter.add.f32 [tilespmem:s30], [sflag:$0x3], $0x80, s6, s28, $0xb8;
	[tilespmem:$0x1D880] =	vst v63  }
0x88: {  	_ =	swait.ge [sflag:s25], $0x3200  }
0x89: {  	[sflag:s25] =	ssyncset.done $0x0  }
0x8a: {  	s6 =	simm.s32 $0x0;
	s9 =	rddreg [dreg:$0x5];
	[sflag:s25] =	ssyncadd.s32 $0xFFFFCE00  }
0x8b: {  	[tilespmem:s6], [sflag:$0x3] =	stream.linear.gather [hbm4b:s9+s6], $0x1900, $0x38;
	[tilespmem:$0x1D880] =	vst v63  }
0x8c: {  	_ =	swait.ge [sflag:s25], $0x1900  }
0x8d: {  	[sflag:s25] =	ssyncset.done $0x0  }
0x8e: {  	s8 =	rddreg [dreg:$0x6];
	[sflag:s25] =	ssyncadd.s32 $0xFFFFE700  }
0x8f: {  	[tilespmem:s26], [sflag:$0x3] =	stream.linear.gather [hbm4b:s8+s6], $0x1900, $0x38;
	[tilespmem:$0x1D880] =	vst v63  }
0x90: {  	_ =	swait.ge [sflag:s25], $0x1900  }
0x91: {  	[sflag:s25] =	ssyncset.done $0x0  }
0x92: {  	s9 =	simm.s32 $0x0;
	[sflag:s25] =	ssyncadd.s32 $0xFFFFE700  }
0x93: {  	[tilespmem:s24], [sflag:$0x1] =	stream.indirect.gather [hbm4b:s4+s28], $0x80, s9, s28, $0xb8;
	[tilespmem:$0x1D880] =	vst v63  }
0x94: {  	_ =	swait.ge [sflag:s29], $0x3200  }
0x95: {  	[sflag:s29] =	ssyncset.done $0x0  }
0x96: {  	s7 =	simm.s32 $0x1C00;
	[sflag:s29] =	ssyncadd.s32 $0xFFFFCE00  }
0x97: {  	[spmem:s1] =	stream.indirect.scatter.add.f32 [tilespmem:s24], [sflag:$0x3], $0x80, s7, s28, $0xb8;
	[tilespmem:$0x1D880] =	vst v63  }
0x98: {  	_ =	swait.ge [sflag:s25], $0x3200  }
0x99: {  	[sflag:s25] =	ssyncset.done $0x0  }
0x9a: {  	s8 =	simm.s32 $0x80;
	[sflag:s25] =	ssyncadd.s32 $0xFFFFCE00  }
0x9b: {  	[tilespmem:s30], [sflag:$0x2] =	stream.indirect.gather [hbm4b:s4+s28], $0x80, s8, s28, $0xb8;
	[tilespmem:$0x1D880] =	vst v63  }
0x9c: {  	_ =	swait.ge [sflag:s31], $0x3200  }
0x9d: {  	[sflag:s31] =	ssyncset.done $0x0  }
0x9e: {  	s9 =	simm.s32 $0x1C80;
	[sflag:s31] =	ssyncadd.s32 $0xFFFFCE00  }
0x9f: {  	[spmem:s1] =	stream.indirect.scatter.add.f32 [tilespmem:s30], [sflag:$0x3], $0x80, s9, s28, $0xb8;
	[tilespmem:$0x1D880] =	vst v63  }
0xa0: {  	_ =	swait.ge [sflag:s25], $0x3200  }
0xa1: {  	s6 =	simm.s32 $0x400;
	s7 =	simm.s32 $0x800;
	[sflag:s25] =	ssyncset.done $0x0  }
.LBB2_6:
0xa2: {  	s8 =	sshra.s32 s6, $0x2  }
0xa3: {  	[sflag:s25] =	ssyncadd.s32 $0xFFFFCE00;
	s6 =	smov.u32 s7;
	s9 =	sadd.s32 $0x400, s7  }
0xa4: {  	[tilespmem:s24], [sflag:$0x1] =	stream.indirect.gather [hbm4b:s4+s28], $0x80, s8, s28, $0xb8;
	[tilespmem:$0x1D880] =	vst v63  }
0xa5: {  	p2 =	sne.s32 s7, $0x6000;
	_ =	swait.ge [sflag:s29], $0x3200  }
0xa6: {  	[sflag:s29] =	ssyncset.done $0x0  }
0xa7: {  	s7 =	sadd.s32 $0x1C00, s8;
	[sflag:s29] =	ssyncadd.s32 $0xFFFFCE00  }
0xa8: {  	[spmem:s1] =	stream.indirect.scatter.add.f32 [tilespmem:s24], [sflag:$0x3], $0x80, s7, s28, $0xb8;
	[tilespmem:$0x1D880] =	vst v63  }
0xa9: {  	_ =	swait.ge [sflag:s25], $0x3200  }
0xaa: {  	[sflag:s25] =	ssyncset.done $0x0  }
0xab: {  	s7 =	sadd.s32 $0x80, s8;
	[sflag:s25] =	ssyncadd.s32 $0xFFFFCE00  }
0xac: {  	[tilespmem:s30], [sflag:$0x2] =	stream.indirect.gather [hbm4b:s4+s28], $0x80, s7, s28, $0xb8;
	[tilespmem:$0x1D880] =	vst v63  }
0xad: {  	_ =	swait.ge [sflag:s31], $0x3200  }
.Ltmp2:
0xae: {  	[sflag:s31] =	ssyncset.done $0x0;
	(pc) =	sbr.rel @p2 .LBB2_6-.Ltmp2, $4  }
0xaf: {  	s7 =	sadd.s32 $0x1C80, s8;
	[sflag:s31] =	ssyncadd.s32 $0xFFFFCE00  }
0xb0: {  	[spmem:s1] =	stream.indirect.scatter.add.f32 [tilespmem:s30], [sflag:$0x3], $0x80, s7, s28, $0xb8;
	[tilespmem:$0x1D880] =	vst v63  }
0xb1: {  	_ =	swait.ge [sflag:s25], $0x3200  }
0xb2: {  	s7 =	smov.u32 s9;
	[sflag:s25] =	ssyncset.done $0x0  }
0xb3: {  	s6 =	sshra.s32 s6, $0x2;
	[sflag:s25] =	ssyncadd.s32 $0xFFFFCE00  }
0xb4: {  	[tilespmem:s24], [sflag:$0x1] =	stream.indirect.gather [hbm4b:s4+s28], $0x80, s6, s28, $0xb8;
	[tilespmem:$0x1D880] =	vst v63  }
0xb5: {  	_ =	swait.ge [sflag:s29], $0x3200  }
0xb6: {  	[sflag:s29] =	ssyncset.done $0x0  }
0xb7: {  	s7 =	sadd.s32 $0x1C00, s6;
	[sflag:s29] =	ssyncadd.s32 $0xFFFFCE00  }
0xb8: {  	[spmem:s1] =	stream.indirect.scatter.add.f32 [tilespmem:s24], [sflag:$0x3], $0x80, s7, s28, $0xb8;
	[tilespmem:$0x1D880] =	vst v63  }
0xb9: {  	_ =	swait.ge [sflag:s25], $0x3200  }
0xba: {  	[sflag:s25] =	ssyncset.done $0x0  }
0xbb: {  	s9 =	sadd.s32 $0x80, s6;
	[sflag:s25] =	ssyncadd.s32 $0xFFFFCE00  }
0xbc: {  	[tilespmem:s30], [sflag:$0x2] =	stream.indirect.gather [hbm4b:s4+s28], $0x80, s9, s28, $0xb8;
	[tilespmem:$0x1D880] =	vst v63  }
0xbd: {  	_ =	swait.ge [sflag:s31], $0x3200  }
0xbe: {  	[sflag:s31] =	ssyncset.done $0x0  }
0xbf: {  	s6 =	sadd.s32 $0x1C80, s6;
	[sflag:s31] =	ssyncadd.s32 $0xFFFFCE00  }
0xc0: {  	[spmem:s1] =	stream.indirect.scatter.add.f32 [tilespmem:s30], [sflag:$0x3], $0x80, s6, s28, $0xb8;
	[tilespmem:$0x1D880] =	vst v63  }
0xc1: {  	_ =	swait.ge [sflag:s25], $0x3200  }
0xc2: {  	[sflag:s25] =	ssyncset.done $0x0  }
0xc3: {  	[sflag:s25] =	ssyncadd.s32 $0xFFFFCE00  }
0xc4: {  	[bflag:$0x0] =	sbarrier.arrive $0xFFFF  }
0xc5: {  	[tilespmem:s24], [sflag:$0x4] =	stream.linear.gather [spmem:s12], $0x3C00, $0x38;
	[tilespmem:$0x1D880] =	vst v63  }
0xc6: {  	_ =	swait.ge [sflag:s0], $0x3C00  }
0xc7: {  	[sflag:s0] =	ssyncset.done $0x0  }
0xc8: {  	[sflag:s0] =	ssyncadd.s32 $0xFFFFC400  }
0xc9: {  	[hbm4b:s18+s2] =	stream.linear.scatter [tilespmem:s24], [sflag:$0x3], $0x3C00, $0x38;
	[tilespmem:$0x1D880] =	vst v63  }
0xca: {  	_ =	swait.ge [sflag:s25], $0x3C00  }
0xcb: {  	[sflag:s25] =	ssyncset.done $0x0  }
0xcc: {  	[sflag:s25] =	ssyncadd.s32 $0xFFFFC400  }
0xcd: {  	[tilespmem:s24], [sflag:$0x4] =	stream.linear.gather [spmem:s13], $0x3C00, $0x38;
	[tilespmem:$0x1D880] =	vst v63  }
0xce: {  	_ =	swait.ge [sflag:s0], $0x3C00  }
0xcf: {  	[sflag:s0] =	ssyncset.done $0x0  }
0xd0: {  	[sflag:s0] =	ssyncadd.s32 $0xFFFFC400  }
0xd1: {  	[hbm4b:s19+s2] =	stream.linear.scatter [tilespmem:s24], [sflag:$0x3], $0x3C00, $0x38;
	[tilespmem:$0x1D880] =	vst v63  }
0xd2: {  	_ =	swait.ge [sflag:s25], $0x3C00  }
0xd3: {  	[sflag:s25] =	ssyncset.done $0x0  }
0xd4: {  	[sflag:s25] =	ssyncadd.s32 $0xFFFFC400  }
0xd5: {  	[tilespmem:s24], [sflag:$0x4] =	stream.linear.gather [spmem:s14], $0x3C00, $0x38;
	[tilespmem:$0x1D880] =	vst v63  }
0xd6: {  	_ =	swait.ge [sflag:s0], $0x3C00  }
0xd7: {  	[sflag:s0] =	ssyncset.done $0x0  }
0xd8: {  	[sflag:s0] =	ssyncadd.s32 $0xFFFFC400  }
0xd9: {  	[hbm4b:s20+s2] =	stream.linear.scatter [tilespmem:s24], [sflag:$0x3], $0x3C00, $0x38;
	[tilespmem:$0x1D880] =	vst v63  }
0xda: {  	_ =	swait.ge [sflag:s25], $0x3C00  }
0xdb: {  	[sflag:s25] =	ssyncset.done $0x0  }
0xdc: {  	[sflag:s25] =	ssyncadd.s32 $0xFFFFC400  }
0xdd: {  	[tilespmem:s24], [sflag:$0x4] =	stream.linear.gather [spmem:s15], $0x3C00, $0x38;
	[tilespmem:$0x1D880] =	vst v63  }
0xde: {  	_ =	swait.ge [sflag:s0], $0x3C00  }
0xdf: {  	[sflag:s0] =	ssyncset.done $0x0  }
0xe0: {  	[sflag:s0] =	ssyncadd.s32 $0xFFFFC400  }
0xe1: {  	[hbm4b:s21+s2] =	stream.linear.scatter [tilespmem:s24], [sflag:$0x3], $0x3C00, $0x38;
	[tilespmem:$0x1D880] =	vst v63  }
0xe2: {  	_ =	swait.ge [sflag:s25], $0x3C00  }
0xe3: {  	[sflag:s25] =	ssyncset.done $0x0  }
0xe4: {  	[sflag:s25] =	ssyncadd.s32 $0xFFFFC400  }
0xe5: {  	[tilespmem:s24], [sflag:$0x4] =	stream.linear.gather [spmem:s16], $0x3C00, $0x38;
	[tilespmem:$0x1D880] =	vst v63  }
0xe6: {  	_ =	swait.ge [sflag:s0], $0x3C00  }
0xe7: {  	[sflag:s0] =	ssyncset.done $0x0  }
0xe8: {  	[sflag:s0] =	ssyncadd.s32 $0xFFFFC400  }
0xe9: {  	[hbm4b:s22+s2] =	stream.linear.scatter [tilespmem:s24], [sflag:$0x3], $0x3C00, $0x38;
	[tilespmem:$0x1D880] =	vst v63  }
0xea: {  	_ =	swait.ge [sflag:s25], $0x3C00  }
0xeb: {  	[sflag:s25] =	ssyncset.done $0x0  }
0xec: {  	s7 =	simm.s32 @!p0 $0x4;
	s6 =	simm.s32 @!p0 $0x3800;
	[sflag:s25] =	ssyncadd.s32 $0xFFFFC400  }
0xed: {  	[tilespmem:s6], [sflag:$0x4] =	stream.linear.gather @!p0 [spmem:s17], $0x3C00, $0x38;
	[tilespmem:$0x1D880] =	vst v63  }
0xee: {  	_ =	swait.ge @!p0 [sflag:s7], $0x3C00  }
0xef: {  	[sflag:s7] =	ssyncset.done @!p0 $0x0  }
0xf0: {  	[sflag:s7] =	ssyncadd.s32 @!p0 $0xFFFFC400;
	s7 =	simm.s32 @!p0 $0x0  }
0xf1: {  	[hbm4b:s23+s7] =	stream.linear.scatter @!p0 [tilespmem:s6], [sflag:$0x3], $0x3C00, $0x38;
	[tilespmem:$0x1D880] =	vst v63  }
0xf2: {  	s6 =	simm.s32 @!p0 $0x3  }
0xf3: {  	_ =	swait.ge @!p0 [sflag:s6], $0x3C00  }
0xf4: {  	[sflag:s6] =	ssyncset.done @!p0 $0x0  }
0xf5: {  	s7 =	simm.s32 @!p1 $0x3;
	[sflag:s6] =	ssyncadd.s32 @!p0 $0xFFFFC400;
	s6 =	simm.s32 @!p1 $0x3800  }
0xf6: {  	[tilespmem:s6], [sflag:$0x3] =	stream.linear.gather @!p1 [spmem:s5], $0x1400, $0x38;
	[tilespmem:$0x1D880] =	vst v63  }
0xf7: {  	s3 =	sadd.s32 $0x1, s3;
	_ =	swait.ge @!p1 [sflag:s7], $0x1400  }
0xf8: {  	p2 =	sne.s32 s3, s11;
	[sflag:s7] =	ssyncset.done @!p1 $0x0  }
.Ltmp3:
0xf9: {  	s8 =	simm.s32 @!p1 $0x0;
	[sflag:s7] =	ssyncadd.s32 @!p1 $0xFFFFEC00;
	(pc) =	sbr.rel @p2 .LBB2_1-.Ltmp3, $4  }
0xfa: {  	[hbm4b:s10+s8] =	stream.linear.scatter @!p1 [tilespmem:s6], [sflag:$0x3], $0x1400, $0x38;
	[tilespmem:$0x1D880] =	vst v63  }
0xfb: {  	_ =	swait.ge @!p1 [sflag:s7], $0x1400  }
0xfc: {  	[sflag:s7] =	ssyncset.done @!p1 $0x0  }
0xfd: {  	[sflag:s7] =	ssyncadd.s32 @!p1 $0xFFFFEC00  }
0xfe: {  	_ =	sfence.sel $0x180000  }
0xff: {  	[bflag:$0x0] =	sbarrier.arrive $0xFFFF  }
0x100: {  	_ =	strace $0x9000004D  }
0x101: {  	s0 =	stileid.u32;
	[bflag:$0x2] =	sbarrier.arrive $0xFFFF  }
0x102: {  	p0 =	sne.s32 s0, $0x0;
	s0 =	rddreg [dreg:$0x2]  }
0x103: {  	s0 =	sadd.s32 @!p0 $0x100000, s0  }
0x104: {  	[sflag:s0] =	ssyncadd.tile.s32 @!p0 $0x1;
	_ =	shalt  }
.Lfunc_end2:
_tile_overlayer_lowered:
.L_overlay_start_2:
0x105: {  	(tag) =	ssettag $0x2  }
0x106: {  	s0 =	rddreg [dreg:$0x0];
	s2 =	stileid.u32  }
0x107: {  	s1 =	rddreg [dreg:$0x1];
	p0 =	sne.s32 s2, $0x0  }
0x108: {  	s3 =	rddreg [dreg:$0x2];
	[bflag:$0x3] =	sbarrier.arrive $0xFFFF;
	s2 =	simm.s32 @!p0 $0x1C03  }
0x109: {  	[timem:s3], [sflag:s2] =	dma.local @!p0 [hbm:s0], s1  }
0x10a: {  	s0 =	simm.s32 @!p0 $0x3  }
0x10b: {  	_ =	swait.ge @!p0 [sflag:s0], s1  }
0x10c: {  	s1 =	ssub.s32 @!p0 $0x0, s1;
	[sflag:s0] =	ssyncset.done @!p0 $0x0  }
0x10d: {  	[sflag:s0] =	ssyncadd.s32 @!p0 s1  }
0x10e: {  	[bflag:$0x3] =	sbarrier.arrive $0xFFFF  }
0x10f: {  	_ =	shalt  }

// kernel: kernel.9.cloned.1.call-start
scs
__scs_entry_jumppad:
0x0: {  	(pc) =	sbr.rel $0x88, $3  }
0x1: {  	(tag) =	ssettag $0x0;
	lr =	simm.s32 $0x1  }
0x2: {  	[smem:$0x3F80] =	sst lr;
	_ =	strace $0xD0000000  }
0x3: {  	_ = 	snop  }
0x4: {  	_ = 	snop  }
0x5: {  	_ = 	snop  }
0x6: {  	_ = 	snop  }
0x7: {  	_ = 	snop  }
__scs_overlays_trampoline_lowered:
0x8: {  	[smem:$0x3F8F] =	sst s0  }
0x9: {  	[smem:$0x3F90] =	sst s1  }
0xa: {  	[smem:$0x3F91] =	sst s2  }
0xb: {  	[smem:$0x3F92] =	sst s3  }
0xc: {  	[smem:$0x3F93] =	sst s4  }
0xd: {  	[smem:$0x3F94] =	sst s5  }
0xe: {  	[smem:$0x3F95] =	sst s6  }
0xf: {  	[smem:$0x3F96] =	sst s7  }
0x10: {  	[smem:$0x3F97] =	sst s8  }
0x11: {  	[smem:$0x3F98] =	sst s9;
	s0 =	simm.s32 @!p0 $0x0  }
0x12: {  	s1 =	sld [smem:$0x3F7E];
	s0 =	simm.s32 @p0 $0x1  }
0x13: {  	[smem:$0x3F99] =	sst s0;
	s0 =	simm.s32 @!p1 $0x0  }
0x14: {  	s2 =	sld [smem:$0x3F7D];
	s0 =	simm.s32 @p1 $0x1  }
0x15: {  	[smem:$0x3F9A] =	sst s0;
	s0 =	simm.s32 @!p2 $0x0  }
0x16: {  	s3 =	sld [smem:$0x3FDB];
	s0 =	simm.s32 @p2 $0x1  }
0x17: {  	s4 =	simm.s32 $0x1BF5;
	[smem:$0x3F9C] =	sst s0  }
0x18: {  	s0 =	sld [smem:$0x3F7F];
	_ =	swait.ge [sflag:s4], $0x0  }
0x19: {  	s7 =	sld [smem:$0x3F80]  }
0x1a: {  	s8 =	sadd.s32 $0xFFFFE003, lr  }
0x1b: {  	s9 =	sadd.s32 $0xFFFFFEF7, lr;
	s5 =	simm.s32 $0xFFFFFFFF;
	p2 =	slt.u32 s8, $0xFFFFF086  }
0x1c: {  	p1 =	slt.u32 s9, $0xF7A;
	s5 =	simm.s32 @!p2 $0x0  }
0x1d: {  	s5 =	simm.s32 @p1 $0x1;
	p0 =	seq.s32 s7, s2  }
0x1e: {  	s7 =	smul.u32 @!p0 $0xF7A, s2;
	p2 =	seq.s32 @!p0 s5, $0x0  }
0x1f: {  	s9 =	smul.u32 $0xF7A, s1;
	s8 =	simm.s32 @!p0 $0x1BF5;
	p2 =	por !p2, p0  }
0x20: {  	[sflag:s8] =	ssyncset.s32 @!p0 $0xFFFFF086;
	s6 =	sadd.s32 @!p0 s3, s7;
	s7 =	simm.s32 @!p0 $0x108  }
0x21: {  	s3 =	sadd.s32 s3, s9;
	s6 =	sadd.s32 @!p0 $0x88, s6;
	s7 =	simm.s32 @p2 $0x1082  }
0x22: {  	[simem:s7], [sflag:s8] =	dma.local @!p0 [hbm:s6], $0xF7A  }
0x23: {  	s9 =	sor.u32 $0xD0000000, s2;
	s6 =	simm.s32 $0x108;
	_ =	swait.ge @!p0 [sflag:s8], $0x0  }
0x24: {  	s3 =	sadd.s32 $0x88, s3;
	s6 =	simm.s32 @!p1 $0x1082;
	[sflag:s4] =	ssyncset.s32 $0xFFFFF086  }
0x25: {  	[simem:s6], [sflag:s4] =	dma.local [hbm:s3], $0xF7A  }
0x26: {  	[smem:$0x3F80] =	sst s1;
	(tag) =	ssettag s2;
	_ =	strace s9  }
0x27: {  	s1 =	sld [smem:$0x3F90]  }
0x28: {  	s2 =	sld [smem:$0x3F91]  }
0x29: {  	s4 =	sld [smem:$0x3F93]  }
0x2a: {  	p0 =	seq.s32 s5, $0x0;
	s5 =	sld [smem:$0x3F94]  }
0x2b: {  	s6 =	sld [smem:$0x3F95]  }
0x2c: {  	s7 =	sld [smem:$0x3F96]  }
0x2d: {  	s3 =	simm.s32 $0x108;
	s8 =	sld [smem:$0x3F97]  }
0x2e: {  	s3 =	simm.s32 @!p0 $0x1082;
	s9 =	sld [smem:$0x3F98]  }
0x2f: {  	lr =	sadd.s32 s0, s3;
	s0 =	sld [smem:$0x3F8F]  }
0x30: {  	s3 =	sld [smem:$0x3F92]  }
0x31: {  	[smem:$0x3F9B] =	sst s10  }
0x32: {  	s10 =	sld [smem:$0x3F99];
	_ =	sdelay $0x3  }
0x33: {  	p0 =	seq.s32 s10, $0x1;
	s10 =	sld [smem:$0x3F9B];
	_ =	sdelay $0x3  }
0x34: {  	[smem:$0x3F9B] =	sst s10  }
0x35: {  	s10 =	sld [smem:$0x3F9A];
	_ =	sdelay $0x3  }
0x36: {  	p1 =	seq.s32 s10, $0x1;
	s10 =	sld [smem:$0x3F9B];
	_ =	sdelay $0x3  }
0x37: {  	[smem:$0x3F9B] =	sst s10  }
0x38: {  	s10 =	sld [smem:$0x3F9C]  }
0x39: {  	_ = 	snop;
	(pc) =	sbr.ind lr, $3  }
0x3a: {  	_ = 	snop  }
0x3b: {  	_ = 	snop  }
0x3c: {  	p2 =	seq.s32 s10, $0x1;
	s10 =	sld [smem:$0x3F9B]  }
0x3d: {  	_ =	shalt  }
0x3e: {  	_ =	shalt  }
0x3f: {  	_ =	shalt  }
0x40: {  	_ =	shalt  }
0x41: {  	_ =	shalt  }
0x42: {  	_ =	shalt  }
0x43: {  	_ =	shalt  }
0x44: {  	_ =	shalt  }
0x45: {  	_ =	shalt  }
0x46: {  	_ =	shalt  }
0x47: {  	_ =	shalt  }
0x48: {  	_ =	shalt  }
0x49: {  	_ =	shalt  }
0x4a: {  	_ =	shalt  }
0x4b: {  	_ =	shalt  }
0x4c: {  	_ =	shalt  }
0x4d: {  	_ =	shalt  }
0x4e: {  	_ =	shalt  }
0x4f: {  	_ =	shalt  }
0x50: {  	_ =	shalt  }
0x51: {  	_ =	shalt  }
0x52: {  	_ =	shalt  }
0x53: {  	_ =	shalt  }
0x54: {  	_ =	shalt  }
0x55: {  	_ =	shalt  }
0x56: {  	_ =	shalt  }
0x57: {  	_ =	shalt  }
0x58: {  	_ =	shalt  }
0x59: {  	_ =	shalt  }
0x5a: {  	_ =	shalt  }
0x5b: {  	_ =	shalt  }
0x5c: {  	_ =	shalt  }
0x5d: {  	_ =	shalt  }
0x5e: {  	_ =	shalt  }
0x5f: {  	_ =	shalt  }
0x60: {  	_ =	shalt  }
0x61: {  	_ =	shalt  }
0x62: {  	_ =	shalt  }
0x63: {  	_ =	shalt  }
0x64: {  	_ =	shalt  }
0x65: {  	_ =	shalt  }
0x66: {  	_ =	shalt  }
0x67: {  	_ =	shalt  }
0x68: {  	_ =	shalt  }
0x69: {  	_ =	shalt  }
0x6a: {  	_ =	shalt  }
0x6b: {  	_ =	shalt  }
0x6c: {  	_ =	shalt  }
0x6d: {  	_ =	shalt  }
0x6e: {  	_ =	shalt  }
0x6f: {  	_ =	shalt  }
0x70: {  	_ =	shalt  }
0x71: {  	_ =	shalt  }
0x72: {  	_ =	shalt  }
0x73: {  	_ =	shalt  }
0x74: {  	_ =	shalt  }
0x75: {  	_ =	shalt  }
0x76: {  	_ =	shalt  }
0x77: {  	_ =	shalt  }
0x78: {  	_ =	shalt  }
0x79: {  	_ =	shalt  }
0x7a: {  	_ =	shalt  }
0x7b: {  	_ =	shalt  }
0x7c: {  	_ =	shalt  }
0x7d: {  	_ =	shalt  }
0x7e: {  	_ =	shalt  }
0x7f: {  	_ =	shalt  }
0x80: {  	_ =	shalt  }
0x81: {  	_ =	shalt  }
0x82: {  	_ =	shalt  }
0x83: {  	_ =	shalt  }
0x84: {  	_ =	shalt  }
0x85: {  	_ =	shalt  }
0x86: {  	_ =	shalt  }
0x87: {  	_ =	shalt  }
.Lfunc_end0:
.L_simem_size_0:
called_computation_lowered:
.L_overlay_start_0:
0x88: {  	s2 =	sld [smem:$0x3FD9]  }
0x89: {  	s3 =	sld [smem:$0x3FFE];
	_ =	sdelay $0x1  }
0x8a: {  	s1 =	srdreg.scid  }
0x8b: {  	s0 =	sand.u32 $0x1, s1  }
0x8c: {  	s16 =	sshll.u32 s0, $0xA;
	s2 =	sadd.s32 s3, s2  }
0x8d: {  	s2 =	sadd.s32 s2, s16  }
0x8e: {  	[smem:$0x3FA7] =	sst s2  }
0x8f: {  	_ = 	snop  }
0x90: {  	(tm) =	ssettm $0x1  }
0x91: {  	s17 =	sld [smem:$0x3FFB];
	_ =	sdelay $0x3  }
0x92: {  	_ =	strace s17  }
0x93: {  	s2 =	sld [smem:$0x3FFC];
	_ =	sdelay $0x3  }
0x94: {  	_ =	strace s2  }
0x95: {  	s2 =	sld [smem:$0x3FFD];
	_ =	sdelay $0x3  }
0x96: {  	_ =	strace s2  }
0x97: {  	_ =	strace $0x8FFFFFFF  }
0x98: {  	s18 =	sld [smem:$0x3FDB];
	_ =	sdelay $0x1  }
0x99: {  	s19 =	simm.s32 $_scs_section_size  }
0x9a: {  	s4 =	simm.s32 $_size__tile_overlayer_lowered;
	s5 =	simm.s32 $_tile_overlayer_lowered  }
0x9b: {  	s22 =	simm.s32 $0x1BFF;
	s21 =	sshll.u32 s5, $0x1;
	s2 =	sadd.s32 s19, s18  }
0x9c: {  	s6 =	simm.s32 $0x0;
	s20 =	sshll.u32 s4, $0x1;
	s4 =	sadd.s32 s21, s2  }
0x9d: {  	[timem:s6], [sflag:s22] =	dma.local [hbm:s4], s20  }
0x9e: {  	_ =	swait.ge [sflag:s22], s20  }
0x9f: {  	s3 =	ssub.s32 $0x0, s20;
	[sflag:s22] =	ssyncset.done $0x0  }
0xa0: {  	[sflag:s22] =	ssyncadd.s32 s3;
	_ =	sdelay $0x1  }
0xa1: {  	s23 =	simm.s32 $0x1B8B  }
0xa2: {  	_ =	swait.ge [sflag:s23], $0x1  }
0xa3: {  	[sflag:s23] =	ssyncset.done $0x0  }
0xa4: {  	s25 =	simm.s32 $0x1B8E;
	s24 =	sld [smem:$0x3FFE];
	[sflag:s23] =	ssyncadd.s32 $0xFFFFFFFF  }
0xa5: {  	s26 =	simm.s32 $execute0_lowered;
	[smem:$0x3FD2] =	sst s25  }
0xa6: {  	s4 =	sshll.u32 s26, $0x1;
	_ =	strace $0x80000046;
	[dreg:$0x1] =	wrdreg $0xFFFFFFFF  }
0xa7: {  	s28 =	simm.s32 $_size_execute0_lowered;
	s2 =	sadd.s32 s2, s4;
	[dreg:$0x0] =	wrdreg $0x0  }
0xa8: {  	s4 =	sshll.u32 s28, $0x1;
	[dreg:$0x2] =	wrdreg s2  }
0xa9: {  	[dreg:$0x3] =	wrdreg s4  }
0xaa: {  	[dreg:$0x4] =	wrdreg $0xC0  }
0xab: {  	_ =	task [dreg:s6], $0x5FFFF  }
0xac: {  	[dreg:$0x1] =	wrdreg $0xFFFFFFFF  }
0xad: {  	[dreg:$0x0] =	wrdreg $0x60  }
0xae: {  	[dreg:$0x2] =	wrdreg s24  }
0xaf: {  	[dreg:$0x3] =	wrdreg $0xA8000  }
0xb0: {  	[dreg:$0x4] =	wrdreg $0x9  }
0xb1: {  	_ =	task.clear_ibuf [dreg:s6], $0x5FFFF;
	_ =	strace $0x90000046  }
0xb2: {  	s29 =	simm.s32 $0x9;
	_ =	strace $0x80000048  }
0xb3: {  	_ =	swait.ge [sflag:s29], $0x1  }
0xb4: {  	[sflag:s29] =	ssyncadd.s32 $0xFFFFFFFF  }
0xb5: {  	_ =	strace $0x90000048  }
0xb6: {  	_ =	sfence  }
0xb7: {  	s30 =	sld [smem:$0x0];
	_ =	sdelay $0x2  }
0xb8: {  	s31 =	sshll.u32 s1, $0xD;
	s1 =	sshrl.u32 s1, $0x2  }
0xb9: {  	s3 =	sand.u32 $0x4000, s31;
	s1 =	sadd.s32 s1, s30  }
0xba: {  	s0 =	sor.u32 s3, s0;
	s1 =	sshll.u32 s1, $0x11  }
0xbb: {  	s0 =	sor.u32 s1, s0  }
0xbc: {  	s0 =	sadd.s32 $0x8F2B, s0  }
0xbd: {  	[sflag:s0] =	ssyncadd.remote.s32 $0x1  }
0xbe: {  	_ =	sfence.sel $0xFFFF  }
0xbf: {  	[dreg:$0x0] =	wrdreg $0xFFFFFFFF;
	(pc) =	sbr.abs _section_cstart, $3  }
0xc0: {  	[dreg:$0x1] =	wrdreg $0xFFFFFFFF  }
0xc1: {  	_ =	task.clear_ibuf [dreg:s6], $0x2FFFF;
	_ =	strace $0x9FFFFFFF  }
0xc2: {  	(tm) =	ssettm $0x7FFFFFFF  }
0xc3: {  	_ =	shalt  }
tec
execute0_lowered:
.L_overlay_start_1:
0x0: {  	(tag) =	ssettag $0x1  }
0x1: {  	s4 =	rddreg [dreg:$0x0];
	s1 =	srdreg.scid  }
0x2: {  	s0 =	stileid.u32;
	s2 =	rddreg [dreg:$0x1];
	s3 =	simm.s32 $0x0  }
0x3: {  	s22 =	simm.s32 $0x2;
	s5 =	sand.u32 $0x1, s1;
	s1 =	rddreg [dreg:$0x2]  }
0x4: {  	s6 =	sshll.u32 s0, $0x1;
	[smem:$0x7FF] =	sst s3;
	s17 =	sadd.s32 $0x14200, s4  }
0x5: {  	s12 =	sshll.u32 s0, $0xE;
	s18 =	sor.u32 $0x40, s0;
	s6 =	sor.u32 s5, s6  }
0x6: {  	_ =	strace $0x80000047;
	s7 =	ssub.s32 $0x2, s5;
	s16 =	smul.u32 $0x138800, s5  }
0x7: {  	s13 =	sor.u32 $0x40000, s12;
	s8 =	sadd.s32 s12, s2;
	s14 =	sor.u32 $0x80000, s12  }
0x8: {  	s15 =	sor.u32 $0xC0000, s12;
	s19 =	sshll.u32 s18, $0xE;
	p0 =	sgt.u32 s18, $0x4D  }
0x9: {  	s18 =	simm.s32 $0x6800;
	s6 =	smul.u32 $0x680, s6;
	s24 =	sshrl.u32 s7, $0x1  }
0xa: {  	s9 =	sadd.s32 s13, s2;
	s10 =	sadd.s32 s14, s2;
	s11 =	sadd.s32 s15, s2  }
0xb: {  	p1 =	sne.s32 @!p0 s0, $0x0;
	s7 =	ssub.s32 s7, s24;
	s25 =	sshrl.u32 s16, $0x3  }
0xc: {  	s20 =	sadd.s32 s16, s12;
	s12 =	sadd.s32 s19, s2;
	s21 =	sadd.s32 s16, s13  }
0xd: {  	s28 =	sadd.s32 s16, s14;
	s30 =	sadd.s32 s16, s15;
	s19 =	sadd.s32 s16, s19  }
0xe: {  	p1 =	por p1, p0;
	s23 =	sadd.s32 s6, s4;
	s4 =	sadd.s32 $0x138000, s2  }
0xf: {  	s6 =	sadd.s32 s17, s25;
	s7 =	smax.u32 s7, $0x1;
	s20 =	sshrl.u32 s20, $0x3  }
0x10: {  	s26 =	sshrl.u32 s21, $0x3;
	s29 =	sshrl.u32 s28, $0x3;
	s31 =	sshrl.u32 s30, $0x3  }
0x11: {  	s19 =	sshrl.u32 s19, $0x3;
	s21 =	simm.s32 $0x3400;
	s5 =	sadd.s32 $0x7200, s23  }
0x12: {  	s6 =	sadd.s32 $0x27000, s6;
	s13 =	sadd.s32 s17, s20;
	s14 =	sadd.s32 s17, s26  }
0x13: {  	s15 =	sadd.s32 s17, s29;
	s16 =	sadd.s32 s17, s31;
	s17 =	sadd.s32 s17, s19  }
0x14: {  	v0 =	vimm.f32 $1.000000000e+00;
	v1 =	vimm.f32 $0.0e+00;
	s19 =	simm.s32 $0x1;
	s20 =	simm.s32 $0x64;
	s23 =	simm.s32 $0x0  }
.LBB2_1:
0x15: {  	s24 =	simm.s32 $0x0  }
.LBB2_2:
0x16: {  	p2 =	sne.s32 s24, $0xC600  }
.Ltmp0:
0x17: {  	_ = 	snop;
	(pc) =	sbr.rel @p2 .LBB2_2-.Ltmp0, $3  }
0x18: {  	_ =	sdelay $0x1  }
0x19: {  	s25 =	sshra.s32 s24, $0x2  }
0x1a: {  	s24 =	sadd.s32 $0x200, s24;
	[tilespmem:s25+$0x3400] =	vst v0  }
0x1b: {  	s24 =	simm.s32 $0x200;
	s25 =	simm.s32 $0x0  }
.LBB2_4:
0x1c: {  	p2 =	sne.s32 s24, $0xFE00;
	[tilespmem:s25+$0x6800] =	vst v1;
	s25 =	smov.u32 s24;
	s24 =	sadd.s32 $0x200, s24  }
.Ltmp1:
0x1d: {  	(pc) =	sbr.rel @p2 .LBB2_4-.Ltmp1, $2  }
0x1e: {  	_ =	sdelay $0x2  }
0x1f: {  	s25 =	sshra.s32 s25, $0x2  }
0x20: {  	[tilespmem:s25+$0x6800] =	vst v1  }
0x21: {  	[spmem:s8] =	stream.linear.scatter [tilespmem:s18], [sflag:$0x1], $0x4000, $0x38;
	[tilespmem:$0xCF10] =	vst v63  }
0x22: {  	_ =	swait.ge [sflag:s19], $0x4000  }
0x23: {  	[sflag:s19] =	ssyncset.done $0x0  }
0x24: {  	[sflag:s19] =	ssyncadd.s32 $0xFFFFC000  }
0x25: {  	[spmem:s9] =	stream.linear.scatter [tilespmem:s18], [sflag:$0x1], $0x4000, $0x38;
	[tilespmem:$0xCF10] =	vst v63  }
0x26: {  	_ =	swait.ge [sflag:s19], $0x4000  }
0x27: {  	[sflag:s19] =	ssyncset.done $0x0  }
0x28: {  	[sflag:s19] =	ssyncadd.s32 $0xFFFFC000  }
0x29: {  	[spmem:s10] =	stream.linear.scatter [tilespmem:s18], [sflag:$0x1], $0x4000, $0x38;
	[tilespmem:$0xCF10] =	vst v63  }
0x2a: {  	_ =	swait.ge [sflag:s19], $0x4000  }
0x2b: {  	[sflag:s19] =	ssyncset.done $0x0  }
0x2c: {  	[sflag:s19] =	ssyncadd.s32 $0xFFFFC000  }
0x2d: {  	[spmem:s11] =	stream.linear.scatter [tilespmem:s18], [sflag:$0x1], $0x4000, $0x38;
	[tilespmem:$0xCF10] =	vst v63  }
0x2e: {  	_ =	swait.ge [sflag:s19], $0x4000  }
0x2f: {  	[sflag:s19] =	ssyncset.done $0x0  }
0x30: {  	s24 =	simm.s32 @!p0 $0x6800;
	[sflag:s19] =	ssyncadd.s32 $0xFFFFC000  }
0x31: {  	[spmem:s12] =	stream.linear.scatter @!p0 [tilespmem:s24], [sflag:$0x1], $0x4000, $0x38;
	[tilespmem:$0xCF10] =	vst v63  }
0x32: {  	s24 =	simm.s32 @!p0 $0x1  }
0x33: {  	_ =	swait.ge @!p0 [sflag:s24], $0x4000  }
0x34: {  	[sflag:s24] =	ssyncset.done @!p0 $0x0  }
0x35: {  	[sflag:s24] =	ssyncadd.s32 @!p0 $0xFFFFC000;
	s24 =	simm.s32 @!p1 $0x6800  }
0x36: {  	[spmem:s4] =	stream.linear.scatter @!p1 [tilespmem:s24], [sflag:$0x1], $0x800, $0x38;
	[tilespmem:$0xCF10] =	vst v63  }
0x37: {  	s24 =	simm.s32 @!p1 $0x1  }
0x38: {  	_ =	swait.ge @!p1 [sflag:s24], $0x800  }
0x39: {  	[sflag:s24] =	ssyncset.done @!p1 $0x0  }
0x3a: {  	[sflag:s24] =	ssyncadd.s32 @!p1 $0xFFFFF800  }
0x3b: {  	s30 =	simm.s32 $0x0;
	[bflag:$0x0] =	sbarrier.arrive $0xFFFF  }
0x3c: {  	[tilespmem:s30], [sflag:$0x1] =	stream.linear.gather [hbm4b:s5+s30], $0x3200, $0x38;
	[tilespmem:$0xCF10] =	vst v63  }
0x3d: {  	_ =	swait.ge [sflag:s19], $0x3200  }
0x3e: {  	[sflag:s19] =	ssyncset.done $0x0  }
0x3f: {  	s31 =	simm.s32 $0x0;
	[sflag:s19] =	ssyncadd.s32 $0xFFFFCE00  }
0x40: {  	[spmem:s2] =	stream.indirect.scatter.add.f32 [tilespmem:s21], [sflag:$0x1], $0x10, s31, s20, $0xb8;
	[tilespmem:$0xCF10] =	vst v63  }
0x41: {  	_ =	swait.ge [sflag:s19], $0x640  }
0x42: {  	s24 =	simm.s32 $0x200;
	[sflag:s19] =	ssyncset.done $0x0  }
.LBB2_6:
0x43: {  	s25 =	sshra.s32 s24, $0x2;
	[sflag:s19] =	ssyncadd.s32 $0xFFFFF9C0;
	p2 =	sne.s32 s24, $0xC600  }
0x44: {  	[spmem:s2] =	stream.indirect.scatter.add.f32 [tilespmem:s21], [sflag:$0x1], $0x10, s25, s20, $0xb8;
	[tilespmem:$0xCF10] =	vst v63  }
.Ltmp2:
0x45: {  	_ = 	snop;
	(pc) =	sbr.rel @p2 .LBB2_6-.Ltmp2, $4  }
0x46: {  	_ = 	snop  }
0x47: {  	s24 =	sadd.s32 $0x200, s24  }
0x48: {  	_ =	swait.ge [sflag:s19], $0x640  }
0x49: {  	[sflag:s19] =	ssyncset.done $0x0  }
0x4a: {  	[sflag:s19] =	ssyncadd.s32 $0xFFFFF9C0  }
0x4b: {  	[bflag:$0x0] =	sbarrier.arrive $0xFFFF  }
0x4c: {  	[tilespmem:s18], [sflag:$0x2] =	stream.linear.gather [spmem:s8], $0x4000, $0x38;
	[tilespmem:$0xCF10] =	vst v63  }
0x4d: {  	_ =	swait.ge [sflag:s22], $0x4000  }
0x4e: {  	[sflag:s22] =	ssyncset.done $0x0  }
0x4f: {  	[sflag:s22] =	ssyncadd.s32 $0xFFFFC000  }
0x50: {  	[hbm4b:s13+s3] =	stream.linear.scatter [tilespmem:s18], [sflag:$0x1], $0x4000, $0x38;
	[tilespmem:$0xCF10] =	vst v63  }
0x51: {  	_ =	swait.ge [sflag:s19], $0x4000  }
0x52: {  	[sflag:s19] =	ssyncset.done $0x0  }
0x53: {  	[sflag:s19] =	ssyncadd.s32 $0xFFFFC000  }
0x54: {  	[tilespmem:s18], [sflag:$0x2] =	stream.linear.gather [spmem:s9], $0x4000, $0x38;
	[tilespmem:$0xCF10] =	vst v63  }
0x55: {  	_ =	swait.ge [sflag:s22], $0x4000  }
0x56: {  	[sflag:s22] =	ssyncset.done $0x0  }
0x57: {  	[sflag:s22] =	ssyncadd.s32 $0xFFFFC000  }
0x58: {  	[hbm4b:s14+s3] =	stream.linear.scatter [tilespmem:s18], [sflag:$0x1], $0x4000, $0x38;
	[tilespmem:$0xCF10] =	vst v63  }
0x59: {  	_ =	swait.ge [sflag:s19], $0x4000  }
0x5a: {  	[sflag:s19] =	ssyncset.done $0x0  }
0x5b: {  	[sflag:s19] =	ssyncadd.s32 $0xFFFFC000  }
0x5c: {  	[tilespmem:s18], [sflag:$0x2] =	stream.linear.gather [spmem:s10], $0x4000, $0x38;
	[tilespmem:$0xCF10] =	vst v63  }
0x5d: {  	_ =	swait.ge [sflag:s22], $0x4000  }
0x5e: {  	[sflag:s22] =	ssyncset.done $0x0  }
0x5f: {  	[sflag:s22] =	ssyncadd.s32 $0xFFFFC000  }
0x60: {  	[hbm4b:s15+s3] =	stream.linear.scatter [tilespmem:s18], [sflag:$0x1], $0x4000, $0x38;
	[tilespmem:$0xCF10] =	vst v63  }
0x61: {  	_ =	swait.ge [sflag:s19], $0x4000  }
0x62: {  	[sflag:s19] =	ssyncset.done $0x0  }
0x63: {  	[sflag:s19] =	ssyncadd.s32 $0xFFFFC000  }
0x64: {  	[tilespmem:s18], [sflag:$0x2] =	stream.linear.gather [spmem:s11], $0x4000, $0x38;
	[tilespmem:$0xCF10] =	vst v63  }
0x65: {  	_ =	swait.ge [sflag:s22], $0x4000  }
0x66: {  	[sflag:s22] =	ssyncset.done $0x0  }
0x67: {  	[sflag:s22] =	ssyncadd.s32 $0xFFFFC000  }
0x68: {  	[hbm4b:s16+s3] =	stream.linear.scatter [tilespmem:s18], [sflag:$0x1], $0x4000, $0x38;
	[tilespmem:$0xCF10] =	vst v63  }
0x69: {  	_ =	swait.ge [sflag:s19], $0x4000  }
0x6a: {  	[sflag:s19] =	ssyncset.done $0x0  }
0x6b: {  	s24 =	simm.s32 @!p0 $0x6800;
	s25 =	simm.s32 @!p0 $0x2;
	[sflag:s19] =	ssyncadd.s32 $0xFFFFC000  }
0x6c: {  	[tilespmem:s24], [sflag:$0x2] =	stream.linear.gather @!p0 [spmem:s12], $0x4000, $0x38;
	[tilespmem:$0xCF10] =	vst v63  }
0x6d: {  	_ =	swait.ge @!p0 [sflag:s25], $0x4000  }
0x6e: {  	[sflag:s25] =	ssyncset.done @!p0 $0x0  }
0x6f: {  	[sflag:s25] =	ssyncadd.s32 @!p0 $0xFFFFC000;
	s25 =	simm.s32 @!p0 $0x0  }
0x70: {  	[hbm4b:s17+s25] =	stream.linear.scatter @!p0 [tilespmem:s24], [sflag:$0x1], $0x4000, $0x38;
	[tilespmem:$0xCF10] =	vst v63  }
0x71: {  	s24 =	simm.s32 @!p0 $0x1  }
0x72: {  	_ =	swait.ge @!p0 [sflag:s24], $0x4000  }
0x73: {  	[sflag:s24] =	ssyncset.done @!p0 $0x0  }
0x74: {  	s25 =	simm.s32 @!p1 $0x1;
	[sflag:s24] =	ssyncadd.s32 @!p0 $0xFFFFC000;
	s24 =	simm.s32 @!p1 $0x6800  }
0x75: {  	[tilespmem:s24], [sflag:$0x1] =	stream.linear.gather @!p1 [spmem:s4], $0x800, $0x38;
	[tilespmem:$0xCF10] =	vst v63  }
0x76: {  	s23 =	sadd.s32 $0x1, s23;
	_ =	swait.ge @!p1 [sflag:s25], $0x800  }
0x77: {  	p2 =	sne.s32 s23, s7;
	[sflag:s25] =	ssyncset.done @!p1 $0x0  }
.Ltmp3:
0x78: {  	s26 =	simm.s32 @!p1 $0x0;
	[sflag:s25] =	ssyncadd.s32 @!p1 $0xFFFFF800;
	(pc) =	sbr.rel @p2 .LBB2_1-.Ltmp3, $4  }
0x79: {  	[hbm4b:s6+s26] =	stream.linear.scatter @!p1 [tilespmem:s24], [sflag:$0x1], $0x800, $0x38;
	[tilespmem:$0xCF10] =	vst v63  }
0x7a: {  	_ =	swait.ge @!p1 [sflag:s25], $0x800  }
0x7b: {  	[sflag:s25] =	ssyncset.done @!p1 $0x0  }
0x7c: {  	[sflag:s25] =	ssyncadd.s32 @!p1 $0xFFFFF800  }
0x7d: {  	_ =	sfence.sel $0x180000  }
0x7e: {  	[bflag:$0x0] =	sbarrier.arrive $0xFFFF  }
0x7f: {  	p0 =	sne.s32 s0, $0x0;
	_ =	strace $0x90000047  }
0x80: {  	s0 =	sadd.s32 @!p0 $0x100000, s1;
	[bflag:$0x2] =	sbarrier.arrive $0xFFFF  }
0x81: {  	[sflag:s0] =	ssyncadd.tile.s32 @!p0 $0x1;
	_ =	shalt  }
.Lfunc_end2:
_tile_overlayer_lowered:
.L_overlay_start_2:
0x82: {  	(tag) =	ssettag $0x2  }
0x83: {  	s0 =	rddreg [dreg:$0x0];
	s2 =	stileid.u32  }
0x84: {  	s1 =	rddreg [dreg:$0x1];
	p0 =	sne.s32 s2, $0x0  }
0x85: {  	s3 =	rddreg [dreg:$0x2];
	[bflag:$0x3] =	sbarrier.arrive $0xFFFF;
	s2 =	simm.s32 @!p0 $0x1C01  }
0x86: {  	[timem:s3], [sflag:s2] =	dma.local @!p0 [hbm:s0], s1  }
0x87: {  	s0 =	simm.s32 @!p0 $0x1  }
0x88: {  	_ =	swait.ge @!p0 [sflag:s0], s1  }
0x89: {  	s1 =	ssub.s32 @!p0 $0x0, s1;
	[sflag:s0] =	ssyncset.done @!p0 $0x0  }
0x8a: {  	[sflag:s0] =	ssyncadd.s32 @!p0 s1  }
0x8b: {  	[bflag:$0x3] =	sbarrier.arrive $0xFFFF  }
0x8c: {  	_ =	shalt  }

</sc_bundles>
